<compile_context>
chip_gen: v7x
topology: tpu7x:2x2x1
jax: 0.10.2.dev20260603
libtpu: 0.0.44.dev20260713+nightly
codegen_flags: <defaults>
</compile_context>

<pallas_src>
import functools

import jax
import jax.numpy as jnp
from jax import lax
from jax.experimental import pallas as pl
from jax.experimental.pallas import tpu as pltpu
from jax.experimental.pallas import tpu_sc as plsc

_NC = 2
_NS = 16
_NW = _NC * _NS
_CH = 64
_F0 = 0.78


def _sc_mesh():
    return plsc.VectorSubcoreMesh(
        core_axis_name="c", subcore_axis_name="s", num_cores=_NC, num_subcores=_NS
    )


def _make_degree_kernel(ept, n_pad, interpret=False):
    @functools.partial(
        pl.kernel,
        out_type=jax.ShapeDtypeStruct((_NW, n_pad), jnp.float32),
        mesh=_sc_mesh(),
        scratch_types=[
            pltpu.VMEM((n_pad,), jnp.float32),
            pltpu.VMEM((ept,), jnp.int32),
        ],
        compiler_params=pltpu.CompilerParams(needs_layout_passes=False),
        interpret=interpret,
    )
    def deg_kernel(dst_hbm, out_hbm, deg_v, idx_v):
        wid = lax.axis_index("s") * _NC + lax.axis_index("c")

        def zero_body(i, _):
            deg_v[pl.ds(i * 16, 16)] = jnp.zeros((16,), jnp.float32)
            return 0

        lax.fori_loop(0, n_pad // 16, zero_body, 0)

        pltpu.sync_copy(dst_hbm.at[pl.ds(wid * ept, ept)], idx_v)

        ones = jnp.ones((16,), jnp.float32)

        def count_body(i, _):
            idx16 = idx_v[pl.ds(i * 16, 16)]
            plsc.addupdate_scatter(deg_v, [idx16], ones)
            return 0

        lax.fori_loop(0, ept // 16, count_body, 0)

        pltpu.sync_copy(deg_v, out_hbm.at[wid])

    return deg_kernel


def _make_edge_kernel(nch_pair, w, acc_rows, nbuf, frac0, interpret=False):
    nch0 = int(round(nch_pair * frac0))
    nch1 = nch_pair - nch0
    rpt = acc_rows // _NS
    k = nbuf - 1
    nidx = nbuf + 3

    @functools.partial(
        pl.kernel,
        out_type=jax.ShapeDtypeStruct((_NC, acc_rows, w), jnp.float32),
        mesh=_sc_mesh(),
        scratch_types=[
            pltpu.VMEM_SHARED((acc_rows, w), jnp.float32),
            pltpu.VMEM((nidx, 2, _CH), jnp.int32),
            pltpu.VMEM((nbuf, _CH, w), jnp.float32),
            pltpu.SemaphoreType.DMA((nidx,)),
            pltpu.SemaphoreType.DMA((nbuf,)),
            pltpu.SemaphoreType.DMA((nbuf,)),
        ],
        compiler_params=pltpu.CompilerParams(
            needs_layout_passes=False,
            use_tc_tiling_on_sc=None if w % 128 == 0 else False,
        ),
        interpret=interpret,
    )
    def edge_kernel(g_hbm, pack_hbm, out_hbm, acc_sh, idx_v, rows_v,
                    sem_i, sem_g, sem_s):
        cid = lax.axis_index("c")
        sid = lax.axis_index("s")
        base_ch = sid * nch_pair + jnp.where(cid == 0, 0, nch0)
        nch = jnp.where(cid == 0, nch0, nch1)

        def zb(i, _):
            r = i // (w // 16)
            col = (i % (w // 16)) * 16
            rows_v[0, r, pl.ds(col, 16)] = jnp.zeros((16,), jnp.float32)
            return 0

        lax.fori_loop(0, _CH * (w // 16), zb, 0)

        def zacc(i, _):
            pltpu.sync_copy(
                rows_v.at[0, pl.ds(0, _CH)],
                acc_sh.at[pl.ds(sid * rpt + i * _CH, _CH)],
            )
            return 0

        lax.fori_loop(0, rpt // _CH, zacc, 0)

        def idx_desc(c):
            q = lax.rem(c, nidx)
            return pltpu.make_async_copy(
                pack_hbm.at[base_ch + c], idx_v.at[q], sem_i.at[q]
            )

        def gather_desc(c):
            q = lax.rem(c, nidx)
            b = lax.rem(c, nbuf)
            return pltpu.make_async_copy(
                g_hbm.at[idx_v.at[q, 0]], rows_v.at[b], sem_g.at[b]
            )

        def scat_desc(c):
            q = lax.rem(c, nidx)
            b = lax.rem(c, nbuf)
            return pltpu.make_async_copy(
                rows_v.at[b], acc_sh.at[idx_v.at[q, 1]], sem_s.at[b]
            )

        def scat_start(c):
            q = lax.rem(c, nidx)
            b = lax.rem(c, nbuf)
            pltpu.async_copy(
                rows_v.at[b], acc_sh.at[idx_v.at[q, 1]], sem_s.at[b], add=True
            )

        for c in range(k + 2):
            idx_desc(c).start()
        for c in range(k):
            idx_desc(c).wait()
            gather_desc(c).start()

        plsc.subcore_barrier()

        def body(c, _):
            gather_desc(c).wait()
            scat_start(c)

            @pl.when(c + k < nch)
            def _():
                idx_desc(c + k).wait()

                @pl.when(c + k + 2 < nch)
                def _():
                    idx_desc(c + k + 2).start()

                @pl.when(c + k >= nbuf)
                def _():
                    scat_desc(c + k - nbuf).wait()

                gather_desc(c + k).start()

            return 0

        lax.fori_loop(0, nch, body, 0)

        def drain(t, _):
            scat_desc(nch - nbuf + t).wait()
            return 0

        lax.fori_loop(0, nbuf, drain, 0)

        plsc.subcore_barrier()

        def cout(i, _):
            r = sid * rpt + i * _CH
            pltpu.sync_copy(acc_sh.at[pl.ds(r, _CH)],
                            rows_v.at[0, pl.ds(0, _CH)])
            pltpu.sync_copy(rows_v.at[0, pl.ds(0, _CH)],
                            out_hbm.at[cid, pl.ds(r, _CH)])
            return 0

        lax.fori_loop(0, rpt // _CH, cout, 0)

    return edge_kernel


def _dis_kernel(degp_ref, out_ref, *, n):
    deg = jnp.sum(degp_ref[...], axis=0)[:n] + 1.0
    out_ref[...] = lax.rsqrt(deg)


def _scale_matmul_kernel(x_ref, dis_ref, w_ref, out_ref):
    prod = jnp.dot(x_ref[...], w_ref[...], preferred_element_type=jnp.float32,
                   precision=lax.Precision.HIGHEST)
    out_ref[...] = dis_ref[...] * prod


def _layer1_combine_kernel(p_ref, g_ref, dis_ref, b_ref, w_ref, out_ref):
    t = p_ref[0] + p_ref[1] + g_ref[...]
    h = jnp.maximum(dis_ref[...] * t + b_ref[...], 0.0)
    prod = jnp.dot(h, w_ref[...], preferred_element_type=jnp.float32,
                   precision=lax.Precision.HIGHEST)
    out_ref[...] = dis_ref[...] * prod


def _layer2_combine_kernel(p_ref, g_ref, dis_ref, b_ref, out_ref):
    t = p_ref[0] + p_ref[1] + g_ref[...]
    out_ref[...] = dis_ref[...] * t + b_ref[...]


def kernel(x, edge_index, W1, b1, W2, b2):
    n, nfeat = x.shape
    nhid = W1.shape[1]
    nclass = W2.shape[1]
    e = edge_index.shape[1]

    src = edge_index[0].astype(jnp.int32)
    dst = edge_index[1].astype(jnp.int32)

    ept = -(-e // (_NW * _CH)) * _CH
    e_pad = ept * _NW
    pad = e_pad - e
    src_p = jnp.concatenate([src, jnp.zeros((pad,), jnp.int32)])
    dst_p = jnp.concatenate([dst, jnp.full((pad,), n, jnp.int32)])
    pack = jnp.stack(
        [src_p.reshape(e_pad // _CH, _CH), dst_p.reshape(e_pad // _CH, _CH)],
        axis=1,
    )
    nch_pair = 2 * (ept // _CH)

    acc_rows = -(-(n + 1) // (_NS * 64)) * (_NS * 64)
    n_hist = -(-(n + 1) // 16) * 16

    deg_parts = _make_degree_kernel(ept, n_hist)(dst_p)
    dis = pl.pallas_call(
        functools.partial(_dis_kernel, n=n),
        out_shape=jax.ShapeDtypeStruct((n,), jnp.float32),
    )(deg_parts)
    dis2 = dis.reshape(n, 1)

    blk = 1000
    grid = (n // blk,)

    def rowspec(width):
        return pl.BlockSpec((blk, width), lambda i: (i, 0))

    dis_spec = pl.BlockSpec((blk, 1), lambda i: (i, 0))

    def fullspec(r, c):
        return pl.BlockSpec((r, c), lambda i: (0, 0))

    g1 = pl.pallas_call(
        _scale_matmul_kernel,
        grid=grid,
        in_specs=[rowspec(nfeat), dis_spec, fullspec(nfeat, nhid)],
        out_specs=rowspec(nhid),
        out_shape=jax.ShapeDtypeStruct((n, nhid), jnp.float32),
    )(x, dis2, W1)

    p1 = _make_edge_kernel(nch_pair, nhid, acc_rows, nbuf=5, frac0=_F0)(g1, pack)

    p1_spec = pl.BlockSpec((_NC, blk, nhid), lambda i: (0, i, 0))
    g2 = pl.pallas_call(
        _layer1_combine_kernel,
        grid=grid,
        in_specs=[p1_spec, rowspec(nhid), dis_spec,
                  pl.BlockSpec((1, nhid), lambda i: (0, 0)),
                  fullspec(nhid, nclass)],
        out_specs=rowspec(nclass),
        out_shape=jax.ShapeDtypeStruct((n, nclass), jnp.float32),
    )(p1, g1, dis2, b1.reshape(1, nhid), W2)

    p2 = _make_edge_kernel(nch_pair, nclass, acc_rows, nbuf=8, frac0=0.78)(g2, pack)

    p2_spec = pl.BlockSpec((_NC, blk, nclass), lambda i: (0, i, 0))
    out = pl.pallas_call(
        _layer2_combine_kernel,
        grid=grid,
        in_specs=[p2_spec, rowspec(nclass), dis_spec,
                  pl.BlockSpec((1, nclass), lambda i: (0, 0))],
        out_specs=rowspec(nclass),
        out_shape=jax.ShapeDtypeStruct((n, nclass), jnp.float32),
    )(p2, g2, dis2, b2.reshape(1, nclass))

    return out

# --- scband reference (transcript-rebuilt; emitter-appended) ---
"""Pipeline reference for scband-gcn-47605417508956 (READ-ONLY COPY).

The authoritative reference and input builder live on the scoring server;
editing this copy changes nothing except your own understanding.
"""

import jax, jax.numpy as jnp
import numpy as np

N_NODES = 10000
NFEAT = 128
NHID = 128
NCLASS = 64
N_EDGES = 320000


def glorot(key, shape):
    lim = float(np.sqrt(6.0 / (shape[0] + shape[1])))
    return jax.random.uniform(key, shape, dtype=jnp.float32, minval=-lim, maxval=lim)


def setup_inputs(seed: int = 0) -> dict:
    key = jax.random.key(seed)
    k1, k2, k3, k4 = jax.random.split(key, 4)
    x = jax.random.normal(k1, (N_NODES, NFEAT), dtype=jnp.float32)
    edge_index = jax.random.randint(k2, (2, N_EDGES), 0, N_NODES, dtype=jnp.int64) if jax.config.read('jax_enable_x64') else jax.random.randint(k2, (2, N_EDGES), 0, N_NODES).astype(jnp.int32)
    W1 = glorot(k3, (NFEAT, NHID))
    b1 = jnp.zeros((NHID,), dtype=jnp.float32)
    W2 = glorot(k4, (NHID, NCLASS))
    b2 = jnp.zeros((NCLASS,), dtype=jnp.float32)
    return {"x": x, "edge_index": edge_index, "W1": W1, "b1": b1, "W2": W2, "b2": b2}


def _gcn_conv(x, src, dst, W, b, n_nodes):
    # GCNConv with self-loops and symmetric normalization (PyG semantics)
    loop = jnp.arange(n_nodes, dtype=src.dtype)
    s = jnp.concatenate([src, loop])
    d = jnp.concatenate([dst, loop])
    ones = jnp.ones(s.shape[0], dtype=x.dtype)
    deg = jnp.zeros((n_nodes,), dtype=x.dtype).at[d].add(ones)
    deg_inv_sqrt = jnp.where(deg > 0, jax.lax.rsqrt(jnp.maximum(deg, 1e-12)), 0.0)
    norm = deg_inv_sqrt[s] * deg_inv_sqrt[d]
    h = x @ W
    msg = jnp.take(h, s, axis=0) * norm[:, None]
    out = jnp.zeros((n_nodes, W.shape[1]), dtype=x.dtype).at[d].add(msg)
    return out + b


def reference(x, edge_index, W1, b1, W2, b2):
    src = edge_index[0]
    dst = edge_index[1]
    n = x.shape[0]
    h = _gcn_conv(x, src, dst, W1, b1, n)
    h = jax.nn.relu(h)
    out = _gcn_conv(h, src, dst, W2, b2, n)
    return out

if __name__ == "__main__":
    import jax
    _d = setup_inputs()
    print(jax.jit(kernel)(*tuple(_d.values())))

</pallas_src>

<mosaic_0001>
#map = affine_map<(d0, d1) -> (0, 0)>
#map1 = affine_map<(d0, d1) -> (0, 0, 0)>
module attributes {stable_mosaic.version = 14 : i64} {
  func.func @edge_kernel(%arg0: i32, %arg1: i32, %arg2: memref<10000x64xf32, #tpu.memory_space<hbm>>, %arg3: memref<5024x2x64xi32, #tpu.memory_space<hbm>>, %arg4: memref<2x10240x64xf32, #tpu.memory_space<hbm>>, %arg5: memref<10240x64xf32, #tpu.memory_space<vmem_shared>>, %arg6: memref<11x2x64xi32, #tpu.memory_space<vmem>>, %arg7: memref<8x64x64xf32, #tpu.memory_space<vmem>>, %arg8: memref<11x!tpu.dma_semaphore, #tpu.memory_space<semaphore_mem>>, %arg9: memref<8x!tpu.dma_semaphore, #tpu.memory_space<semaphore_mem>>, %arg10: memref<8x!tpu.dma_semaphore, #tpu.memory_space<semaphore_mem>>) attributes {dimension_semantics = [#tpu.dimension_semantics<core_parallel>, #tpu.dimension_semantics<subcore_parallel>], iteration_bounds = array<i64: 2, 16>, scalar_prefetch = 0 : i64, scratch_operands = 6 : i64, tpu.core_type = #tpu.core_type<sc_vector_subcore>, window_params = [{transform_indices = #map}, {transform_indices = #map1}, {transform_indices = #map1}]} {
    %mul3A = arith.constant 314 : i32
    %mul3A_0 = arith.muli %arg1, %mul3A : i32
    %eq3A = arith.constant 0 : i32
    %eq3A_1 = arith.cmpi eq, %arg0, %eq3A : i32
    %jit3A = arith.constant 0 : i32
    %jit3A_2 = arith.constant 245 : i32
    %select_n3A = arith.select %eq3A_1, %jit3A, %jit3A_2 : i32
    %add3A = arith.addi %mul3A_0, %select_n3A : i32
    %eq3A_3 = arith.constant 0 : i32
    %eq3A_4 = arith.cmpi eq, %arg0, %eq3A_3 : i32
    %jit3A_5 = arith.constant 245 : i32
    %jit3A_6 = arith.constant 69 : i32
    %select_n3A_7 = arith.select %eq3A_4, %jit3A_5, %jit3A_6 : i32
    %scan3A = arith.constant 0 : i32
    %scan3A_8 = arith.constant 0 : i32
    %scan3A_9 = arith.constant 256 : i32
    %scan3A_10 = arith.addi %scan3A_8, %scan3A_9 : i32
    %scan3A_11 = arith.constant 1 : i32
    %scan3A_12 = scf.for %scan3A_545 = %scan3A_8 to %scan3A_10 step %scan3A_11 iter_args(%scan3A_546 = %scan3A) -> (i32)  : i32 {
      %jit3A_547 = arith.constant 4 : i32
      %div3A = arith.divsi %scan3A_545, %jit3A_547 : i32
      %sign3A = arith.constant 0 : i32
      %sign3A_548 = arith.cmpi sgt, %scan3A_545, %sign3A : i32
      %sign3A_549 = arith.extui %sign3A_548 : i1 to i32
      %sign3A_550 = arith.constant 0 : i32
      %sign3A_551 = arith.cmpi slt, %scan3A_545, %sign3A_550 : i32
      %sign3A_552 = arith.extui %sign3A_551 : i1 to i32
      %sign3A_553 = arith.subi %sign3A_549, %sign3A_552 : i32
      %sign3A_554 = arith.constant 0 : i32
      %sign3A_555 = arith.cmpi sgt, %jit3A_547, %sign3A_554 : i32
      %sign3A_556 = arith.extui %sign3A_555 : i1 to i32
      %sign3A_557 = arith.constant 0 : i32
      %sign3A_558 = arith.cmpi slt, %jit3A_547, %sign3A_557 : i32
      %sign3A_559 = arith.extui %sign3A_558 : i1 to i32
      %sign3A_560 = arith.subi %sign3A_556, %sign3A_559 : i32
      %ne3A = arith.cmpi ne, %sign3A_553, %sign3A_560 : i32
      %rem3A_561 = arith.remsi %scan3A_545, %jit3A_547 : i32
      %ne3A_562 = arith.constant 0 : i32
      %ne3A_563 = arith.cmpi ne, %rem3A_561, %ne3A_562 : i32
      %and3A = arith.andi %ne3A, %ne3A_563 : i1
      %sub3A = arith.constant 1 : i32
      %sub3A_564 = arith.subi %div3A, %sub3A : i32
      %select_n3A_565 = arith.select %and3A, %sub3A_564, %div3A : i32
      %jit3A_566 = arith.constant 4 : i32
      %eq3A_567 = arith.constant 0 : i32
      %eq3A_568 = arith.cmpi eq, %jit3A_566, %eq3A_567 : i32
      %jit3A_569 = arith.constant 1 : i32
      %select_n3A_570 = arith.select %eq3A_568, %jit3A_569, %jit3A_566 : i32
      %rem3A_571 = arith.remsi %scan3A_545, %select_n3A_570 : i32
      %ne3A_572 = arith.constant 0 : i32
      %ne3A_573 = arith.cmpi ne, %rem3A_571, %ne3A_572 : i32
      %lt3A = arith.constant 0 : i32
      %lt3A_574 = arith.cmpi slt, %rem3A_571, %lt3A : i32
      %lt3A_575 = arith.constant 0 : i32
      %lt3A_576 = arith.cmpi slt, %select_n3A_570, %lt3A_575 : i32
      %ne3A_577 = arith.xori %lt3A_574, %lt3A_576 : i1
      %and3A_578 = arith.andi %ne3A_577, %ne3A_573 : i1
      %add3A_579 = arith.addi %rem3A_571, %select_n3A_570 : i32
      %select_n3A_580 = arith.select %and3A_578, %add3A_579, %rem3A_571 : i32
      %mul3A_581 = arith.constant 16 : i32
      %mul3A_582 = arith.muli %select_n3A_580, %mul3A_581 : i32
      %broadcast_in_dim3A = arith.constant 0.000000e+00 : f32
      %broadcast_in_dim3A_583 = vector.broadcast %broadcast_in_dim3A : f32 to vector<16xf32>
      %swap3A = arith.constant 0 : i32
      %swap3A_584 = arith.index_cast %swap3A : i32 to index
      %swap3A_585 = arith.index_cast %select_n3A_565 : i32 to index
      %swap3A_586 = arith.index_cast %mul3A_582 : i32 to index
      %swap3A_587 = tpu.vector_load %arg7[%swap3A_584, %swap3A_585, %swap3A_586] {strides = array<i32>} : memref<8x64x64xf32, #tpu.memory_space<vmem>>, vector<16xf32>,
      tpu.vector_store %arg7[%swap3A_584, %swap3A_585, %swap3A_586], %broadcast_in_dim3A_583 {strides = array<i32>} : memref<8x64x64xf32, #tpu.memory_space<vmem>>, vector<16xf32>,
      %scan3A_588 = arith.constant 0 : i32
      scf.yield %scan3A_588 : i32
    }
    %scan3A_13 = arith.constant 256 : i32
    %scan3A_14 = arith.constant 0 : i32
    %scan3A_15 = arith.constant 0 : i32
    %scan3A_16 = arith.constant 10 : i32
    %scan3A_17 = arith.addi %scan3A_15, %scan3A_16 : i32
    %scan3A_18 = arith.constant 1 : i32
    %scan3A_19 = scf.for %scan3A_545 = %scan3A_15 to %scan3A_17 step %scan3A_18 iter_args(%scan3A_546 = %scan3A_14) -> (i32)  : i32 {
      %mul3A_547 = arith.constant 640 : i32
      %mul3A_548 = arith.muli %arg1, %mul3A_547 : i32
      %mul3A_549 = arith.constant 64 : i32
      %mul3A_550 = arith.muli %scan3A_545, %mul3A_549 : i32
      %add3A_551 = arith.addi %mul3A_548, %mul3A_550 : i32
      %run_scoped3A = arith.constant 0 : i32
      "tpu.region"() ({
        %run_scoped3A_553 = tpu.sem_alloc : memref<!tpu.dma_semaphore, #tpu.memory_space<semaphore_mem>>
        %dma_start3A_554 = arith.constant 0 : i32
        %dma_start3A_555 = arith.constant 0 : i32
        %dma_start3A_556 = tpu.memref_slice %arg7[%run_scoped3A, %dma_start3A_554, %dma_start3A_555] : memref<8x64x64xf32, #tpu.memory_space<vmem>> -> memref<1x64x64xf32, #tpu.memory_space<vmem>>
        %dma_start3A_557 = tpu.memref_squeeze %dma_start3A_556 : memref<1x64x64xf32, #tpu.memory_space<vmem>> -> memref<64x64xf32, #tpu.memory_space<vmem>>
        %dma_start3A_558 = arith.constant 0 : i32
        %dma_start3A_559 = tpu.memref_slice %arg5[%add3A_551, %dma_start3A_558] : memref<10240x64xf32, #tpu.memory_space<vmem_shared>> -> memref<64x64xf32, #tpu.memory_space<vmem_shared>>
        %dma_start3A_560 = arith.constant 0 : i32
        %dma_start3A_561 = tpu.memref_slice %arg5[%add3A_551, %dma_start3A_560] : memref<10240x64xf32, #tpu.memory_space<vmem_shared>> -> memref<64x64xf32, #tpu.memory_space<vmem_shared>>
        %dma_start3A_562 = arith.constant 0 : i32
        %dma_start3A_563 = arith.constant 0 : i32
        %dma_start3A_564 = tpu.memref_slice %arg7[%run_scoped3A, %dma_start3A_562, %dma_start3A_563] : memref<8x64x64xf32, #tpu.memory_space<vmem>> -> memref<1x64x64xf32, #tpu.memory_space<vmem>>
        %dma_start3A_565 = tpu.memref_squeeze %dma_start3A_564 : memref<1x64x64xf32, #tpu.memory_space<vmem>> -> memref<64x64xf32, #tpu.memory_space<vmem>>
        tpu.enqueue_dma source(%dma_start3A_565 : memref<64x64xf32, #tpu.memory_space<vmem>>) target(%dma_start3A_561 : memref<64x64xf32, #tpu.memory_space<vmem_shared>>) target_semaphore(%run_scoped3A_553 : memref<!tpu.dma_semaphore, #tpu.memory_space<semaphore_mem>>)
        %dma_wait3A_566 = arith.constant 0 : i32
        %dma_wait3A_567 = arith.constant 0 : i32
        %dma_wait3A_568 = tpu.memref_slice %arg7[%run_scoped3A, %dma_wait3A_566, %dma_wait3A_567] : memref<8x64x64xf32, #tpu.memory_space<vmem>> -> memref<1x64x64xf32, #tpu.memory_space<vmem>>
        %dma_wait3A_569 = tpu.memref_squeeze %dma_wait3A_568 : memref<1x64x64xf32, #tpu.memory_space<vmem>> -> memref<64x64xf32, #tpu.memory_space<vmem>>
        %dma_wait3A_570 = arith.constant 0 : i32
        %dma_wait3A_571 = tpu.memref_slice %arg5[%add3A_551, %dma_wait3A_570] : memref<10240x64xf32, #tpu.memory_space<vmem_shared>> -> memref<64x64xf32, #tpu.memory_space<vmem_shared>>
        %dma_wait3A_572 = arith.constant 0 : i32
        %dma_wait3A_573 = tpu.memref_slice %arg5[%add3A_551, %dma_wait3A_572] : memref<10240x64xf32, #tpu.memory_space<vmem_shared>> -> memref<64x64xf32, #tpu.memory_space<vmem_shared>>
        %dma_wait3A_574 = arith.constant 0 : i32
        %dma_wait3A_575 = arith.constant 0 : i32
        %dma_wait3A_576 = tpu.memref_slice %arg7[%run_scoped3A, %dma_wait3A_574, %dma_wait3A_575] : memref<8x64x64xf32, #tpu.memory_space<vmem>> -> memref<1x64x64xf32, #tpu.memory_space<vmem>>
        %dma_wait3A_577 = tpu.memref_squeeze %dma_wait3A_576 : memref<1x64x64xf32, #tpu.memory_space<vmem>> -> memref<64x64xf32, #tpu.memory_space<vmem>>
        tpu.wait_dma2 semaphore(%run_scoped3A_553 : memref<!tpu.dma_semaphore, #tpu.memory_space<semaphore_mem>>) src(%dma_wait3A_577 : memref<64x64xf32, #tpu.memory_space<vmem>>) dst(%dma_wait3A_573 : memref<64x64xf32, #tpu.memory_space<vmem_shared>>)
        tpu.yield
      }) : () -> ()
      %scan3A_552 = arith.constant 0 : i32
      scf.yield %scan3A_552 : i32
    }
    %scan3A_20 = arith.constant 10 : i32
    %rem3A = arith.constant 0 : i32
    %rem3A_21 = arith.constant 11 : i32
    %rem3A_22 = arith.remsi %rem3A, %rem3A_21 : i32
    %add3A_23 = arith.constant 0 : i32
    %add3A_24 = arith.addi %add3A, %add3A_23 : i32
    %dma_start3A = arith.constant 0 : i32
    %dma_start3A_25 = arith.constant 0 : i32
    %dma_start3A_26 = tpu.memref_slice %arg6[%rem3A_22, %dma_start3A, %dma_start3A_25] : memref<11x2x64xi32, #tpu.memory_space<vmem>> -> memref<1x2x64xi32, #tpu.memory_space<vmem>>
    %dma_start3A_27 = tpu.memref_squeeze %dma_start3A_26 : memref<1x2x64xi32, #tpu.memory_space<vmem>> -> memref<2x64xi32, #tpu.memory_space<vmem>>
    %dma_start3A_28 = arith.constant 0 : i32
    %dma_start3A_29 = arith.constant 0 : i32
    %dma_start3A_30 = tpu.memref_slice %arg3[%add3A_24, %dma_start3A_28, %dma_start3A_29] : memref<5024x2x64xi32, #tpu.memory_space<hbm>> -> memref<1x2x64xi32, #tpu.memory_space<hbm>>
    %dma_start3A_31 = tpu.memref_squeeze %dma_start3A_30 : memref<1x2x64xi32, #tpu.memory_space<hbm>> -> memref<2x64xi32, #tpu.memory_space<hbm>>
    %dma_start3A_32 = tpu.memref_slice %arg8[%rem3A_22] : memref<11x!tpu.dma_semaphore, #tpu.memory_space<semaphore_mem>> -> memref<1x!tpu.dma_semaphore, #tpu.memory_space<semaphore_mem>>
    %dma_start3A_33 = tpu.memref_squeeze %dma_start3A_32 : memref<1x!tpu.dma_semaphore, #tpu.memory_space<semaphore_mem>> -> memref<!tpu.dma_semaphore, #tpu.memory_space<semaphore_mem>>
    %dma_start3A_34 = arith.constant 0 : i32
    %dma_start3A_35 = arith.constant 0 : i32
    %dma_start3A_36 = tpu.memref_slice %arg6[%rem3A_22, %dma_start3A_34, %dma_start3A_35] : memref<11x2x64xi32, #tpu.memory_space<vmem>> -> memref<1x2x64xi32, #tpu.memory_space<vmem>>
    %dma_start3A_37 = tpu.memref_squeeze %dma_start3A_36 : memref<1x2x64xi32, #tpu.memory_space<vmem>> -> memref<2x64xi32, #tpu.memory_space<vmem>>
    %dma_start3A_38 = arith.constant 0 : i32
    %dma_start3A_39 = arith.constant 0 : i32
    %dma_start3A_40 = tpu.memref_slice %arg3[%add3A_24, %dma_start3A_38, %dma_start3A_39] : memref<5024x2x64xi32, #tpu.memory_space<hbm>> -> memref<1x2x64xi32, #tpu.memory_space<hbm>>
    %dma_start3A_41 = tpu.memref_squeeze %dma_start3A_40 : memref<1x2x64xi32, #tpu.memory_space<hbm>> -> memref<2x64xi32, #tpu.memory_space<hbm>>
    tpu.enqueue_dma source(%dma_start3A_41 : memref<2x64xi32, #tpu.memory_space<hbm>>) target(%dma_start3A_37 : memref<2x64xi32, #tpu.memory_space<vmem>>) target_semaphore(%dma_start3A_33 : memref<!tpu.dma_semaphore, #tpu.memory_space<semaphore_mem>>)
    %rem3A_42 = arith.constant 1 : i32
    %rem3A_43 = arith.constant 11 : i32
    %rem3A_44 = arith.remsi %rem3A_42, %rem3A_43 : i32
    %add3A_45 = arith.constant 1 : i32
    %add3A_46 = arith.addi %add3A, %add3A_45 : i32
    %dma_start3A_47 = arith.constant 0 : i32
    %dma_start3A_48 = arith.constant 0 : i32
    %dma_start3A_49 = tpu.memref_slice %arg6[%rem3A_44, %dma_start3A_47, %dma_start3A_48] : memref<11x2x64xi32, #tpu.memory_space<vmem>> -> memref<1x2x64xi32, #tpu.memory_space<vmem>>
    %dma_start3A_50 = tpu.memref_squeeze %dma_start3A_49 : memref<1x2x64xi32, #tpu.memory_space<vmem>> -> memref<2x64xi32, #tpu.memory_space<vmem>>
    %dma_start3A_51 = arith.constant 0 : i32
    %dma_start3A_52 = arith.constant 0 : i32
    %dma_start3A_53 = tpu.memref_slice %arg3[%add3A_46, %dma_start3A_51, %dma_start3A_52] : memref<5024x2x64xi32, #tpu.memory_space<hbm>> -> memref<1x2x64xi32, #tpu.memory_space<hbm>>
    %dma_start3A_54 = tpu.memref_squeeze %dma_start3A_53 : memref<1x2x64xi32, #tpu.memory_space<hbm>> -> memref<2x64xi32, #tpu.memory_space<hbm>>
    %dma_start3A_55 = tpu.memref_slice %arg8[%rem3A_44] : memref<11x!tpu.dma_semaphore, #tpu.memory_space<semaphore_mem>> -> memref<1x!tpu.dma_semaphore, #tpu.memory_space<semaphore_mem>>
    %dma_start3A_56 = tpu.memref_squeeze %dma_start3A_55 : memref<1x!tpu.dma_semaphore, #tpu.memory_space<semaphore_mem>> -> memref<!tpu.dma_semaphore, #tpu.memory_space<semaphore_mem>>
    %dma_start3A_57 = arith.constant 0 : i32
    %dma_start3A_58 = arith.constant 0 : i32
    %dma_start3A_59 = tpu.memref_slice %arg6[%rem3A_44, %dma_start3A_57, %dma_start3A_58] : memref<11x2x64xi32, #tpu.memory_space<vmem>> -> memref<1x2x64xi32, #tpu.memory_space<vmem>>
    %dma_start3A_60 = tpu.memref_squeeze %dma_start3A_59 : memref<1x2x64xi32, #tpu.memory_space<vmem>> -> memref<2x64xi32, #tpu.memory_space<vmem>>
    %dma_start3A_61 = arith.constant 0 : i32
    %dma_start3A_62 = arith.constant 0 : i32
    %dma_start3A_63 = tpu.memref_slice %arg3[%add3A_46, %dma_start3A_61, %dma_start3A_62] : memref<5024x2x64xi32, #tpu.memory_space<hbm>> -> memref<1x2x64xi32, #tpu.memory_space<hbm>>
    %dma_start3A_64 = tpu.memref_squeeze %dma_start3A_63 : memref<1x2x64xi32, #tpu.memory_space<hbm>> -> memref<2x64xi32, #tpu.memory_space<hbm>>
    tpu.enqueue_dma source(%dma_start3A_64 : memref<2x64xi32, #tpu.memory_space<hbm>>) target(%dma_start3A_60 : memref<2x64xi32, #tpu.memory_space<vmem>>) target_semaphore(%dma_start3A_56 : memref<!tpu.dma_semaphore, #tpu.memory_space<semaphore_mem>>)
    %rem3A_65 = arith.constant 2 : i32
    %rem3A_66 = arith.constant 11 : i32
    %rem3A_67 = arith.remsi %rem3A_65, %rem3A_66 : i32
    %add3A_68 = arith.constant 2 : i32
    %add3A_69 = arith.addi %add3A, %add3A_68 : i32
    %dma_start3A_70 = arith.constant 0 : i32
    %dma_start3A_71 = arith.constant 0 : i32
    %dma_start3A_72 = tpu.memref_slice %arg6[%rem3A_67, %dma_start3A_70, %dma_start3A_71] : memref<11x2x64xi32, #tpu.memory_space<vmem>> -> memref<1x2x64xi32, #tpu.memory_space<vmem>>
    %dma_start3A_73 = tpu.memref_squeeze %dma_start3A_72 : memref<1x2x64xi32, #tpu.memory_space<vmem>> -> memref<2x64xi32, #tpu.memory_space<vmem>>
    %dma_start3A_74 = arith.constant 0 : i32
    %dma_start3A_75 = arith.constant 0 : i32
    %dma_start3A_76 = tpu.memref_slice %arg3[%add3A_69, %dma_start3A_74, %dma_start3A_75] : memref<5024x2x64xi32, #tpu.memory_space<hbm>> -> memref<1x2x64xi32, #tpu.memory_space<hbm>>
    %dma_start3A_77 = tpu.memref_squeeze %dma_start3A_76 : memref<1x2x64xi32, #tpu.memory_space<hbm>> -> memref<2x64xi32, #tpu.memory_space<hbm>>
    %dma_start3A_78 = tpu.memref_slice %arg8[%rem3A_67] : memref<11x!tpu.dma_semaphore, #tpu.memory_space<semaphore_mem>> -> memref<1x!tpu.dma_semaphore, #tpu.memory_space<semaphore_mem>>
    %dma_start3A_79 = tpu.memref_squeeze %dma_start3A_78 : memref<1x!tpu.dma_semaphore, #tpu.memory_space<semaphore_mem>> -> memref<!tpu.dma_semaphore, #tpu.memory_space<semaphore_mem>>
    %dma_start3A_80 = arith.constant 0 : i32
    %dma_start3A_81 = arith.constant 0 : i32
    %dma_start3A_82 = tpu.memref_slice %arg6[%rem3A_67, %dma_start3A_80, %dma_start3A_81] : memref<11x2x64xi32, #tpu.memory_space<vmem>> -> memref<1x2x64xi32, #tpu.memory_space<vmem>>
    %dma_start3A_83 = tpu.memref_squeeze %dma_start3A_82 : memref<1x2x64xi32, #tpu.memory_space<vmem>> -> memref<2x64xi32, #tpu.memory_space<vmem>>
    %dma_start3A_84 = arith.constant 0 : i32
    %dma_start3A_85 = arith.constant 0 : i32
    %dma_start3A_86 = tpu.memref_slice %arg3[%add3A_69, %dma_start3A_84, %dma_start3A_85] : memref<5024x2x64xi32, #tpu.memory_space<hbm>> -> memref<1x2x64xi32, #tpu.memory_space<hbm>>
    %dma_start3A_87 = tpu.memref_squeeze %dma_start3A_86 : memref<1x2x64xi32, #tpu.memory_space<hbm>> -> memref<2x64xi32, #tpu.memory_space<hbm>>
    tpu.enqueue_dma source(%dma_start3A_87 : memref<2x64xi32, #tpu.memory_space<hbm>>) target(%dma_start3A_83 : memref<2x64xi32, #tpu.memory_space<vmem>>) target_semaphore(%dma_start3A_79 : memref<!tpu.dma_semaphore, #tpu.memory_space<semaphore_mem>>)
    %rem3A_88 = arith.constant 3 : i32
    %rem3A_89 = arith.constant 11 : i32
    %rem3A_90 = arith.remsi %rem3A_88, %rem3A_89 : i32
    %add3A_91 = arith.constant 3 : i32
    %add3A_92 = arith.addi %add3A, %add3A_91 : i32
    %dma_start3A_93 = arith.constant 0 : i32
    %dma_start3A_94 = arith.constant 0 : i32
    %dma_start3A_95 = tpu.memref_slice %arg6[%rem3A_90, %dma_start3A_93, %dma_start3A_94] : memref<11x2x64xi32, #tpu.memory_space<vmem>> -> memref<1x2x64xi32, #tpu.memory_space<vmem>>
    %dma_start3A_96 = tpu.memref_squeeze %dma_start3A_95 : memref<1x2x64xi32, #tpu.memory_space<vmem>> -> memref<2x64xi32, #tpu.memory_space<vmem>>
    %dma_start3A_97 = arith.constant 0 : i32
    %dma_start3A_98 = arith.constant 0 : i32
    %dma_start3A_99 = tpu.memref_slice %arg3[%add3A_92, %dma_start3A_97, %dma_start3A_98] : memref<5024x2x64xi32, #tpu.memory_space<hbm>> -> memref<1x2x64xi32, #tpu.memory_space<hbm>>
    %dma_start3A_100 = tpu.memref_squeeze %dma_start3A_99 : memref<1x2x64xi32, #tpu.memory_space<hbm>> -> memref<2x64xi32, #tpu.memory_space<hbm>>
    %dma_start3A_101 = tpu.memref_slice %arg8[%rem3A_90] : memref<11x!tpu.dma_semaphore, #tpu.memory_space<semaphore_mem>> -> memref<1x!tpu.dma_semaphore, #tpu.memory_space<semaphore_mem>>
    %dma_start3A_102 = tpu.memref_squeeze %dma_start3A_101 : memref<1x!tpu.dma_semaphore, #tpu.memory_space<semaphore_mem>> -> memref<!tpu.dma_semaphore, #tpu.memory_space<semaphore_mem>>
    %dma_start3A_103 = arith.constant 0 : i32
    %dma_start3A_104 = arith.constant 0 : i32
    %dma_start3A_105 = tpu.memref_slice %arg6[%rem3A_90, %dma_start3A_103, %dma_start3A_104] : memref<11x2x64xi32, #tpu.memory_space<vmem>> -> memref<1x2x64xi32, #tpu.memory_space<vmem>>
    %dma_start3A_106 = tpu.memref_squeeze %dma_start3A_105 : memref<1x2x64xi32, #tpu.memory_space<vmem>> -> memref<2x64xi32, #tpu.memory_space<vmem>>
    %dma_start3A_107 = arith.constant 0 : i32
    %dma_start3A_108 = arith.constant 0 : i32
    %dma_start3A_109 = tpu.memref_slice %arg3[%add3A_92, %dma_start3A_107, %dma_start3A_108] : memref<5024x2x64xi32, #tpu.memory_space<hbm>> -> memref<1x2x64xi32, #tpu.memory_space<hbm>>
    %dma_start3A_110 = tpu.memref_squeeze %dma_start3A_109 : memref<1x2x64xi32, #tpu.memory_space<hbm>> -> memref<2x64xi32, #tpu.memory_space<hbm>>
    tpu.enqueue_dma source(%dma_start3A_110 : memref<2x64xi32, #tpu.memory_space<hbm>>) target(%dma_start3A_106 : memref<2x64xi32, #tpu.memory_space<vmem>>) target_semaphore(%dma_start3A_102 : memref<!tpu.dma_semaphore, #tpu.memory_space<semaphore_mem>>)
    %rem3A_111 = arith.constant 4 : i32
    %rem3A_112 = arith.constant 11 : i32
    %rem3A_113 = arith.remsi %rem3A_111, %rem3A_112 : i32
    %add3A_114 = arith.constant 4 : i32
    %add3A_115 = arith.addi %add3A, %add3A_114 : i32
    %dma_start3A_116 = arith.constant 0 : i32
    %dma_start3A_117 = arith.constant 0 : i32
    %dma_start3A_118 = tpu.memref_slice %arg6[%rem3A_113, %dma_start3A_116, %dma_start3A_117] : memref<11x2x64xi32, #tpu.memory_space<vmem>> -> memref<1x2x64xi32, #tpu.memory_space<vmem>>
    %dma_start3A_119 = tpu.memref_squeeze %dma_start3A_118 : memref<1x2x64xi32, #tpu.memory_space<vmem>> -> memref<2x64xi32, #tpu.memory_space<vmem>>
    %dma_start3A_120 = arith.constant 0 : i32
    %dma_start3A_121 = arith.constant 0 : i32
    %dma_start3A_122 = tpu.memref_slice %arg3[%add3A_115, %dma_start3A_120, %dma_start3A_121] : memref<5024x2x64xi32, #tpu.memory_space<hbm>> -> memref<1x2x64xi32, #tpu.memory_space<hbm>>
    %dma_start3A_123 = tpu.memref_squeeze %dma_start3A_122 : memref<1x2x64xi32, #tpu.memory_space<hbm>> -> memref<2x64xi32, #tpu.memory_space<hbm>>
    %dma_start3A_124 = tpu.memref_slice %arg8[%rem3A_113] : memref<11x!tpu.dma_semaphore, #tpu.memory_space<semaphore_mem>> -> memref<1x!tpu.dma_semaphore, #tpu.memory_space<semaphore_mem>>
    %dma_start3A_125 = tpu.memref_squeeze %dma_start3A_124 : memref<1x!tpu.dma_semaphore, #tpu.memory_space<semaphore_mem>> -> memref<!tpu.dma_semaphore, #tpu.memory_space<semaphore_mem>>
    %dma_start3A_126 = arith.constant 0 : i32
    %dma_start3A_127 = arith.constant 0 : i32
    %dma_start3A_128 = tpu.memref_slice %arg6[%rem3A_113, %dma_start3A_126, %dma_start3A_127] : memref<11x2x64xi32, #tpu.memory_space<vmem>> -> memref<1x2x64xi32, #tpu.memory_space<vmem>>
    %dma_start3A_129 = tpu.memref_squeeze %dma_start3A_128 : memref<1x2x64xi32, #tpu.memory_space<vmem>> -> memref<2x64xi32, #tpu.memory_space<vmem>>
    %dma_start3A_130 = arith.constant 0 : i32
    %dma_start3A_131 = arith.constant 0 : i32
    %dma_start3A_132 = tpu.memref_slice %arg3[%add3A_115, %dma_start3A_130, %dma_start3A_131] : memref<5024x2x64xi32, #tpu.memory_space<hbm>> -> memref<1x2x64xi32, #tpu.memory_space<hbm>>
    %dma_start3A_133 = tpu.memref_squeeze %dma_start3A_132 : memref<1x2x64xi32, #tpu.memory_space<hbm>> -> memref<2x64xi32, #tpu.memory_space<hbm>>
    tpu.enqueue_dma source(%dma_start3A_133 : memref<2x64xi32, #tpu.memory_space<hbm>>) target(%dma_start3A_129 : memref<2x64xi32, #tpu.memory_space<vmem>>) target_semaphore(%dma_start3A_125 : memref<!tpu.dma_semaphore, #tpu.memory_space<semaphore_mem>>)
    %rem3A_134 = arith.constant 5 : i32
    %rem3A_135 = arith.constant 11 : i32
    %rem3A_136 = arith.remsi %rem3A_134, %rem3A_135 : i32
    %add3A_137 = arith.constant 5 : i32
    %add3A_138 = arith.addi %add3A, %add3A_137 : i32
    %dma_start3A_139 = arith.constant 0 : i32
    %dma_start3A_140 = arith.constant 0 : i32
    %dma_start3A_141 = tpu.memref_slice %arg6[%rem3A_136, %dma_start3A_139, %dma_start3A_140] : memref<11x2x64xi32, #tpu.memory_space<vmem>> -> memref<1x2x64xi32, #tpu.memory_space<vmem>>
    %dma_start3A_142 = tpu.memref_squeeze %dma_start3A_141 : memref<1x2x64xi32, #tpu.memory_space<vmem>> -> memref<2x64xi32, #tpu.memory_space<vmem>>
    %dma_start3A_143 = arith.constant 0 : i32
    %dma_start3A_144 = arith.constant 0 : i32
    %dma_start3A_145 = tpu.memref_slice %arg3[%add3A_138, %dma_start3A_143, %dma_start3A_144] : memref<5024x2x64xi32, #tpu.memory_space<hbm>> -> memref<1x2x64xi32, #tpu.memory_space<hbm>>
    %dma_start3A_146 = tpu.memref_squeeze %dma_start3A_145 : memref<1x2x64xi32, #tpu.memory_space<hbm>> -> memref<2x64xi32, #tpu.memory_space<hbm>>
    %dma_start3A_147 = tpu.memref_slice %arg8[%rem3A_136] : memref<11x!tpu.dma_semaphore, #tpu.memory_space<semaphore_mem>> -> memref<1x!tpu.dma_semaphore, #tpu.memory_space<semaphore_mem>>
    %dma_start3A_148 = tpu.memref_squeeze %dma_start3A_147 : memref<1x!tpu.dma_semaphore, #tpu.memory_space<semaphore_mem>> -> memref<!tpu.dma_semaphore, #tpu.memory_space<semaphore_mem>>
    %dma_start3A_149 = arith.constant 0 : i32
    %dma_start3A_150 = arith.constant 0 : i32
    %dma_start3A_151 = tpu.memref_slice %arg6[%rem3A_136, %dma_start3A_149, %dma_start3A_150] : memref<11x2x64xi32, #tpu.memory_space<vmem>> -> memref<1x2x64xi32, #tpu.memory_space<vmem>>
    %dma_start3A_152 = tpu.memref_squeeze %dma_start3A_151 : memref<1x2x64xi32, #tpu.memory_space<vmem>> -> memref<2x64xi32, #tpu.memory_space<vmem>>
    %dma_start3A_153 = arith.constant 0 : i32
    %dma_start3A_154 = arith.constant 0 : i32
    %dma_start3A_155 = tpu.memref_slice %arg3[%add3A_138, %dma_start3A_153, %dma_start3A_154] : memref<5024x2x64xi32, #tpu.memory_space<hbm>> -> memref<1x2x64xi32, #tpu.memory_space<hbm>>
    %dma_start3A_156 = tpu.memref_squeeze %dma_start3A_155 : memref<1x2x64xi32, #tpu.memory_space<hbm>> -> memref<2x64xi32, #tpu.memory_space<hbm>>
    tpu.enqueue_dma source(%dma_start3A_156 : memref<2x64xi32, #tpu.memory_space<hbm>>) target(%dma_start3A_152 : memref<2x64xi32, #tpu.memory_space<vmem>>) target_semaphore(%dma_start3A_148 : memref<!tpu.dma_semaphore, #tpu.memory_space<semaphore_mem>>)
    %rem3A_157 = arith.constant 6 : i32
    %rem3A_158 = arith.constant 11 : i32
    %rem3A_159 = arith.remsi %rem3A_157, %rem3A_158 : i32
    %add3A_160 = arith.constant 6 : i32
    %add3A_161 = arith.addi %add3A, %add3A_160 : i32
    %dma_start3A_162 = arith.constant 0 : i32
    %dma_start3A_163 = arith.constant 0 : i32
    %dma_start3A_164 = tpu.memref_slice %arg6[%rem3A_159, %dma_start3A_162, %dma_start3A_163] : memref<11x2x64xi32, #tpu.memory_space<vmem>> -> memref<1x2x64xi32, #tpu.memory_space<vmem>>
    %dma_start3A_165 = tpu.memref_squeeze %dma_start3A_164 : memref<1x2x64xi32, #tpu.memory_space<vmem>> -> memref<2x64xi32, #tpu.memory_space<vmem>>
    %dma_start3A_166 = arith.constant 0 : i32
    %dma_start3A_167 = arith.constant 0 : i32
    %dma_start3A_168 = tpu.memref_slice %arg3[%add3A_161, %dma_start3A_166, %dma_start3A_167] : memref<5024x2x64xi32, #tpu.memory_space<hbm>> -> memref<1x2x64xi32, #tpu.memory_space<hbm>>
    %dma_start3A_169 = tpu.memref_squeeze %dma_start3A_168 : memref<1x2x64xi32, #tpu.memory_space<hbm>> -> memref<2x64xi32, #tpu.memory_space<hbm>>
    %dma_start3A_170 = tpu.memref_slice %arg8[%rem3A_159] : memref<11x!tpu.dma_semaphore, #tpu.memory_space<semaphore_mem>> -> memref<1x!tpu.dma_semaphore, #tpu.memory_space<semaphore_mem>>
    %dma_start3A_171 = tpu.memref_squeeze %dma_start3A_170 : memref<1x!tpu.dma_semaphore, #tpu.memory_space<semaphore_mem>> -> memref<!tpu.dma_semaphore, #tpu.memory_space<semaphore_mem>>
    %dma_start3A_172 = arith.constant 0 : i32
    %dma_start3A_173 = arith.constant 0 : i32
    %dma_start3A_174 = tpu.memref_slice %arg6[%rem3A_159, %dma_start3A_172, %dma_start3A_173] : memref<11x2x64xi32, #tpu.memory_space<vmem>> -> memref<1x2x64xi32, #tpu.memory_space<vmem>>
    %dma_start3A_175 = tpu.memref_squeeze %dma_start3A_174 : memref<1x2x64xi32, #tpu.memory_space<vmem>> -> memref<2x64xi32, #tpu.memory_space<vmem>>
    %dma_start3A_176 = arith.constant 0 : i32
    %dma_start3A_177 = arith.constant 0 : i32
    %dma_start3A_178 = tpu.memref_slice %arg3[%add3A_161, %dma_start3A_176, %dma_start3A_177] : memref<5024x2x64xi32, #tpu.memory_space<hbm>> -> memref<1x2x64xi32, #tpu.memory_space<hbm>>
    %dma_start3A_179 = tpu.memref_squeeze %dma_start3A_178 : memref<1x2x64xi32, #tpu.memory_space<hbm>> -> memref<2x64xi32, #tpu.memory_space<hbm>>
    tpu.enqueue_dma source(%dma_start3A_179 : memref<2x64xi32, #tpu.memory_space<hbm>>) target(%dma_start3A_175 : memref<2x64xi32, #tpu.memory_space<vmem>>) target_semaphore(%dma_start3A_171 : memref<!tpu.dma_semaphore, #tpu.memory_space<semaphore_mem>>)
    %rem3A_180 = arith.constant 7 : i32
    %rem3A_181 = arith.constant 11 : i32
    %rem3A_182 = arith.remsi %rem3A_180, %rem3A_181 : i32
    %add3A_183 = arith.constant 7 : i32
    %add3A_184 = arith.addi %add3A, %add3A_183 : i32
    %dma_start3A_185 = arith.constant 0 : i32
    %dma_start3A_186 = arith.constant 0 : i32
    %dma_start3A_187 = tpu.memref_slice %arg6[%rem3A_182, %dma_start3A_185, %dma_start3A_186] : memref<11x2x64xi32, #tpu.memory_space<vmem>> -> memref<1x2x64xi32, #tpu.memory_space<vmem>>
    %dma_start3A_188 = tpu.memref_squeeze %dma_start3A_187 : memref<1x2x64xi32, #tpu.memory_space<vmem>> -> memref<2x64xi32, #tpu.memory_space<vmem>>
    %dma_start3A_189 = arith.constant 0 : i32
    %dma_start3A_190 = arith.constant 0 : i32
    %dma_start3A_191 = tpu.memref_slice %arg3[%add3A_184, %dma_start3A_189, %dma_start3A_190] : memref<5024x2x64xi32, #tpu.memory_space<hbm>> -> memref<1x2x64xi32, #tpu.memory_space<hbm>>
    %dma_start3A_192 = tpu.memref_squeeze %dma_start3A_191 : memref<1x2x64xi32, #tpu.memory_space<hbm>> -> memref<2x64xi32, #tpu.memory_space<hbm>>
    %dma_start3A_193 = tpu.memref_slice %arg8[%rem3A_182] : memref<11x!tpu.dma_semaphore, #tpu.memory_space<semaphore_mem>> -> memref<1x!tpu.dma_semaphore, #tpu.memory_space<semaphore_mem>>
    %dma_start3A_194 = tpu.memref_squeeze %dma_start3A_193 : memref<1x!tpu.dma_semaphore, #tpu.memory_space<semaphore_mem>> -> memref<!tpu.dma_semaphore, #tpu.memory_space<semaphore_mem>>
    %dma_start3A_195 = arith.constant 0 : i32
    %dma_start3A_196 = arith.constant 0 : i32
    %dma_start3A_197 = tpu.memref_slice %arg6[%rem3A_182, %dma_start3A_195, %dma_start3A_196] : memref<11x2x64xi32, #tpu.memory_space<vmem>> -> memref<1x2x64xi32, #tpu.memory_space<vmem>>
    %dma_start3A_198 = tpu.memref_squeeze %dma_start3A_197 : memref<1x2x64xi32, #tpu.memory_space<vmem>> -> memref<2x64xi32, #tpu.memory_space<vmem>>
    %dma_start3A_199 = arith.constant 0 : i32
    %dma_start3A_200 = arith.constant 0 : i32
    %dma_start3A_201 = tpu.memref_slice %arg3[%add3A_184, %dma_start3A_199, %dma_start3A_200] : memref<5024x2x64xi32, #tpu.memory_space<hbm>> -> memref<1x2x64xi32, #tpu.memory_space<hbm>>
    %dma_start3A_202 = tpu.memref_squeeze %dma_start3A_201 : memref<1x2x64xi32, #tpu.memory_space<hbm>> -> memref<2x64xi32, #tpu.memory_space<hbm>>
    tpu.enqueue_dma source(%dma_start3A_202 : memref<2x64xi32, #tpu.memory_space<hbm>>) target(%dma_start3A_198 : memref<2x64xi32, #tpu.memory_space<vmem>>) target_semaphore(%dma_start3A_194 : memref<!tpu.dma_semaphore, #tpu.memory_space<semaphore_mem>>)
    %rem3A_203 = arith.constant 8 : i32
    %rem3A_204 = arith.constant 11 : i32
    %rem3A_205 = arith.remsi %rem3A_203, %rem3A_204 : i32
    %add3A_206 = arith.constant 8 : i32
    %add3A_207 = arith.addi %add3A, %add3A_206 : i32
    %dma_start3A_208 = arith.constant 0 : i32
    %dma_start3A_209 = arith.constant 0 : i32
    %dma_start3A_210 = tpu.memref_slice %arg6[%rem3A_205, %dma_start3A_208, %dma_start3A_209] : memref<11x2x64xi32, #tpu.memory_space<vmem>> -> memref<1x2x64xi32, #tpu.memory_space<vmem>>
    %dma_start3A_211 = tpu.memref_squeeze %dma_start3A_210 : memref<1x2x64xi32, #tpu.memory_space<vmem>> -> memref<2x64xi32, #tpu.memory_space<vmem>>
    %dma_start3A_212 = arith.constant 0 : i32
    %dma_start3A_213 = arith.constant 0 : i32
    %dma_start3A_214 = tpu.memref_slice %arg3[%add3A_207, %dma_start3A_212, %dma_start3A_213] : memref<5024x2x64xi32, #tpu.memory_space<hbm>> -> memref<1x2x64xi32, #tpu.memory_space<hbm>>
    %dma_start3A_215 = tpu.memref_squeeze %dma_start3A_214 : memref<1x2x64xi32, #tpu.memory_space<hbm>> -> memref<2x64xi32, #tpu.memory_space<hbm>>
    %dma_start3A_216 = tpu.memref_slice %arg8[%rem3A_205] : memref<11x!tpu.dma_semaphore, #tpu.memory_space<semaphore_mem>> -> memref<1x!tpu.dma_semaphore, #tpu.memory_space<semaphore_mem>>
    %dma_start3A_217 = tpu.memref_squeeze %dma_start3A_216 : memref<1x!tpu.dma_semaphore, #tpu.memory_space<semaphore_mem>> -> memref<!tpu.dma_semaphore, #tpu.memory_space<semaphore_mem>>
    %dma_start3A_218 = arith.constant 0 : i32
    %dma_start3A_219 = arith.constant 0 : i32
    %dma_start3A_220 = tpu.memref_slice %arg6[%rem3A_205, %dma_start3A_218, %dma_start3A_219] : memref<11x2x64xi32, #tpu.memory_space<vmem>> -> memref<1x2x64xi32, #tpu.memory_space<vmem>>
    %dma_start3A_221 = tpu.memref_squeeze %dma_start3A_220 : memref<1x2x64xi32, #tpu.memory_space<vmem>> -> memref<2x64xi32, #tpu.memory_space<vmem>>
    %dma_start3A_222 = arith.constant 0 : i32
    %dma_start3A_223 = arith.constant 0 : i32
    %dma_start3A_224 = tpu.memref_slice %arg3[%add3A_207, %dma_start3A_222, %dma_start3A_223] : memref<5024x2x64xi32, #tpu.memory_space<hbm>> -> memref<1x2x64xi32, #tpu.memory_space<hbm>>
    %dma_start3A_225 = tpu.memref_squeeze %dma_start3A_224 : memref<1x2x64xi32, #tpu.memory_space<hbm>> -> memref<2x64xi32, #tpu.memory_space<hbm>>
    tpu.enqueue_dma source(%dma_start3A_225 : memref<2x64xi32, #tpu.memory_space<hbm>>) target(%dma_start3A_221 : memref<2x64xi32, #tpu.memory_space<vmem>>) target_semaphore(%dma_start3A_217 : memref<!tpu.dma_semaphore, #tpu.memory_space<semaphore_mem>>)
    %rem3A_226 = arith.constant 0 : i32
    %rem3A_227 = arith.constant 11 : i32
    %rem3A_228 = arith.remsi %rem3A_226, %rem3A_227 : i32
    %add3A_229 = arith.constant 0 : i32
    %add3A_230 = arith.addi %add3A, %add3A_229 : i32
    %dma_wait3A = arith.constant 0 : i32
    %dma_wait3A_231 = arith.constant 0 : i32
    %dma_wait3A_232 = tpu.memref_slice %arg6[%rem3A_228, %dma_wait3A, %dma_wait3A_231] : memref<11x2x64xi32, #tpu.memory_space<vmem>> -> memref<1x2x64xi32, #tpu.memory_space<vmem>>
    %dma_wait3A_233 = tpu.memref_squeeze %dma_wait3A_232 : memref<1x2x64xi32, #tpu.memory_space<vmem>> -> memref<2x64xi32, #tpu.memory_space<vmem>>
    %dma_wait3A_234 = arith.constant 0 : i32
    %dma_wait3A_235 = arith.constant 0 : i32
    %dma_wait3A_236 = tpu.memref_slice %arg3[%add3A_230, %dma_wait3A_234, %dma_wait3A_235] : memref<5024x2x64xi32, #tpu.memory_space<hbm>> -> memref<1x2x64xi32, #tpu.memory_space<hbm>>
    %dma_wait3A_237 = tpu.memref_squeeze %dma_wait3A_236 : memref<1x2x64xi32, #tpu.memory_space<hbm>> -> memref<2x64xi32, #tpu.memory_space<hbm>>
    %dma_wait3A_238 = tpu.memref_slice %arg8[%rem3A_228] : memref<11x!tpu.dma_semaphore, #tpu.memory_space<semaphore_mem>> -> memref<1x!tpu.dma_semaphore, #tpu.memory_space<semaphore_mem>>
    %dma_wait3A_239 = tpu.memref_squeeze %dma_wait3A_238 : memref<1x!tpu.dma_semaphore, #tpu.memory_space<semaphore_mem>> -> memref<!tpu.dma_semaphore, #tpu.memory_space<semaphore_mem>>
    %dma_wait3A_240 = arith.constant 0 : i32
    %dma_wait3A_241 = arith.constant 0 : i32
    %dma_wait3A_242 = tpu.memref_slice %arg6[%rem3A_228, %dma_wait3A_240, %dma_wait3A_241] : memref<11x2x64xi32, #tpu.memory_space<vmem>> -> memref<1x2x64xi32, #tpu.memory_space<vmem>>
    %dma_wait3A_243 = tpu.memref_squeeze %dma_wait3A_242 : memref<1x2x64xi32, #tpu.memory_space<vmem>> -> memref<2x64xi32, #tpu.memory_space<vmem>>
    %dma_wait3A_244 = arith.constant 0 : i32
    %dma_wait3A_245 = arith.constant 0 : i32
    %dma_wait3A_246 = tpu.memref_slice %arg3[%add3A_230, %dma_wait3A_244, %dma_wait3A_245] : memref<5024x2x64xi32, #tpu.memory_space<hbm>> -> memref<1x2x64xi32, #tpu.memory_space<hbm>>
    %dma_wait3A_247 = tpu.memref_squeeze %dma_wait3A_246 : memref<1x2x64xi32, #tpu.memory_space<hbm>> -> memref<2x64xi32, #tpu.memory_space<hbm>>
    tpu.wait_dma2 semaphore(%dma_wait3A_239 : memref<!tpu.dma_semaphore, #tpu.memory_space<semaphore_mem>>) src(%dma_wait3A_247 : memref<2x64xi32, #tpu.memory_space<hbm>>) dst(%dma_wait3A_243 : memref<2x64xi32, #tpu.memory_space<vmem>>)
    %rem3A_248 = arith.constant 0 : i32
    %rem3A_249 = arith.constant 11 : i32
    %rem3A_250 = arith.remsi %rem3A_248, %rem3A_249 : i32
    %rem3A_251 = arith.constant 0 : i32
    %rem3A_252 = arith.constant 8 : i32
    %rem3A_253 = arith.remsi %rem3A_251, %rem3A_252 : i32
    %dma_start3A_254 = arith.constant 0 : i32
    %dma_start3A_255 = arith.constant 0 : i32
    %dma_start3A_256 = arith.constant 0 : i32
    %dma_start3A_257 = tpu.memref_slice %arg7[%rem3A_253, %dma_start3A_255, %dma_start3A_256] : memref<8x64x64xf32, #tpu.memory_space<vmem>> -> memref<1x64x64xf32, #tpu.memory_space<vmem>>
    %dma_start3A_258 = tpu.memref_squeeze %dma_start3A_257 : memref<1x64x64xf32, #tpu.memory_space<vmem>> -> memref<64x64xf32, #tpu.memory_space<vmem>>
    %dma_start3A_259 = arith.constant 0 : i32
    %dma_start3A_260 = tpu.memref_slice %arg6[%rem3A_250, %dma_start3A_254, %dma_start3A_259] : memref<11x2x64xi32, #tpu.memory_space<vmem>> -> memref<1x1x64xi32, #tpu.memory_space<vmem>>
    %dma_start3A_261 = tpu.memref_squeeze %dma_start3A_260 : memref<1x1x64xi32, #tpu.memory_space<vmem>> -> memref<64xi32, #tpu.memory_space<vmem>>
    %dma_start3A_262 = arith.constant 0 : i32
    %dma_start3A_263 = arith.constant 0 : i32
    %dma_start3A_264 = tpu.memref_slice %arg2[%dma_start3A_262, %dma_start3A_263] : memref<10000x64xf32, #tpu.memory_space<hbm>> -> memref<10000x64xf32, #tpu.memory_space<hbm>>
    %dma_start3A_265 = tpu.memref_slice %arg9[%rem3A_253] : memref<8x!tpu.dma_semaphore, #tpu.memory_space<semaphore_mem>> -> memref<1x!tpu.dma_semaphore, #tpu.memory_space<semaphore_mem>>
    %dma_start3A_266 = tpu.memref_squeeze %dma_start3A_265 : memref<1x!tpu.dma_semaphore, #tpu.memory_space<semaphore_mem>> -> memref<!tpu.dma_semaphore, #tpu.memory_space<semaphore_mem>>
    tpu.enqueue_indirect_dma source(%dma_start3A_264 : memref<10000x64xf32, #tpu.memory_space<hbm>>) target(%dma_start3A_258 : memref<64x64xf32, #tpu.memory_space<vmem>>) offsets(%dma_start3A_261 : memref<64xi32, #tpu.memory_space<vmem>>) semaphore(%dma_start3A_266 : memref<!tpu.dma_semaphore, #tpu.memory_space<semaphore_mem>>)
    %rem3A_267 = arith.constant 1 : i32
    %rem3A_268 = arith.constant 11 : i32
    %rem3A_269 = arith.remsi %rem3A_267, %rem3A_268 : i32
    %add3A_270 = arith.constant 1 : i32
    %add3A_271 = arith.addi %add3A, %add3A_270 : i32
    %dma_wait3A_272 = arith.constant 0 : i32
    %dma_wait3A_273 = arith.constant 0 : i32
    %dma_wait3A_274 = tpu.memref_slice %arg6[%rem3A_269, %dma_wait3A_272, %dma_wait3A_273] : memref<11x2x64xi32, #tpu.memory_space<vmem>> -> memref<1x2x64xi32, #tpu.memory_space<vmem>>
    %dma_wait3A_275 = tpu.memref_squeeze %dma_wait3A_274 : memref<1x2x64xi32, #tpu.memory_space<vmem>> -> memref<2x64xi32, #tpu.memory_space<vmem>>
    %dma_wait3A_276 = arith.constant 0 : i32
    %dma_wait3A_277 = arith.constant 0 : i32
    %dma_wait3A_278 = tpu.memref_slice %arg3[%add3A_271, %dma_wait3A_276, %dma_wait3A_277] : memref<5024x2x64xi32, #tpu.memory_space<hbm>> -> memref<1x2x64xi32, #tpu.memory_space<hbm>>
    %dma_wait3A_279 = tpu.memref_squeeze %dma_wait3A_278 : memref<1x2x64xi32, #tpu.memory_space<hbm>> -> memref<2x64xi32, #tpu.memory_space<hbm>>
    %dma_wait3A_280 = tpu.memref_slice %arg8[%rem3A_269] : memref<11x!tpu.dma_semaphore, #tpu.memory_space<semaphore_mem>> -> memref<1x!tpu.dma_semaphore, #tpu.memory_space<semaphore_mem>>
    %dma_wait3A_281 = tpu.memref_squeeze %dma_wait3A_280 : memref<1x!tpu.dma_semaphore, #tpu.memory_space<semaphore_mem>> -> memref<!tpu.dma_semaphore, #tpu.memory_space<semaphore_mem>>
    %dma_wait3A_282 = arith.constant 0 : i32
    %dma_wait3A_283 = arith.constant 0 : i32
    %dma_wait3A_284 = tpu.memref_slice %arg6[%rem3A_269, %dma_wait3A_282, %dma_wait3A_283] : memref<11x2x64xi32, #tpu.memory_space<vmem>> -> memref<1x2x64xi32, #tpu.memory_space<vmem>>
    %dma_wait3A_285 = tpu.memref_squeeze %dma_wait3A_284 : memref<1x2x64xi32, #tpu.memory_space<vmem>> -> memref<2x64xi32, #tpu.memory_space<vmem>>
    %dma_wait3A_286 = arith.constant 0 : i32
    %dma_wait3A_287 = arith.constant 0 : i32
    %dma_wait3A_288 = tpu.memref_slice %arg3[%add3A_271, %dma_wait3A_286, %dma_wait3A_287] : memref<5024x2x64xi32, #tpu.memory_space<hbm>> -> memref<1x2x64xi32, #tpu.memory_space<hbm>>
    %dma_wait3A_289 = tpu.memref_squeeze %dma_wait3A_288 : memref<1x2x64xi32, #tpu.memory_space<hbm>> -> memref<2x64xi32, #tpu.memory_space<hbm>>
    tpu.wait_dma2 semaphore(%dma_wait3A_281 : memref<!tpu.dma_semaphore, #tpu.memory_space<semaphore_mem>>) src(%dma_wait3A_289 : memref<2x64xi32, #tpu.memory_space<hbm>>) dst(%dma_wait3A_285 : memref<2x64xi32, #tpu.memory_space<vmem>>)
    %rem3A_290 = arith.constant 1 : i32
    %rem3A_291 = arith.constant 11 : i32
    %rem3A_292 = arith.remsi %rem3A_290, %rem3A_291 : i32
    %rem3A_293 = arith.constant 1 : i32
    %rem3A_294 = arith.constant 8 : i32
    %rem3A_295 = arith.remsi %rem3A_293, %rem3A_294 : i32
    %dma_start3A_296 = arith.constant 0 : i32
    %dma_start3A_297 = arith.constant 0 : i32
    %dma_start3A_298 = arith.constant 0 : i32
    %dma_start3A_299 = tpu.memref_slice %arg7[%rem3A_295, %dma_start3A_297, %dma_start3A_298] : memref<8x64x64xf32, #tpu.memory_space<vmem>> -> memref<1x64x64xf32, #tpu.memory_space<vmem>>
    %dma_start3A_300 = tpu.memref_squeeze %dma_start3A_299 : memref<1x64x64xf32, #tpu.memory_space<vmem>> -> memref<64x64xf32, #tpu.memory_space<vmem>>
    %dma_start3A_301 = arith.constant 0 : i32
    %dma_start3A_302 = tpu.memref_slice %arg6[%rem3A_292, %dma_start3A_296, %dma_start3A_301] : memref<11x2x64xi32, #tpu.memory_space<vmem>> -> memref<1x1x64xi32, #tpu.memory_space<vmem>>
    %dma_start3A_303 = tpu.memref_squeeze %dma_start3A_302 : memref<1x1x64xi32, #tpu.memory_space<vmem>> -> memref<64xi32, #tpu.memory_space<vmem>>
    %dma_start3A_304 = arith.constant 0 : i32
    %dma_start3A_305 = arith.constant 0 : i32
    %dma_start3A_306 = tpu.memref_slice %arg2[%dma_start3A_304, %dma_start3A_305] : memref<10000x64xf32, #tpu.memory_space<hbm>> -> memref<10000x64xf32, #tpu.memory_space<hbm>>
    %dma_start3A_307 = tpu.memref_slice %arg9[%rem3A_295] : memref<8x!tpu.dma_semaphore, #tpu.memory_space<semaphore_mem>> -> memref<1x!tpu.dma_semaphore, #tpu.memory_space<semaphore_mem>>
    %dma_start3A_308 = tpu.memref_squeeze %dma_start3A_307 : memref<1x!tpu.dma_semaphore, #tpu.memory_space<semaphore_mem>> -> memref<!tpu.dma_semaphore, #tpu.memory_space<semaphore_mem>>
    tpu.enqueue_indirect_dma source(%dma_start3A_306 : memref<10000x64xf32, #tpu.memory_space<hbm>>) target(%dma_start3A_300 : memref<64x64xf32, #tpu.memory_space<vmem>>) offsets(%dma_start3A_303 : memref<64xi32, #tpu.memory_space<vmem>>) semaphore(%dma_start3A_308 : memref<!tpu.dma_semaphore, #tpu.memory_space<semaphore_mem>>)
    %rem3A_309 = arith.constant 2 : i32
    %rem3A_310 = arith.constant 11 : i32
    %rem3A_311 = arith.remsi %rem3A_309, %rem3A_310 : i32
    %add3A_312 = arith.constant 2 : i32
    %add3A_313 = arith.addi %add3A, %add3A_312 : i32
    %dma_wait3A_314 = arith.constant 0 : i32
    %dma_wait3A_315 = arith.constant 0 : i32
    %dma_wait3A_316 = tpu.memref_slice %arg6[%rem3A_311, %dma_wait3A_314, %dma_wait3A_315] : memref<11x2x64xi32, #tpu.memory_space<vmem>> -> memref<1x2x64xi32, #tpu.memory_space<vmem>>
    %dma_wait3A_317 = tpu.memref_squeeze %dma_wait3A_316 : memref<1x2x64xi32, #tpu.memory_space<vmem>> -> memref<2x64xi32, #tpu.memory_space<vmem>>
    %dma_wait3A_318 = arith.constant 0 : i32
    %dma_wait3A_319 = arith.constant 0 : i32
    %dma_wait3A_320 = tpu.memref_slice %arg3[%add3A_313, %dma_wait3A_318, %dma_wait3A_319] : memref<5024x2x64xi32, #tpu.memory_space<hbm>> -> memref<1x2x64xi32, #tpu.memory_space<hbm>>
    %dma_wait3A_321 = tpu.memref_squeeze %dma_wait3A_320 : memref<1x2x64xi32, #tpu.memory_space<hbm>> -> memref<2x64xi32, #tpu.memory_space<hbm>>
    %dma_wait3A_322 = tpu.memref_slice %arg8[%rem3A_311] : memref<11x!tpu.dma_semaphore, #tpu.memory_space<semaphore_mem>> -> memref<1x!tpu.dma_semaphore, #tpu.memory_space<semaphore_mem>>
    %dma_wait3A_323 = tpu.memref_squeeze %dma_wait3A_322 : memref<1x!tpu.dma_semaphore, #tpu.memory_space<semaphore_mem>> -> memref<!tpu.dma_semaphore, #tpu.memory_space<semaphore_mem>>
    %dma_wait3A_324 = arith.constant 0 : i32
    %dma_wait3A_325 = arith.constant 0 : i32
    %dma_wait3A_326 = tpu.memref_slice %arg6[%rem3A_311, %dma_wait3A_324, %dma_wait3A_325] : memref<11x2x64xi32, #tpu.memory_space<vmem>> -> memref<1x2x64xi32, #tpu.memory_space<vmem>>
    %dma_wait3A_327 = tpu.memref_squeeze %dma_wait3A_326 : memref<1x2x64xi32, #tpu.memory_space<vmem>> -> memref<2x64xi32, #tpu.memory_space<vmem>>
    %dma_wait3A_328 = arith.constant 0 : i32
    %dma_wait3A_329 = arith.constant 0 : i32
    %dma_wait3A_330 = tpu.memref_slice %arg3[%add3A_313, %dma_wait3A_328, %dma_wait3A_329] : memref<5024x2x64xi32, #tpu.memory_space<hbm>> -> memref<1x2x64xi32, #tpu.memory_space<hbm>>
    %dma_wait3A_331 = tpu.memref_squeeze %dma_wait3A_330 : memref<1x2x64xi32, #tpu.memory_space<hbm>> -> memref<2x64xi32, #tpu.memory_space<hbm>>
    tpu.wait_dma2 semaphore(%dma_wait3A_323 : memref<!tpu.dma_semaphore, #tpu.memory_space<semaphore_mem>>) src(%dma_wait3A_331 : memref<2x64xi32, #tpu.memory_space<hbm>>) dst(%dma_wait3A_327 : memref<2x64xi32, #tpu.memory_space<vmem>>)
    %rem3A_332 = arith.constant 2 : i32
    %rem3A_333 = arith.constant 11 : i32
    %rem3A_334 = arith.remsi %rem3A_332, %rem3A_333 : i32
    %rem3A_335 = arith.constant 2 : i32
    %rem3A_336 = arith.constant 8 : i32
    %rem3A_337 = arith.remsi %rem3A_335, %rem3A_336 : i32
    %dma_start3A_338 = arith.constant 0 : i32
    %dma_start3A_339 = arith.constant 0 : i32
    %dma_start3A_340 = arith.constant 0 : i32
    %dma_start3A_341 = tpu.memref_slice %arg7[%rem3A_337, %dma_start3A_339, %dma_start3A_340] : memref<8x64x64xf32, #tpu.memory_space<vmem>> -> memref<1x64x64xf32, #tpu.memory_space<vmem>>
    %dma_start3A_342 = tpu.memref_squeeze %dma_start3A_341 : memref<1x64x64xf32, #tpu.memory_space<vmem>> -> memref<64x64xf32, #tpu.memory_space<vmem>>
    %dma_start3A_343 = arith.constant 0 : i32
    %dma_start3A_344 = tpu.memref_slice %arg6[%rem3A_334, %dma_start3A_338, %dma_start3A_343] : memref<11x2x64xi32, #tpu.memory_space<vmem>> -> memref<1x1x64xi32, #tpu.memory_space<vmem>>
    %dma_start3A_345 = tpu.memref_squeeze %dma_start3A_344 : memref<1x1x64xi32, #tpu.memory_space<vmem>> -> memref<64xi32, #tpu.memory_space<vmem>>
    %dma_start3A_346 = arith.constant 0 : i32
    %dma_start3A_347 = arith.constant 0 : i32
    %dma_start3A_348 = tpu.memref_slice %arg2[%dma_start3A_346, %dma_start3A_347] : memref<10000x64xf32, #tpu.memory_space<hbm>> -> memref<10000x64xf32, #tpu.memory_space<hbm>>
    %dma_start3A_349 = tpu.memref_slice %arg9[%rem3A_337] : memref<8x!tpu.dma_semaphore, #tpu.memory_space<semaphore_mem>> -> memref<1x!tpu.dma_semaphore, #tpu.memory_space<semaphore_mem>>
    %dma_start3A_350 = tpu.memref_squeeze %dma_start3A_349 : memref<1x!tpu.dma_semaphore, #tpu.memory_space<semaphore_mem>> -> memref<!tpu.dma_semaphore, #tpu.memory_space<semaphore_mem>>
    tpu.enqueue_indirect_dma source(%dma_start3A_348 : memref<10000x64xf32, #tpu.memory_space<hbm>>) target(%dma_start3A_342 : memref<64x64xf32, #tpu.memory_space<vmem>>) offsets(%dma_start3A_345 : memref<64xi32, #tpu.memory_space<vmem>>) semaphore(%dma_start3A_350 : memref<!tpu.dma_semaphore, #tpu.memory_space<semaphore_mem>>)
    %rem3A_351 = arith.constant 3 : i32
    %rem3A_352 = arith.constant 11 : i32
    %rem3A_353 = arith.remsi %rem3A_351, %rem3A_352 : i32
    %add3A_354 = arith.constant 3 : i32
    %add3A_355 = arith.addi %add3A, %add3A_354 : i32
    %dma_wait3A_356 = arith.constant 0 : i32
    %dma_wait3A_357 = arith.constant 0 : i32
    %dma_wait3A_358 = tpu.memref_slice %arg6[%rem3A_353, %dma_wait3A_356, %dma_wait3A_357] : memref<11x2x64xi32, #tpu.memory_space<vmem>> -> memref<1x2x64xi32, #tpu.memory_space<vmem>>
    %dma_wait3A_359 = tpu.memref_squeeze %dma_wait3A_358 : memref<1x2x64xi32, #tpu.memory_space<vmem>> -> memref<2x64xi32, #tpu.memory_space<vmem>>
    %dma_wait3A_360 = arith.constant 0 : i32
    %dma_wait3A_361 = arith.constant 0 : i32
    %dma_wait3A_362 = tpu.memref_slice %arg3[%add3A_355, %dma_wait3A_360, %dma_wait3A_361] : memref<5024x2x64xi32, #tpu.memory_space<hbm>> -> memref<1x2x64xi32, #tpu.memory_space<hbm>>
    %dma_wait3A_363 = tpu.memref_squeeze %dma_wait3A_362 : memref<1x2x64xi32, #tpu.memory_space<hbm>> -> memref<2x64xi32, #tpu.memory_space<hbm>>
    %dma_wait3A_364 = tpu.memref_slice %arg8[%rem3A_353] : memref<11x!tpu.dma_semaphore, #tpu.memory_space<semaphore_mem>> -> memref<1x!tpu.dma_semaphore, #tpu.memory_space<semaphore_mem>>
    %dma_wait3A_365 = tpu.memref_squeeze %dma_wait3A_364 : memref<1x!tpu.dma_semaphore, #tpu.memory_space<semaphore_mem>> -> memref<!tpu.dma_semaphore, #tpu.memory_space<semaphore_mem>>
    %dma_wait3A_366 = arith.constant 0 : i32
    %dma_wait3A_367 = arith.constant 0 : i32
    %dma_wait3A_368 = tpu.memref_slice %arg6[%rem3A_353, %dma_wait3A_366, %dma_wait3A_367] : memref<11x2x64xi32, #tpu.memory_space<vmem>> -> memref<1x2x64xi32, #tpu.memory_space<vmem>>
    %dma_wait3A_369 = tpu.memref_squeeze %dma_wait3A_368 : memref<1x2x64xi32, #tpu.memory_space<vmem>> -> memref<2x64xi32, #tpu.memory_space<vmem>>
    %dma_wait3A_370 = arith.constant 0 : i32
    %dma_wait3A_371 = arith.constant 0 : i32
    %dma_wait3A_372 = tpu.memref_slice %arg3[%add3A_355, %dma_wait3A_370, %dma_wait3A_371] : memref<5024x2x64xi32, #tpu.memory_space<hbm>> -> memref<1x2x64xi32, #tpu.memory_space<hbm>>
    %dma_wait3A_373 = tpu.memref_squeeze %dma_wait3A_372 : memref<1x2x64xi32, #tpu.memory_space<hbm>> -> memref<2x64xi32, #tpu.memory_space<hbm>>
    tpu.wait_dma2 semaphore(%dma_wait3A_365 : memref<!tpu.dma_semaphore, #tpu.memory_space<semaphore_mem>>) src(%dma_wait3A_373 : memref<2x64xi32, #tpu.memory_space<hbm>>) dst(%dma_wait3A_369 : memref<2x64xi32, #tpu.memory_space<vmem>>)
    %rem3A_374 = arith.constant 3 : i32
    %rem3A_375 = arith.constant 11 : i32
    %rem3A_376 = arith.remsi %rem3A_374, %rem3A_375 : i32
    %rem3A_377 = arith.constant 3 : i32
    %rem3A_378 = arith.constant 8 : i32
    %rem3A_379 = arith.remsi %rem3A_377, %rem3A_378 : i32
    %dma_start3A_380 = arith.constant 0 : i32
    %dma_start3A_381 = arith.constant 0 : i32
    %dma_start3A_382 = arith.constant 0 : i32
    %dma_start3A_383 = tpu.memref_slice %arg7[%rem3A_379, %dma_start3A_381, %dma_start3A_382] : memref<8x64x64xf32, #tpu.memory_space<vmem>> -> memref<1x64x64xf32, #tpu.memory_space<vmem>>
    %dma_start3A_384 = tpu.memref_squeeze %dma_start3A_383 : memref<1x64x64xf32, #tpu.memory_space<vmem>> -> memref<64x64xf32, #tpu.memory_space<vmem>>
    %dma_start3A_385 = arith.constant 0 : i32
    %dma_start3A_386 = tpu.memref_slice %arg6[%rem3A_376, %dma_start3A_380, %dma_start3A_385] : memref<11x2x64xi32, #tpu.memory_space<vmem>> -> memref<1x1x64xi32, #tpu.memory_space<vmem>>
    %dma_start3A_387 = tpu.memref_squeeze %dma_start3A_386 : memref<1x1x64xi32, #tpu.memory_space<vmem>> -> memref<64xi32, #tpu.memory_space<vmem>>
    %dma_start3A_388 = arith.constant 0 : i32
    %dma_start3A_389 = arith.constant 0 : i32
    %dma_start3A_390 = tpu.memref_slice %arg2[%dma_start3A_388, %dma_start3A_389] : memref<10000x64xf32, #tpu.memory_space<hbm>> -> memref<10000x64xf32, #tpu.memory_space<hbm>>
    %dma_start3A_391 = tpu.memref_slice %arg9[%rem3A_379] : memref<8x!tpu.dma_semaphore, #tpu.memory_space<semaphore_mem>> -> memref<1x!tpu.dma_semaphore, #tpu.memory_space<semaphore_mem>>
    %dma_start3A_392 = tpu.memref_squeeze %dma_start3A_391 : memref<1x!tpu.dma_semaphore, #tpu.memory_space<semaphore_mem>> -> memref<!tpu.dma_semaphore, #tpu.memory_space<semaphore_mem>>
    tpu.enqueue_indirect_dma source(%dma_start3A_390 : memref<10000x64xf32, #tpu.memory_space<hbm>>) target(%dma_start3A_384 : memref<64x64xf32, #tpu.memory_space<vmem>>) offsets(%dma_start3A_387 : memref<64xi32, #tpu.memory_space<vmem>>) semaphore(%dma_start3A_392 : memref<!tpu.dma_semaphore, #tpu.memory_space<semaphore_mem>>)
    %rem3A_393 = arith.constant 4 : i32
    %rem3A_394 = arith.constant 11 : i32
    %rem3A_395 = arith.remsi %rem3A_393, %rem3A_394 : i32
    %add3A_396 = arith.constant 4 : i32
    %add3A_397 = arith.addi %add3A, %add3A_396 : i32
    %dma_wait3A_398 = arith.constant 0 : i32
    %dma_wait3A_399 = arith.constant 0 : i32
    %dma_wait3A_400 = tpu.memref_slice %arg6[%rem3A_395, %dma_wait3A_398, %dma_wait3A_399] : memref<11x2x64xi32, #tpu.memory_space<vmem>> -> memref<1x2x64xi32, #tpu.memory_space<vmem>>
    %dma_wait3A_401 = tpu.memref_squeeze %dma_wait3A_400 : memref<1x2x64xi32, #tpu.memory_space<vmem>> -> memref<2x64xi32, #tpu.memory_space<vmem>>
    %dma_wait3A_402 = arith.constant 0 : i32
    %dma_wait3A_403 = arith.constant 0 : i32
    %dma_wait3A_404 = tpu.memref_slice %arg3[%add3A_397, %dma_wait3A_402, %dma_wait3A_403] : memref<5024x2x64xi32, #tpu.memory_space<hbm>> -> memref<1x2x64xi32, #tpu.memory_space<hbm>>
    %dma_wait3A_405 = tpu.memref_squeeze %dma_wait3A_404 : memref<1x2x64xi32, #tpu.memory_space<hbm>> -> memref<2x64xi32, #tpu.memory_space<hbm>>
    %dma_wait3A_406 = tpu.memref_slice %arg8[%rem3A_395] : memref<11x!tpu.dma_semaphore, #tpu.memory_space<semaphore_mem>> -> memref<1x!tpu.dma_semaphore, #tpu.memory_space<semaphore_mem>>
    %dma_wait3A_407 = tpu.memref_squeeze %dma_wait3A_406 : memref<1x!tpu.dma_semaphore, #tpu.memory_space<semaphore_mem>> -> memref<!tpu.dma_semaphore, #tpu.memory_space<semaphore_mem>>
    %dma_wait3A_408 = arith.constant 0 : i32
    %dma_wait3A_409 = arith.constant 0 : i32
    %dma_wait3A_410 = tpu.memref_slice %arg6[%rem3A_395, %dma_wait3A_408, %dma_wait3A_409] : memref<11x2x64xi32, #tpu.memory_space<vmem>> -> memref<1x2x64xi32, #tpu.memory_space<vmem>>
    %dma_wait3A_411 = tpu.memref_squeeze %dma_wait3A_410 : memref<1x2x64xi32, #tpu.memory_space<vmem>> -> memref<2x64xi32, #tpu.memory_space<vmem>>
    %dma_wait3A_412 = arith.constant 0 : i32
    %dma_wait3A_413 = arith.constant 0 : i32
    %dma_wait3A_414 = tpu.memref_slice %arg3[%add3A_397, %dma_wait3A_412, %dma_wait3A_413] : memref<5024x2x64xi32, #tpu.memory_space<hbm>> -> memref<1x2x64xi32, #tpu.memory_space<hbm>>
    %dma_wait3A_415 = tpu.memref_squeeze %dma_wait3A_414 : memref<1x2x64xi32, #tpu.memory_space<hbm>> -> memref<2x64xi32, #tpu.memory_space<hbm>>
    tpu.wait_dma2 semaphore(%dma_wait3A_407 : memref<!tpu.dma_semaphore, #tpu.memory_space<semaphore_mem>>) src(%dma_wait3A_415 : memref<2x64xi32, #tpu.memory_space<hbm>>) dst(%dma_wait3A_411 : memref<2x64xi32, #tpu.memory_space<vmem>>)
    %rem3A_416 = arith.constant 4 : i32
    %rem3A_417 = arith.constant 11 : i32
    %rem3A_418 = arith.remsi %rem3A_416, %rem3A_417 : i32
    %rem3A_419 = arith.constant 4 : i32
    %rem3A_420 = arith.constant 8 : i32
    %rem3A_421 = arith.remsi %rem3A_419, %rem3A_420 : i32
    %dma_start3A_422 = arith.constant 0 : i32
    %dma_start3A_423 = arith.constant 0 : i32
    %dma_start3A_424 = arith.constant 0 : i32
    %dma_start3A_425 = tpu.memref_slice %arg7[%rem3A_421, %dma_start3A_423, %dma_start3A_424] : memref<8x64x64xf32, #tpu.memory_space<vmem>> -> memref<1x64x64xf32, #tpu.memory_space<vmem>>
    %dma_start3A_426 = tpu.memref_squeeze %dma_start3A_425 : memref<1x64x64xf32, #tpu.memory_space<vmem>> -> memref<64x64xf32, #tpu.memory_space<vmem>>
    %dma_start3A_427 = arith.constant 0 : i32
    %dma_start3A_428 = tpu.memref_slice %arg6[%rem3A_418, %dma_start3A_422, %dma_start3A_427] : memref<11x2x64xi32, #tpu.memory_space<vmem>> -> memref<1x1x64xi32, #tpu.memory_space<vmem>>
    %dma_start3A_429 = tpu.memref_squeeze %dma_start3A_428 : memref<1x1x64xi32, #tpu.memory_space<vmem>> -> memref<64xi32, #tpu.memory_space<vmem>>
    %dma_start3A_430 = arith.constant 0 : i32
    %dma_start3A_431 = arith.constant 0 : i32
    %dma_start3A_432 = tpu.memref_slice %arg2[%dma_start3A_430, %dma_start3A_431] : memref<10000x64xf32, #tpu.memory_space<hbm>> -> memref<10000x64xf32, #tpu.memory_space<hbm>>
    %dma_start3A_433 = tpu.memref_slice %arg9[%rem3A_421] : memref<8x!tpu.dma_semaphore, #tpu.memory_space<semaphore_mem>> -> memref<1x!tpu.dma_semaphore, #tpu.memory_space<semaphore_mem>>
    %dma_start3A_434 = tpu.memref_squeeze %dma_start3A_433 : memref<1x!tpu.dma_semaphore, #tpu.memory_space<semaphore_mem>> -> memref<!tpu.dma_semaphore, #tpu.memory_space<semaphore_mem>>
    tpu.enqueue_indirect_dma source(%dma_start3A_432 : memref<10000x64xf32, #tpu.memory_space<hbm>>) target(%dma_start3A_426 : memref<64x64xf32, #tpu.memory_space<vmem>>) offsets(%dma_start3A_429 : memref<64xi32, #tpu.memory_space<vmem>>) semaphore(%dma_start3A_434 : memref<!tpu.dma_semaphore, #tpu.memory_space<semaphore_mem>>)
    %rem3A_435 = arith.constant 5 : i32
    %rem3A_436 = arith.constant 11 : i32
    %rem3A_437 = arith.remsi %rem3A_435, %rem3A_436 : i32
    %add3A_438 = arith.constant 5 : i32
    %add3A_439 = arith.addi %add3A, %add3A_438 : i32
    %dma_wait3A_440 = arith.constant 0 : i32
    %dma_wait3A_441 = arith.constant 0 : i32
    %dma_wait3A_442 = tpu.memref_slice %arg6[%rem3A_437, %dma_wait3A_440, %dma_wait3A_441] : memref<11x2x64xi32, #tpu.memory_space<vmem>> -> memref<1x2x64xi32, #tpu.memory_space<vmem>>
    %dma_wait3A_443 = tpu.memref_squeeze %dma_wait3A_442 : memref<1x2x64xi32, #tpu.memory_space<vmem>> -> memref<2x64xi32, #tpu.memory_space<vmem>>
    %dma_wait3A_444 = arith.constant 0 : i32
    %dma_wait3A_445 = arith.constant 0 : i32
    %dma_wait3A_446 = tpu.memref_slice %arg3[%add3A_439, %dma_wait3A_444, %dma_wait3A_445] : memref<5024x2x64xi32, #tpu.memory_space<hbm>> -> memref<1x2x64xi32, #tpu.memory_space<hbm>>
    %dma_wait3A_447 = tpu.memref_squeeze %dma_wait3A_446 : memref<1x2x64xi32, #tpu.memory_space<hbm>> -> memref<2x64xi32, #tpu.memory_space<hbm>>
    %dma_wait3A_448 = tpu.memref_slice %arg8[%rem3A_437] : memref<11x!tpu.dma_semaphore, #tpu.memory_space<semaphore_mem>> -> memref<1x!tpu.dma_semaphore, #tpu.memory_space<semaphore_mem>>
    %dma_wait3A_449 = tpu.memref_squeeze %dma_wait3A_448 : memref<1x!tpu.dma_semaphore, #tpu.memory_space<semaphore_mem>> -> memref<!tpu.dma_semaphore, #tpu.memory_space<semaphore_mem>>
    %dma_wait3A_450 = arith.constant 0 : i32
    %dma_wait3A_451 = arith.constant 0 : i32
    %dma_wait3A_452 = tpu.memref_slice %arg6[%rem3A_437, %dma_wait3A_450, %dma_wait3A_451] : memref<11x2x64xi32, #tpu.memory_space<vmem>> -> memref<1x2x64xi32, #tpu.memory_space<vmem>>
    %dma_wait3A_453 = tpu.memref_squeeze %dma_wait3A_452 : memref<1x2x64xi32, #tpu.memory_space<vmem>> -> memref<2x64xi32, #tpu.memory_space<vmem>>
    %dma_wait3A_454 = arith.constant 0 : i32
    %dma_wait3A_455 = arith.constant 0 : i32
    %dma_wait3A_456 = tpu.memref_slice %arg3[%add3A_439, %dma_wait3A_454, %dma_wait3A_455] : memref<5024x2x64xi32, #tpu.memory_space<hbm>> -> memref<1x2x64xi32, #tpu.memory_space<hbm>>
    %dma_wait3A_457 = tpu.memref_squeeze %dma_wait3A_456 : memref<1x2x64xi32, #tpu.memory_space<hbm>> -> memref<2x64xi32, #tpu.memory_space<hbm>>
    tpu.wait_dma2 semaphore(%dma_wait3A_449 : memref<!tpu.dma_semaphore, #tpu.memory_space<semaphore_mem>>) src(%dma_wait3A_457 : memref<2x64xi32, #tpu.memory_space<hbm>>) dst(%dma_wait3A_453 : memref<2x64xi32, #tpu.memory_space<vmem>>)
    %rem3A_458 = arith.constant 5 : i32
    %rem3A_459 = arith.constant 11 : i32
    %rem3A_460 = arith.remsi %rem3A_458, %rem3A_459 : i32
    %rem3A_461 = arith.constant 5 : i32
    %rem3A_462 = arith.constant 8 : i32
    %rem3A_463 = arith.remsi %rem3A_461, %rem3A_462 : i32
    %dma_start3A_464 = arith.constant 0 : i32
    %dma_start3A_465 = arith.constant 0 : i32
    %dma_start3A_466 = arith.constant 0 : i32
    %dma_start3A_467 = tpu.memref_slice %arg7[%rem3A_463, %dma_start3A_465, %dma_start3A_466] : memref<8x64x64xf32, #tpu.memory_space<vmem>> -> memref<1x64x64xf32, #tpu.memory_space<vmem>>
    %dma_start3A_468 = tpu.memref_squeeze %dma_start3A_467 : memref<1x64x64xf32, #tpu.memory_space<vmem>> -> memref<64x64xf32, #tpu.memory_space<vmem>>
    %dma_start3A_469 = arith.constant 0 : i32
    %dma_start3A_470 = tpu.memref_slice %arg6[%rem3A_460, %dma_start3A_464, %dma_start3A_469] : memref<11x2x64xi32, #tpu.memory_space<vmem>> -> memref<1x1x64xi32, #tpu.memory_space<vmem>>
    %dma_start3A_471 = tpu.memref_squeeze %dma_start3A_470 : memref<1x1x64xi32, #tpu.memory_space<vmem>> -> memref<64xi32, #tpu.memory_space<vmem>>
    %dma_start3A_472 = arith.constant 0 : i32
    %dma_start3A_473 = arith.constant 0 : i32
    %dma_start3A_474 = tpu.memref_slice %arg2[%dma_start3A_472, %dma_start3A_473] : memref<10000x64xf32, #tpu.memory_space<hbm>> -> memref<10000x64xf32, #tpu.memory_space<hbm>>
    %dma_start3A_475 = tpu.memref_slice %arg9[%rem3A_463] : memref<8x!tpu.dma_semaphore, #tpu.memory_space<semaphore_mem>> -> memref<1x!tpu.dma_semaphore, #tpu.memory_space<semaphore_mem>>
    %dma_start3A_476 = tpu.memref_squeeze %dma_start3A_475 : memref<1x!tpu.dma_semaphore, #tpu.memory_space<semaphore_mem>> -> memref<!tpu.dma_semaphore, #tpu.memory_space<semaphore_mem>>
    tpu.enqueue_indirect_dma source(%dma_start3A_474 : memref<10000x64xf32, #tpu.memory_space<hbm>>) target(%dma_start3A_468 : memref<64x64xf32, #tpu.memory_space<vmem>>) offsets(%dma_start3A_471 : memref<64xi32, #tpu.memory_space<vmem>>) semaphore(%dma_start3A_476 : memref<!tpu.dma_semaphore, #tpu.memory_space<semaphore_mem>>)
    %rem3A_477 = arith.constant 6 : i32
    %rem3A_478 = arith.constant 11 : i32
    %rem3A_479 = arith.remsi %rem3A_477, %rem3A_478 : i32
    %add3A_480 = arith.constant 6 : i32
    %add3A_481 = arith.addi %add3A, %add3A_480 : i32
    %dma_wait3A_482 = arith.constant 0 : i32
    %dma_wait3A_483 = arith.constant 0 : i32
    %dma_wait3A_484 = tpu.memref_slice %arg6[%rem3A_479, %dma_wait3A_482, %dma_wait3A_483] : memref<11x2x64xi32, #tpu.memory_space<vmem>> -> memref<1x2x64xi32, #tpu.memory_space<vmem>>
    %dma_wait3A_485 = tpu.memref_squeeze %dma_wait3A_484 : memref<1x2x64xi32, #tpu.memory_space<vmem>> -> memref<2x64xi32, #tpu.memory_space<vmem>>
    %dma_wait3A_486 = arith.constant 0 : i32
    %dma_wait3A_487 = arith.constant 0 : i32
    %dma_wait3A_488 = tpu.memref_slice %arg3[%add3A_481, %dma_wait3A_486, %dma_wait3A_487] : memref<5024x2x64xi32, #tpu.memory_space<hbm>> -> memref<1x2x64xi32, #tpu.memory_space<hbm>>
    %dma_wait3A_489 = tpu.memref_squeeze %dma_wait3A_488 : memref<1x2x64xi32, #tpu.memory_space<hbm>> -> memref<2x64xi32, #tpu.memory_space<hbm>>
    %dma_wait3A_490 = tpu.memref_slice %arg8[%rem3A_479] : memref<11x!tpu.dma_semaphore, #tpu.memory_space<semaphore_mem>> -> memref<1x!tpu.dma_semaphore, #tpu.memory_space<semaphore_mem>>
    %dma_wait3A_491 = tpu.memref_squeeze %dma_wait3A_490 : memref<1x!tpu.dma_semaphore, #tpu.memory_space<semaphore_mem>> -> memref<!tpu.dma_semaphore, #tpu.memory_space<semaphore_mem>>
    %dma_wait3A_492 = arith.constant 0 : i32
    %dma_wait3A_493 = arith.constant 0 : i32
    %dma_wait3A_494 = tpu.memref_slice %arg6[%rem3A_479, %dma_wait3A_492, %dma_wait3A_493] : memref<11x2x64xi32, #tpu.memory_space<vmem>> -> memref<1x2x64xi32, #tpu.memory_space<vmem>>
    %dma_wait3A_495 = tpu.memref_squeeze %dma_wait3A_494 : memref<1x2x64xi32, #tpu.memory_space<vmem>> -> memref<2x64xi32, #tpu.memory_space<vmem>>
    %dma_wait3A_496 = arith.constant 0 : i32
    %dma_wait3A_497 = arith.constant 0 : i32
    %dma_wait3A_498 = tpu.memref_slice %arg3[%add3A_481, %dma_wait3A_496, %dma_wait3A_497] : memref<5024x2x64xi32, #tpu.memory_space<hbm>> -> memref<1x2x64xi32, #tpu.memory_space<hbm>>
    %dma_wait3A_499 = tpu.memref_squeeze %dma_wait3A_498 : memref<1x2x64xi32, #tpu.memory_space<hbm>> -> memref<2x64xi32, #tpu.memory_space<hbm>>
    tpu.wait_dma2 semaphore(%dma_wait3A_491 : memref<!tpu.dma_semaphore, #tpu.memory_space<semaphore_mem>>) src(%dma_wait3A_499 : memref<2x64xi32, #tpu.memory_space<hbm>>) dst(%dma_wait3A_495 : memref<2x64xi32, #tpu.memory_space<vmem>>)
    %rem3A_500 = arith.constant 6 : i32
    %rem3A_501 = arith.constant 11 : i32
    %rem3A_502 = arith.remsi %rem3A_500, %rem3A_501 : i32
    %rem3A_503 = arith.constant 6 : i32
    %rem3A_504 = arith.constant 8 : i32
    %rem3A_505 = arith.remsi %rem3A_503, %rem3A_504 : i32
    %dma_start3A_506 = arith.constant 0 : i32
    %dma_start3A_507 = arith.constant 0 : i32
    %dma_start3A_508 = arith.constant 0 : i32
    %dma_start3A_509 = tpu.memref_slice %arg7[%rem3A_505, %dma_start3A_507, %dma_start3A_508] : memref<8x64x64xf32, #tpu.memory_space<vmem>> -> memref<1x64x64xf32, #tpu.memory_space<vmem>>
    %dma_start3A_510 = tpu.memref_squeeze %dma_start3A_509 : memref<1x64x64xf32, #tpu.memory_space<vmem>> -> memref<64x64xf32, #tpu.memory_space<vmem>>
    %dma_start3A_511 = arith.constant 0 : i32
    %dma_start3A_512 = tpu.memref_slice %arg6[%rem3A_502, %dma_start3A_506, %dma_start3A_511] : memref<11x2x64xi32, #tpu.memory_space<vmem>> -> memref<1x1x64xi32, #tpu.memory_space<vmem>>
    %dma_start3A_513 = tpu.memref_squeeze %dma_start3A_512 : memref<1x1x64xi32, #tpu.memory_space<vmem>> -> memref<64xi32, #tpu.memory_space<vmem>>
    %dma_start3A_514 = arith.constant 0 : i32
    %dma_start3A_515 = arith.constant 0 : i32
    %dma_start3A_516 = tpu.memref_slice %arg2[%dma_start3A_514, %dma_start3A_515] : memref<10000x64xf32, #tpu.memory_space<hbm>> -> memref<10000x64xf32, #tpu.memory_space<hbm>>
    %dma_start3A_517 = tpu.memref_slice %arg9[%rem3A_505] : memref<8x!tpu.dma_semaphore, #tpu.memory_space<semaphore_mem>> -> memref<1x!tpu.dma_semaphore, #tpu.memory_space<semaphore_mem>>
    %dma_start3A_518 = tpu.memref_squeeze %dma_start3A_517 : memref<1x!tpu.dma_semaphore, #tpu.memory_space<semaphore_mem>> -> memref<!tpu.dma_semaphore, #tpu.memory_space<semaphore_mem>>
    tpu.enqueue_indirect_dma source(%dma_start3A_516 : memref<10000x64xf32, #tpu.memory_space<hbm>>) target(%dma_start3A_510 : memref<64x64xf32, #tpu.memory_space<vmem>>) offsets(%dma_start3A_513 : memref<64xi32, #tpu.memory_space<vmem>>) semaphore(%dma_start3A_518 : memref<!tpu.dma_semaphore, #tpu.memory_space<semaphore_mem>>)
    %barrier3A = arith.constant 0 : index
    tpu.barrier barrier_id(%barrier3A)
    %while3A = arith.constant 0 : i32
    %while3A_519 = arith.constant 0 : i32
    %while3A_520 = arith.subi %select_n3A_7, %while3A : i32
    %while3A_521 = arith.addi %while3A, %while3A_520 : i32
    %while3A_522 = arith.constant 1 : i32
    %while3A_523 = arith.divsi %while3A_520, %while3A_522 : i32
    %while3A_524 = arith.muli %while3A_523, %while3A_522 : i32
    %while3A_525 = arith.addi %while3A, %while3A_524 : i32
    %while3A_526 = arith.constant 1 : i32
    %while3A_527 = scf.for %while3A_545 = %while3A to %while3A_525 step %while3A_526 iter_args(%while3A_546 = %while3A_519) -> (i32)  : i32 {
      %rem3A_547 = arith.constant 11 : i32
      %rem3A_548 = arith.remsi %while3A_545, %rem3A_547 : i32
      %rem3A_549 = arith.constant 8 : i32
      %rem3A_550 = arith.remsi %while3A_545, %rem3A_549 : i32
      %dma_wait3A_551 = arith.constant 0 : i32
      %dma_wait3A_552 = arith.constant 0 : i32
      %dma_wait3A_553 = arith.constant 0 : i32
      %dma_wait3A_554 = tpu.memref_slice %arg7[%rem3A_550, %dma_wait3A_552, %dma_wait3A_553] : memref<8x64x64xf32, #tpu.memory_space<vmem>> -> memref<1x64x64xf32, #tpu.memory_space<vmem>>
      %dma_wait3A_555 = tpu.memref_squeeze %dma_wait3A_554 : memref<1x64x64xf32, #tpu.memory_space<vmem>> -> memref<64x64xf32, #tpu.memory_space<vmem>>
      %dma_wait3A_556 = arith.constant 0 : i32
      %dma_wait3A_557 = tpu.memref_slice %arg6[%rem3A_548, %dma_wait3A_551, %dma_wait3A_556] : memref<11x2x64xi32, #tpu.memory_space<vmem>> -> memref<1x1x64xi32, #tpu.memory_space<vmem>>
      %dma_wait3A_558 = tpu.memref_squeeze %dma_wait3A_557 : memref<1x1x64xi32, #tpu.memory_space<vmem>> -> memref<64xi32, #tpu.memory_space<vmem>>
      %dma_wait3A_559 = arith.constant 0 : i32
      %dma_wait3A_560 = arith.constant 0 : i32
      %dma_wait3A_561 = tpu.memref_slice %arg2[%dma_wait3A_559, %dma_wait3A_560] : memref<10000x64xf32, #tpu.memory_space<hbm>> -> memref<10000x64xf32, #tpu.memory_space<hbm>>
      %dma_wait3A_562 = tpu.memref_slice %arg9[%rem3A_550] : memref<8x!tpu.dma_semaphore, #tpu.memory_space<semaphore_mem>> -> memref<1x!tpu.dma_semaphore, #tpu.memory_space<semaphore_mem>>
      %dma_wait3A_563 = tpu.memref_squeeze %dma_wait3A_562 : memref<1x!tpu.dma_semaphore, #tpu.memory_space<semaphore_mem>> -> memref<!tpu.dma_semaphore, #tpu.memory_space<semaphore_mem>>
      tpu.wait_indirect_dma semaphore(%dma_wait3A_563 : memref<!tpu.dma_semaphore, #tpu.memory_space<semaphore_mem>>) src(%dma_wait3A_561 : memref<10000x64xf32, #tpu.memory_space<hbm>>) dst(%dma_wait3A_555 : memref<64x64xf32, #tpu.memory_space<vmem>>)
      %rem3A_564 = arith.constant 11 : i32
      %rem3A_565 = arith.remsi %while3A_545, %rem3A_564 : i32
      %rem3A_566 = arith.constant 8 : i32
      %rem3A_567 = arith.remsi %while3A_545, %rem3A_566 : i32
      %dma_start3A_568 = arith.constant 1 : i32
      %dma_start3A_569 = arith.constant 0 : i32
      %dma_start3A_570 = arith.constant 0 : i32
      %dma_start3A_571 = tpu.memref_slice %arg7[%rem3A_567, %dma_start3A_569, %dma_start3A_570] : memref<8x64x64xf32, #tpu.memory_space<vmem>> -> memref<1x64x64xf32, #tpu.memory_space<vmem>>
      %dma_start3A_572 = tpu.memref_squeeze %dma_start3A_571 : memref<1x64x64xf32, #tpu.memory_space<vmem>> -> memref<64x64xf32, #tpu.memory_space<vmem>>
      %dma_start3A_573 = arith.constant 0 : i32
      %dma_start3A_574 = tpu.memref_slice %arg6[%rem3A_565, %dma_start3A_568, %dma_start3A_573] : memref<11x2x64xi32, #tpu.memory_space<vmem>> -> memref<1x1x64xi32, #tpu.memory_space<vmem>>
      %dma_start3A_575 = tpu.memref_squeeze %dma_start3A_574 : memref<1x1x64xi32, #tpu.memory_space<vmem>> -> memref<64xi32, #tpu.memory_space<vmem>>
      %dma_start3A_576 = arith.constant 0 : i32
      %dma_start3A_577 = arith.constant 0 : i32
      %dma_start3A_578 = tpu.memref_slice %arg5[%dma_start3A_576, %dma_start3A_577] : memref<10240x64xf32, #tpu.memory_space<vmem_shared>> -> memref<10240x64xf32, #tpu.memory_space<vmem_shared>>
      %dma_start3A_579 = tpu.memref_slice %arg10[%rem3A_567] : memref<8x!tpu.dma_semaphore, #tpu.memory_space<semaphore_mem>> -> memref<1x!tpu.dma_semaphore, #tpu.memory_space<semaphore_mem>>
      %dma_start3A_580 = tpu.memref_squeeze %dma_start3A_579 : memref<1x!tpu.dma_semaphore, #tpu.memory_space<semaphore_mem>> -> memref<!tpu.dma_semaphore, #tpu.memory_space<semaphore_mem>>
      tpu.enqueue_indirect_dma source(%dma_start3A_572 : memref<64x64xf32, #tpu.memory_space<vmem>>) target(%dma_start3A_578 : memref<10240x64xf32, #tpu.memory_space<vmem_shared>>) offsets(%dma_start3A_575 : memref<64xi32, #tpu.memory_space<vmem>>) semaphore(%dma_start3A_580 : memref<!tpu.dma_semaphore, #tpu.memory_space<semaphore_mem>>) {add = true}
      %add3A_581 = arith.constant 7 : i32
      %add3A_582 = arith.addi %while3A_545, %add3A_581 : i32
      %lt3A = arith.cmpi slt, %add3A_582, %select_n3A_7 : i32
      %convert_element_type3A = arith.extui %lt3A : i1 to i32
      %cond3A = arith.constant 0 : i32
      %cond3A_583 = arith.cmpi ne, %convert_element_type3A, %cond3A : i32
      scf.if %cond3A_583 {
        %add3A_585 = arith.constant 7 : i32
        %add3A_586 = arith.addi %while3A_545, %add3A_585 : i32
        %rem3A_587 = arith.constant 11 : i32
        %rem3A_588 = arith.remsi %add3A_586, %rem3A_587 : i32
        %add3A_589 = arith.addi %add3A, %add3A_586 : i32
        %dma_wait3A_590 = arith.constant 0 : i32
        %dma_wait3A_591 = arith.constant 0 : i32
        %dma_wait3A_592 = tpu.memref_slice %arg6[%rem3A_588, %dma_wait3A_590, %dma_wait3A_591] : memref<11x2x64xi32, #tpu.memory_space<vmem>> -> memref<1x2x64xi32, #tpu.memory_space<vmem>>
        %dma_wait3A_593 = tpu.memref_squeeze %dma_wait3A_592 : memref<1x2x64xi32, #tpu.memory_space<vmem>> -> memref<2x64xi32, #tpu.memory_space<vmem>>
        %dma_wait3A_594 = arith.constant 0 : i32
        %dma_wait3A_595 = arith.constant 0 : i32
        %dma_wait3A_596 = tpu.memref_slice %arg3[%add3A_589, %dma_wait3A_594, %dma_wait3A_595] : memref<5024x2x64xi32, #tpu.memory_space<hbm>> -> memref<1x2x64xi32, #tpu.memory_space<hbm>>
        %dma_wait3A_597 = tpu.memref_squeeze %dma_wait3A_596 : memref<1x2x64xi32, #tpu.memory_space<hbm>> -> memref<2x64xi32, #tpu.memory_space<hbm>>
        %dma_wait3A_598 = tpu.memref_slice %arg8[%rem3A_588] : memref<11x!tpu.dma_semaphore, #tpu.memory_space<semaphore_mem>> -> memref<1x!tpu.dma_semaphore, #tpu.memory_space<semaphore_mem>>
        %dma_wait3A_599 = tpu.memref_squeeze %dma_wait3A_598 : memref<1x!tpu.dma_semaphore, #tpu.memory_space<semaphore_mem>> -> memref<!tpu.dma_semaphore, #tpu.memory_space<semaphore_mem>>
        %dma_wait3A_600 = arith.constant 0 : i32
        %dma_wait3A_601 = arith.constant 0 : i32
        %dma_wait3A_602 = tpu.memref_slice %arg6[%rem3A_588, %dma_wait3A_600, %dma_wait3A_601] : memref<11x2x64xi32, #tpu.memory_space<vmem>> -> memref<1x2x64xi32, #tpu.memory_space<vmem>>
        %dma_wait3A_603 = tpu.memref_squeeze %dma_wait3A_602 : memref<1x2x64xi32, #tpu.memory_space<vmem>> -> memref<2x64xi32, #tpu.memory_space<vmem>>
        %dma_wait3A_604 = arith.constant 0 : i32
        %dma_wait3A_605 = arith.constant 0 : i32
        %dma_wait3A_606 = tpu.memref_slice %arg3[%add3A_589, %dma_wait3A_604, %dma_wait3A_605] : memref<5024x2x64xi32, #tpu.memory_space<hbm>> -> memref<1x2x64xi32, #tpu.memory_space<hbm>>
        %dma_wait3A_607 = tpu.memref_squeeze %dma_wait3A_606 : memref<1x2x64xi32, #tpu.memory_space<hbm>> -> memref<2x64xi32, #tpu.memory_space<hbm>>
        tpu.wait_dma2 semaphore(%dma_wait3A_599 : memref<!tpu.dma_semaphore, #tpu.memory_space<semaphore_mem>>) src(%dma_wait3A_607 : memref<2x64xi32, #tpu.memory_space<hbm>>) dst(%dma_wait3A_603 : memref<2x64xi32, #tpu.memory_space<vmem>>)
        %add3A_608 = arith.constant 7 : i32
        %add3A_609 = arith.addi %while3A_545, %add3A_608 : i32
        %add3A_610 = arith.constant 2 : i32
        %add3A_611 = arith.addi %add3A_609, %add3A_610 : i32
        %lt3A_612 = arith.cmpi slt, %add3A_611, %select_n3A_7 : i32
        %convert_element_type3A_613 = arith.extui %lt3A_612 : i1 to i32
        %cond3A_614 = arith.constant 0 : i32
        %cond3A_615 = arith.cmpi ne, %convert_element_type3A_613, %cond3A_614 : i32
        scf.if %cond3A_615 {
          %add3A_641 = arith.constant 7 : i32
          %add3A_642 = arith.addi %while3A_545, %add3A_641 : i32
          %add3A_643 = arith.constant 2 : i32
          %add3A_644 = arith.addi %add3A_642, %add3A_643 : i32
          %rem3A_645 = arith.constant 11 : i32
          %rem3A_646 = arith.remsi %add3A_644, %rem3A_645 : i32
          %add3A_647 = arith.addi %add3A, %add3A_644 : i32
          %dma_start3A_648 = arith.constant 0 : i32
          %dma_start3A_649 = arith.constant 0 : i32
          %dma_start3A_650 = tpu.memref_slice %arg6[%rem3A_646, %dma_start3A_648, %dma_start3A_649] : memref<11x2x64xi32, #tpu.memory_space<vmem>> -> memref<1x2x64xi32, #tpu.memory_space<vmem>>
          %dma_start3A_651 = tpu.memref_squeeze %dma_start3A_650 : memref<1x2x64xi32, #tpu.memory_space<vmem>> -> memref<2x64xi32, #tpu.memory_space<vmem>>
          %dma_start3A_652 = arith.constant 0 : i32
          %dma_start3A_653 = arith.constant 0 : i32
          %dma_start3A_654 = tpu.memref_slice %arg3[%add3A_647, %dma_start3A_652, %dma_start3A_653] : memref<5024x2x64xi32, #tpu.memory_space<hbm>> -> memref<1x2x64xi32, #tpu.memory_space<hbm>>
          %dma_start3A_655 = tpu.memref_squeeze %dma_start3A_654 : memref<1x2x64xi32, #tpu.memory_space<hbm>> -> memref<2x64xi32, #tpu.memory_space<hbm>>
          %dma_start3A_656 = tpu.memref_slice %arg8[%rem3A_646] : memref<11x!tpu.dma_semaphore, #tpu.memory_space<semaphore_mem>> -> memref<1x!tpu.dma_semaphore, #tpu.memory_space<semaphore_mem>>
          %dma_start3A_657 = tpu.memref_squeeze %dma_start3A_656 : memref<1x!tpu.dma_semaphore, #tpu.memory_space<semaphore_mem>> -> memref<!tpu.dma_semaphore, #tpu.memory_space<semaphore_mem>>
          %dma_start3A_658 = arith.constant 0 : i32
          %dma_start3A_659 = arith.constant 0 : i32
          %dma_start3A_660 = tpu.memref_slice %arg6[%rem3A_646, %dma_start3A_658, %dma_start3A_659] : memref<11x2x64xi32, #tpu.memory_space<vmem>> -> memref<1x2x64xi32, #tpu.memory_space<vmem>>
          %dma_start3A_661 = tpu.memref_squeeze %dma_start3A_660 : memref<1x2x64xi32, #tpu.memory_space<vmem>> -> memref<2x64xi32, #tpu.memory_space<vmem>>
          %dma_start3A_662 = arith.constant 0 : i32
          %dma_start3A_663 = arith.constant 0 : i32
          %dma_start3A_664 = tpu.memref_slice %arg3[%add3A_647, %dma_start3A_662, %dma_start3A_663] : memref<5024x2x64xi32, #tpu.memory_space<hbm>> -> memref<1x2x64xi32, #tpu.memory_space<hbm>>
          %dma_start3A_665 = tpu.memref_squeeze %dma_start3A_664 : memref<1x2x64xi32, #tpu.memory_space<hbm>> -> memref<2x64xi32, #tpu.memory_space<hbm>>
          tpu.enqueue_dma source(%dma_start3A_665 : memref<2x64xi32, #tpu.memory_space<hbm>>) target(%dma_start3A_661 : memref<2x64xi32, #tpu.memory_space<vmem>>) target_semaphore(%dma_start3A_657 : memref<!tpu.dma_semaphore, #tpu.memory_space<semaphore_mem>>)
        } else {
        }
        %add3A_616 = arith.constant 7 : i32
        %add3A_617 = arith.addi %while3A_545, %add3A_616 : i32
        %ge3A = arith.constant 8 : i32
        %ge3A_618 = arith.cmpi sge, %add3A_617, %ge3A : i32
        %convert_element_type3A_619 = arith.extui %ge3A_618 : i1 to i32
        %cond3A_620 = arith.constant 0 : i32
        %cond3A_621 = arith.cmpi ne, %convert_element_type3A_619, %cond3A_620 : i32
        scf.if %cond3A_621 {
          %add3A_641 = arith.constant 7 : i32
          %add3A_642 = arith.addi %while3A_545, %add3A_641 : i32
          %sub3A = arith.constant 8 : i32
          %sub3A_643 = arith.subi %add3A_642, %sub3A : i32
          %rem3A_644 = arith.constant 11 : i32
          %rem3A_645 = arith.remsi %sub3A_643, %rem3A_644 : i32
          %rem3A_646 = arith.constant 8 : i32
          %rem3A_647 = arith.remsi %sub3A_643, %rem3A_646 : i32
          %dma_wait3A_648 = arith.constant 1 : i32
          %dma_wait3A_649 = arith.constant 0 : i32
          %dma_wait3A_650 = arith.constant 0 : i32
          %dma_wait3A_651 = tpu.memref_slice %arg7[%rem3A_647, %dma_wait3A_649, %dma_wait3A_650] : memref<8x64x64xf32, #tpu.memory_space<vmem>> -> memref<1x64x64xf32, #tpu.memory_space<vmem>>
          %dma_wait3A_652 = tpu.memref_squeeze %dma_wait3A_651 : memref<1x64x64xf32, #tpu.memory_space<vmem>> -> memref<64x64xf32, #tpu.memory_space<vmem>>
          %dma_wait3A_653 = arith.constant 0 : i32
          %dma_wait3A_654 = tpu.memref_slice %arg6[%rem3A_645, %dma_wait3A_648, %dma_wait3A_653] : memref<11x2x64xi32, #tpu.memory_space<vmem>> -> memref<1x1x64xi32, #tpu.memory_space<vmem>>
          %dma_wait3A_655 = tpu.memref_squeeze %dma_wait3A_654 : memref<1x1x64xi32, #tpu.memory_space<vmem>> -> memref<64xi32, #tpu.memory_space<vmem>>
          %dma_wait3A_656 = arith.constant 0 : i32
          %dma_wait3A_657 = arith.constant 0 : i32
          %dma_wait3A_658 = tpu.memref_slice %arg5[%dma_wait3A_656, %dma_wait3A_657] : memref<10240x64xf32, #tpu.memory_space<vmem_shared>> -> memref<10240x64xf32, #tpu.memory_space<vmem_shared>>
          %dma_wait3A_659 = tpu.memref_slice %arg10[%rem3A_647] : memref<8x!tpu.dma_semaphore, #tpu.memory_space<semaphore_mem>> -> memref<1x!tpu.dma_semaphore, #tpu.memory_space<semaphore_mem>>
          %dma_wait3A_660 = tpu.memref_squeeze %dma_wait3A_659 : memref<1x!tpu.dma_semaphore, #tpu.memory_space<semaphore_mem>> -> memref<!tpu.dma_semaphore, #tpu.memory_space<semaphore_mem>>
          tpu.wait_indirect_dma semaphore(%dma_wait3A_660 : memref<!tpu.dma_semaphore, #tpu.memory_space<semaphore_mem>>) src(%dma_wait3A_652 : memref<64x64xf32, #tpu.memory_space<vmem>>) dst(%dma_wait3A_658 : memref<10240x64xf32, #tpu.memory_space<vmem_shared>>)
        } else {
        }
        %add3A_622 = arith.constant 7 : i32
        %add3A_623 = arith.addi %while3A_545, %add3A_622 : i32
        %rem3A_624 = arith.constant 11 : i32
        %rem3A_625 = arith.remsi %add3A_623, %rem3A_624 : i32
        %rem3A_626 = arith.constant 8 : i32
        %rem3A_627 = arith.remsi %add3A_623, %rem3A_626 : i32
        %dma_start3A_628 = arith.constant 0 : i32
        %dma_start3A_629 = arith.constant 0 : i32
        %dma_start3A_630 = arith.constant 0 : i32
        %dma_start3A_631 = tpu.memref_slice %arg7[%rem3A_627, %dma_start3A_629, %dma_start3A_630] : memref<8x64x64xf32, #tpu.memory_space<vmem>> -> memref<1x64x64xf32, #tpu.memory_space<vmem>>
        %dma_start3A_632 = tpu.memref_squeeze %dma_start3A_631 : memref<1x64x64xf32, #tpu.memory_space<vmem>> -> memref<64x64xf32, #tpu.memory_space<vmem>>
        %dma_start3A_633 = arith.constant 0 : i32
        %dma_start3A_634 = tpu.memref_slice %arg6[%rem3A_625, %dma_start3A_628, %dma_start3A_633] : memref<11x2x64xi32, #tpu.memory_space<vmem>> -> memref<1x1x64xi32, #tpu.memory_space<vmem>>
        %dma_start3A_635 = tpu.memref_squeeze %dma_start3A_634 : memref<1x1x64xi32, #tpu.memory_space<vmem>> -> memref<64xi32, #tpu.memory_space<vmem>>
        %dma_start3A_636 = arith.constant 0 : i32
        %dma_start3A_637 = arith.constant 0 : i32
        %dma_start3A_638 = tpu.memref_slice %arg2[%dma_start3A_636, %dma_start3A_637] : memref<10000x64xf32, #tpu.memory_space<hbm>> -> memref<10000x64xf32, #tpu.memory_space<hbm>>
        %dma_start3A_639 = tpu.memref_slice %arg9[%rem3A_627] : memref<8x!tpu.dma_semaphore, #tpu.memory_space<semaphore_mem>> -> memref<1x!tpu.dma_semaphore, #tpu.memory_space<semaphore_mem>>
        %dma_start3A_640 = tpu.memref_squeeze %dma_start3A_639 : memref<1x!tpu.dma_semaphore, #tpu.memory_space<semaphore_mem>> -> memref<!tpu.dma_semaphore, #tpu.memory_space<semaphore_mem>>
        tpu.enqueue_indirect_dma source(%dma_start3A_638 : memref<10000x64xf32, #tpu.memory_space<hbm>>) target(%dma_start3A_632 : memref<64x64xf32, #tpu.memory_space<vmem>>) offsets(%dma_start3A_635 : memref<64xi32, #tpu.memory_space<vmem>>) semaphore(%dma_start3A_640 : memref<!tpu.dma_semaphore, #tpu.memory_space<semaphore_mem>>)
      } else {
      }
      %while3A_584 = arith.constant 0 : i32
      scf.yield %while3A_584 : i32
    }
    %while3A_528 = arith.constant 1 : i32
    %while3A_529 = scf.for %while3A_545 = %while3A_525 to %while3A_521 step %while3A_528 iter_args(%while3A_546 = %while3A_527) -> (i32)  : i32 {
      %rem3A_547 = arith.constant 11 : i32
      %rem3A_548 = arith.remsi %while3A_545, %rem3A_547 : i32
      %rem3A_549 = arith.constant 8 : i32
      %rem3A_550 = arith.remsi %while3A_545, %rem3A_549 : i32
      %dma_wait3A_551 = arith.constant 0 : i32
      %dma_wait3A_552 = arith.constant 0 : i32
      %dma_wait3A_553 = arith.constant 0 : i32
      %dma_wait3A_554 = tpu.memref_slice %arg7[%rem3A_550, %dma_wait3A_552, %dma_wait3A_553] : memref<8x64x64xf32, #tpu.memory_space<vmem>> -> memref<1x64x64xf32, #tpu.memory_space<vmem>>
      %dma_wait3A_555 = tpu.memref_squeeze %dma_wait3A_554 : memref<1x64x64xf32, #tpu.memory_space<vmem>> -> memref<64x64xf32, #tpu.memory_space<vmem>>
      %dma_wait3A_556 = arith.constant 0 : i32
      %dma_wait3A_557 = tpu.memref_slice %arg6[%rem3A_548, %dma_wait3A_551, %dma_wait3A_556] : memref<11x2x64xi32, #tpu.memory_space<vmem>> -> memref<1x1x64xi32, #tpu.memory_space<vmem>>
      %dma_wait3A_558 = tpu.memref_squeeze %dma_wait3A_557 : memref<1x1x64xi32, #tpu.memory_space<vmem>> -> memref<64xi32, #tpu.memory_space<vmem>>
      %dma_wait3A_559 = arith.constant 0 : i32
      %dma_wait3A_560 = arith.constant 0 : i32
      %dma_wait3A_561 = tpu.memref_slice %arg2[%dma_wait3A_559, %dma_wait3A_560] : memref<10000x64xf32, #tpu.memory_space<hbm>> -> memref<10000x64xf32, #tpu.memory_space<hbm>>
      %dma_wait3A_562 = tpu.memref_slice %arg9[%rem3A_550] : memref<8x!tpu.dma_semaphore, #tpu.memory_space<semaphore_mem>> -> memref<1x!tpu.dma_semaphore, #tpu.memory_space<semaphore_mem>>
      %dma_wait3A_563 = tpu.memref_squeeze %dma_wait3A_562 : memref<1x!tpu.dma_semaphore, #tpu.memory_space<semaphore_mem>> -> memref<!tpu.dma_semaphore, #tpu.memory_space<semaphore_mem>>
      tpu.wait_indirect_dma semaphore(%dma_wait3A_563 : memref<!tpu.dma_semaphore, #tpu.memory_space<semaphore_mem>>) src(%dma_wait3A_561 : memref<10000x64xf32, #tpu.memory_space<hbm>>) dst(%dma_wait3A_555 : memref<64x64xf32, #tpu.memory_space<vmem>>)
      %rem3A_564 = arith.constant 11 : i32
      %rem3A_565 = arith.remsi %while3A_545, %rem3A_564 : i32
      %rem3A_566 = arith.constant 8 : i32
      %rem3A_567 = arith.remsi %while3A_545, %rem3A_566 : i32
      %dma_start3A_568 = arith.constant 1 : i32
      %dma_start3A_569 = arith.constant 0 : i32
      %dma_start3A_570 = arith.constant 0 : i32
      %dma_start3A_571 = tpu.memref_slice %arg7[%rem3A_567, %dma_start3A_569, %dma_start3A_570] : memref<8x64x64xf32, #tpu.memory_space<vmem>> -> memref<1x64x64xf32, #tpu.memory_space<vmem>>
      %dma_start3A_572 = tpu.memref_squeeze %dma_start3A_571 : memref<1x64x64xf32, #tpu.memory_space<vmem>> -> memref<64x64xf32, #tpu.memory_space<vmem>>
      %dma_start3A_573 = arith.constant 0 : i32
      %dma_start3A_574 = tpu.memref_slice %arg6[%rem3A_565, %dma_start3A_568, %dma_start3A_573] : memref<11x2x64xi32, #tpu.memory_space<vmem>> -> memref<1x1x64xi32, #tpu.memory_space<vmem>>
      %dma_start3A_575 = tpu.memref_squeeze %dma_start3A_574 : memref<1x1x64xi32, #tpu.memory_space<vmem>> -> memref<64xi32, #tpu.memory_space<vmem>>
      %dma_start3A_576 = arith.constant 0 : i32
      %dma_start3A_577 = arith.constant 0 : i32
      %dma_start3A_578 = tpu.memref_slice %arg5[%dma_start3A_576, %dma_start3A_577] : memref<10240x64xf32, #tpu.memory_space<vmem_shared>> -> memref<10240x64xf32, #tpu.memory_space<vmem_shared>>
      %dma_start3A_579 = tpu.memref_slice %arg10[%rem3A_567] : memref<8x!tpu.dma_semaphore, #tpu.memory_space<semaphore_mem>> -> memref<1x!tpu.dma_semaphore, #tpu.memory_space<semaphore_mem>>
      %dma_start3A_580 = tpu.memref_squeeze %dma_start3A_579 : memref<1x!tpu.dma_semaphore, #tpu.memory_space<semaphore_mem>> -> memref<!tpu.dma_semaphore, #tpu.memory_space<semaphore_mem>>
      tpu.enqueue_indirect_dma source(%dma_start3A_572 : memref<64x64xf32, #tpu.memory_space<vmem>>) target(%dma_start3A_578 : memref<10240x64xf32, #tpu.memory_space<vmem_shared>>) offsets(%dma_start3A_575 : memref<64xi32, #tpu.memory_space<vmem>>) semaphore(%dma_start3A_580 : memref<!tpu.dma_semaphore, #tpu.memory_space<semaphore_mem>>) {add = true}
      %add3A_581 = arith.constant 7 : i32
      %add3A_582 = arith.addi %while3A_545, %add3A_581 : i32
      %lt3A = arith.cmpi slt, %add3A_582, %select_n3A_7 : i32
      %convert_element_type3A = arith.extui %lt3A : i1 to i32
      %cond3A = arith.constant 0 : i32
      %cond3A_583 = arith.cmpi ne, %convert_element_type3A, %cond3A : i32
      scf.if %cond3A_583 {
        %add3A_585 = arith.constant 7 : i32
        %add3A_586 = arith.addi %while3A_545, %add3A_585 : i32
        %rem3A_587 = arith.constant 11 : i32
        %rem3A_588 = arith.remsi %add3A_586, %rem3A_587 : i32
        %add3A_589 = arith.addi %add3A, %add3A_586 : i32
        %dma_wait3A_590 = arith.constant 0 : i32
        %dma_wait3A_591 = arith.constant 0 : i32
        %dma_wait3A_592 = tpu.memref_slice %arg6[%rem3A_588, %dma_wait3A_590, %dma_wait3A_591] : memref<11x2x64xi32, #tpu.memory_space<vmem>> -> memref<1x2x64xi32, #tpu.memory_space<vmem>>
        %dma_wait3A_593 = tpu.memref_squeeze %dma_wait3A_592 : memref<1x2x64xi32, #tpu.memory_space<vmem>> -> memref<2x64xi32, #tpu.memory_space<vmem>>
        %dma_wait3A_594 = arith.constant 0 : i32
        %dma_wait3A_595 = arith.constant 0 : i32
        %dma_wait3A_596 = tpu.memref_slice %arg3[%add3A_589, %dma_wait3A_594, %dma_wait3A_595] : memref<5024x2x64xi32, #tpu.memory_space<hbm>> -> memref<1x2x64xi32, #tpu.memory_space<hbm>>
        %dma_wait3A_597 = tpu.memref_squeeze %dma_wait3A_596 : memref<1x2x64xi32, #tpu.memory_space<hbm>> -> memref<2x64xi32, #tpu.memory_space<hbm>>
        %dma_wait3A_598 = tpu.memref_slice %arg8[%rem3A_588] : memref<11x!tpu.dma_semaphore, #tpu.memory_space<semaphore_mem>> -> memref<1x!tpu.dma_semaphore, #tpu.memory_space<semaphore_mem>>
        %dma_wait3A_599 = tpu.memref_squeeze %dma_wait3A_598 : memref<1x!tpu.dma_semaphore, #tpu.memory_space<semaphore_mem>> -> memref<!tpu.dma_semaphore, #tpu.memory_space<semaphore_mem>>
        %dma_wait3A_600 = arith.constant 0 : i32
        %dma_wait3A_601 = arith.constant 0 : i32
        %dma_wait3A_602 = tpu.memref_slice %arg6[%rem3A_588, %dma_wait3A_600, %dma_wait3A_601] : memref<11x2x64xi32, #tpu.memory_space<vmem>> -> memref<1x2x64xi32, #tpu.memory_space<vmem>>
        %dma_wait3A_603 = tpu.memref_squeeze %dma_wait3A_602 : memref<1x2x64xi32, #tpu.memory_space<vmem>> -> memref<2x64xi32, #tpu.memory_space<vmem>>
        %dma_wait3A_604 = arith.constant 0 : i32
        %dma_wait3A_605 = arith.constant 0 : i32
        %dma_wait3A_606 = tpu.memref_slice %arg3[%add3A_589, %dma_wait3A_604, %dma_wait3A_605] : memref<5024x2x64xi32, #tpu.memory_space<hbm>> -> memref<1x2x64xi32, #tpu.memory_space<hbm>>
        %dma_wait3A_607 = tpu.memref_squeeze %dma_wait3A_606 : memref<1x2x64xi32, #tpu.memory_space<hbm>> -> memref<2x64xi32, #tpu.memory_space<hbm>>
        tpu.wait_dma2 semaphore(%dma_wait3A_599 : memref<!tpu.dma_semaphore, #tpu.memory_space<semaphore_mem>>) src(%dma_wait3A_607 : memref<2x64xi32, #tpu.memory_space<hbm>>) dst(%dma_wait3A_603 : memref<2x64xi32, #tpu.memory_space<vmem>>)
        %add3A_608 = arith.constant 7 : i32
        %add3A_609 = arith.addi %while3A_545, %add3A_608 : i32
        %add3A_610 = arith.constant 2 : i32
        %add3A_611 = arith.addi %add3A_609, %add3A_610 : i32
        %lt3A_612 = arith.cmpi slt, %add3A_611, %select_n3A_7 : i32
        %convert_element_type3A_613 = arith.extui %lt3A_612 : i1 to i32
        %cond3A_614 = arith.constant 0 : i32
        %cond3A_615 = arith.cmpi ne, %convert_element_type3A_613, %cond3A_614 : i32
        scf.if %cond3A_615 {
          %add3A_641 = arith.constant 7 : i32
          %add3A_642 = arith.addi %while3A_545, %add3A_641 : i32
          %add3A_643 = arith.constant 2 : i32
          %add3A_644 = arith.addi %add3A_642, %add3A_643 : i32
          %rem3A_645 = arith.constant 11 : i32
          %rem3A_646 = arith.remsi %add3A_644, %rem3A_645 : i32
          %add3A_647 = arith.addi %add3A, %add3A_644 : i32
          %dma_start3A_648 = arith.constant 0 : i32
          %dma_start3A_649 = arith.constant 0 : i32
          %dma_start3A_650 = tpu.memref_slice %arg6[%rem3A_646, %dma_start3A_648, %dma_start3A_649] : memref<11x2x64xi32, #tpu.memory_space<vmem>> -> memref<1x2x64xi32, #tpu.memory_space<vmem>>
          %dma_start3A_651 = tpu.memref_squeeze %dma_start3A_650 : memref<1x2x64xi32, #tpu.memory_space<vmem>> -> memref<2x64xi32, #tpu.memory_space<vmem>>
          %dma_start3A_652 = arith.constant 0 : i32
          %dma_start3A_653 = arith.constant 0 : i32
          %dma_start3A_654 = tpu.memref_slice %arg3[%add3A_647, %dma_start3A_652, %dma_start3A_653] : memref<5024x2x64xi32, #tpu.memory_space<hbm>> -> memref<1x2x64xi32, #tpu.memory_space<hbm>>
          %dma_start3A_655 = tpu.memref_squeeze %dma_start3A_654 : memref<1x2x64xi32, #tpu.memory_space<hbm>> -> memref<2x64xi32, #tpu.memory_space<hbm>>
          %dma_start3A_656 = tpu.memref_slice %arg8[%rem3A_646] : memref<11x!tpu.dma_semaphore, #tpu.memory_space<semaphore_mem>> -> memref<1x!tpu.dma_semaphore, #tpu.memory_space<semaphore_mem>>
          %dma_start3A_657 = tpu.memref_squeeze %dma_start3A_656 : memref<1x!tpu.dma_semaphore, #tpu.memory_space<semaphore_mem>> -> memref<!tpu.dma_semaphore, #tpu.memory_space<semaphore_mem>>
          %dma_start3A_658 = arith.constant 0 : i32
          %dma_start3A_659 = arith.constant 0 : i32
          %dma_start3A_660 = tpu.memref_slice %arg6[%rem3A_646, %dma_start3A_658, %dma_start3A_659] : memref<11x2x64xi32, #tpu.memory_space<vmem>> -> memref<1x2x64xi32, #tpu.memory_space<vmem>>
          %dma_start3A_661 = tpu.memref_squeeze %dma_start3A_660 : memref<1x2x64xi32, #tpu.memory_space<vmem>> -> memref<2x64xi32, #tpu.memory_space<vmem>>
          %dma_start3A_662 = arith.constant 0 : i32
          %dma_start3A_663 = arith.constant 0 : i32
          %dma_start3A_664 = tpu.memref_slice %arg3[%add3A_647, %dma_start3A_662, %dma_start3A_663] : memref<5024x2x64xi32, #tpu.memory_space<hbm>> -> memref<1x2x64xi32, #tpu.memory_space<hbm>>
          %dma_start3A_665 = tpu.memref_squeeze %dma_start3A_664 : memref<1x2x64xi32, #tpu.memory_space<hbm>> -> memref<2x64xi32, #tpu.memory_space<hbm>>
          tpu.enqueue_dma source(%dma_start3A_665 : memref<2x64xi32, #tpu.memory_space<hbm>>) target(%dma_start3A_661 : memref<2x64xi32, #tpu.memory_space<vmem>>) target_semaphore(%dma_start3A_657 : memref<!tpu.dma_semaphore, #tpu.memory_space<semaphore_mem>>)
        } else {
        }
        %add3A_616 = arith.constant 7 : i32
        %add3A_617 = arith.addi %while3A_545, %add3A_616 : i32
        %ge3A = arith.constant 8 : i32
        %ge3A_618 = arith.cmpi sge, %add3A_617, %ge3A : i32
        %convert_element_type3A_619 = arith.extui %ge3A_618 : i1 to i32
        %cond3A_620 = arith.constant 0 : i32
        %cond3A_621 = arith.cmpi ne, %convert_element_type3A_619, %cond3A_620 : i32
        scf.if %cond3A_621 {
          %add3A_641 = arith.constant 7 : i32
          %add3A_642 = arith.addi %while3A_545, %add3A_641 : i32
          %sub3A = arith.constant 8 : i32
          %sub3A_643 = arith.subi %add3A_642, %sub3A : i32
          %rem3A_644 = arith.constant 11 : i32
          %rem3A_645 = arith.remsi %sub3A_643, %rem3A_644 : i32
          %rem3A_646 = arith.constant 8 : i32
          %rem3A_647 = arith.remsi %sub3A_643, %rem3A_646 : i32
          %dma_wait3A_648 = arith.constant 1 : i32
          %dma_wait3A_649 = arith.constant 0 : i32
          %dma_wait3A_650 = arith.constant 0 : i32
          %dma_wait3A_651 = tpu.memref_slice %arg7[%rem3A_647, %dma_wait3A_649, %dma_wait3A_650] : memref<8x64x64xf32, #tpu.memory_space<vmem>> -> memref<1x64x64xf32, #tpu.memory_space<vmem>>
          %dma_wait3A_652 = tpu.memref_squeeze %dma_wait3A_651 : memref<1x64x64xf32, #tpu.memory_space<vmem>> -> memref<64x64xf32, #tpu.memory_space<vmem>>
          %dma_wait3A_653 = arith.constant 0 : i32
          %dma_wait3A_654 = tpu.memref_slice %arg6[%rem3A_645, %dma_wait3A_648, %dma_wait3A_653] : memref<11x2x64xi32, #tpu.memory_space<vmem>> -> memref<1x1x64xi32, #tpu.memory_space<vmem>>
          %dma_wait3A_655 = tpu.memref_squeeze %dma_wait3A_654 : memref<1x1x64xi32, #tpu.memory_space<vmem>> -> memref<64xi32, #tpu.memory_space<vmem>>
          %dma_wait3A_656 = arith.constant 0 : i32
          %dma_wait3A_657 = arith.constant 0 : i32
          %dma_wait3A_658 = tpu.memref_slice %arg5[%dma_wait3A_656, %dma_wait3A_657] : memref<10240x64xf32, #tpu.memory_space<vmem_shared>> -> memref<10240x64xf32, #tpu.memory_space<vmem_shared>>
          %dma_wait3A_659 = tpu.memref_slice %arg10[%rem3A_647] : memref<8x!tpu.dma_semaphore, #tpu.memory_space<semaphore_mem>> -> memref<1x!tpu.dma_semaphore, #tpu.memory_space<semaphore_mem>>
          %dma_wait3A_660 = tpu.memref_squeeze %dma_wait3A_659 : memref<1x!tpu.dma_semaphore, #tpu.memory_space<semaphore_mem>> -> memref<!tpu.dma_semaphore, #tpu.memory_space<semaphore_mem>>
          tpu.wait_indirect_dma semaphore(%dma_wait3A_660 : memref<!tpu.dma_semaphore, #tpu.memory_space<semaphore_mem>>) src(%dma_wait3A_652 : memref<64x64xf32, #tpu.memory_space<vmem>>) dst(%dma_wait3A_658 : memref<10240x64xf32, #tpu.memory_space<vmem_shared>>)
        } else {
        }
        %add3A_622 = arith.constant 7 : i32
        %add3A_623 = arith.addi %while3A_545, %add3A_622 : i32
        %rem3A_624 = arith.constant 11 : i32
        %rem3A_625 = arith.remsi %add3A_623, %rem3A_624 : i32
        %rem3A_626 = arith.constant 8 : i32
        %rem3A_627 = arith.remsi %add3A_623, %rem3A_626 : i32
        %dma_start3A_628 = arith.constant 0 : i32
        %dma_start3A_629 = arith.constant 0 : i32
        %dma_start3A_630 = arith.constant 0 : i32
        %dma_start3A_631 = tpu.memref_slice %arg7[%rem3A_627, %dma_start3A_629, %dma_start3A_630] : memref<8x64x64xf32, #tpu.memory_space<vmem>> -> memref<1x64x64xf32, #tpu.memory_space<vmem>>
        %dma_start3A_632 = tpu.memref_squeeze %dma_start3A_631 : memref<1x64x64xf32, #tpu.memory_space<vmem>> -> memref<64x64xf32, #tpu.memory_space<vmem>>
        %dma_start3A_633 = arith.constant 0 : i32
        %dma_start3A_634 = tpu.memref_slice %arg6[%rem3A_625, %dma_start3A_628, %dma_start3A_633] : memref<11x2x64xi32, #tpu.memory_space<vmem>> -> memref<1x1x64xi32, #tpu.memory_space<vmem>>
        %dma_start3A_635 = tpu.memref_squeeze %dma_start3A_634 : memref<1x1x64xi32, #tpu.memory_space<vmem>> -> memref<64xi32, #tpu.memory_space<vmem>>
        %dma_start3A_636 = arith.constant 0 : i32
        %dma_start3A_637 = arith.constant 0 : i32
        %dma_start3A_638 = tpu.memref_slice %arg2[%dma_start3A_636, %dma_start3A_637] : memref<10000x64xf32, #tpu.memory_space<hbm>> -> memref<10000x64xf32, #tpu.memory_space<hbm>>
        %dma_start3A_639 = tpu.memref_slice %arg9[%rem3A_627] : memref<8x!tpu.dma_semaphore, #tpu.memory_space<semaphore_mem>> -> memref<1x!tpu.dma_semaphore, #tpu.memory_space<semaphore_mem>>
        %dma_start3A_640 = tpu.memref_squeeze %dma_start3A_639 : memref<1x!tpu.dma_semaphore, #tpu.memory_space<semaphore_mem>> -> memref<!tpu.dma_semaphore, #tpu.memory_space<semaphore_mem>>
        tpu.enqueue_indirect_dma source(%dma_start3A_638 : memref<10000x64xf32, #tpu.memory_space<hbm>>) target(%dma_start3A_632 : memref<64x64xf32, #tpu.memory_space<vmem>>) offsets(%dma_start3A_635 : memref<64xi32, #tpu.memory_space<vmem>>) semaphore(%dma_start3A_640 : memref<!tpu.dma_semaphore, #tpu.memory_space<semaphore_mem>>)
      } else {
      }
      %while3A_584 = arith.constant 0 : i32
      scf.yield %while3A_584 : i32
    }
    %scan3A_530 = arith.constant 0 : i32
    %scan3A_531 = arith.constant 0 : i32
    %scan3A_532 = arith.constant 8 : i32
    %scan3A_533 = arith.addi %scan3A_531, %scan3A_532 : i32
    %scan3A_534 = arith.constant 1 : i32
    %scan3A_535 = scf.for %scan3A_545 = %scan3A_531 to %scan3A_533 step %scan3A_534 iter_args(%scan3A_546 = %scan3A_530) -> (i32)  : i32 {
      %sub3A = arith.constant 8 : i32
      %sub3A_547 = arith.subi %select_n3A_7, %sub3A : i32
      %add3A_548 = arith.addi %sub3A_547, %scan3A_545 : i32
      %rem3A_549 = arith.constant 11 : i32
      %rem3A_550 = arith.remsi %add3A_548, %rem3A_549 : i32
      %rem3A_551 = arith.constant 8 : i32
      %rem3A_552 = arith.remsi %add3A_548, %rem3A_551 : i32
      %dma_wait3A_553 = arith.constant 1 : i32
      %dma_wait3A_554 = arith.constant 0 : i32
      %dma_wait3A_555 = arith.constant 0 : i32
      %dma_wait3A_556 = tpu.memref_slice %arg7[%rem3A_552, %dma_wait3A_554, %dma_wait3A_555] : memref<8x64x64xf32, #tpu.memory_space<vmem>> -> memref<1x64x64xf32, #tpu.memory_space<vmem>>
      %dma_wait3A_557 = tpu.memref_squeeze %dma_wait3A_556 : memref<1x64x64xf32, #tpu.memory_space<vmem>> -> memref<64x64xf32, #tpu.memory_space<vmem>>
      %dma_wait3A_558 = arith.constant 0 : i32
      %dma_wait3A_559 = tpu.memref_slice %arg6[%rem3A_550, %dma_wait3A_553, %dma_wait3A_558] : memref<11x2x64xi32, #tpu.memory_space<vmem>> -> memref<1x1x64xi32, #tpu.memory_space<vmem>>
      %dma_wait3A_560 = tpu.memref_squeeze %dma_wait3A_559 : memref<1x1x64xi32, #tpu.memory_space<vmem>> -> memref<64xi32, #tpu.memory_space<vmem>>
      %dma_wait3A_561 = arith.constant 0 : i32
      %dma_wait3A_562 = arith.constant 0 : i32
      %dma_wait3A_563 = tpu.memref_slice %arg5[%dma_wait3A_561, %dma_wait3A_562] : memref<10240x64xf32, #tpu.memory_space<vmem_shared>> -> memref<10240x64xf32, #tpu.memory_space<vmem_shared>>
      %dma_wait3A_564 = tpu.memref_slice %arg10[%rem3A_552] : memref<8x!tpu.dma_semaphore, #tpu.memory_space<semaphore_mem>> -> memref<1x!tpu.dma_semaphore, #tpu.memory_space<semaphore_mem>>
      %dma_wait3A_565 = tpu.memref_squeeze %dma_wait3A_564 : memref<1x!tpu.dma_semaphore, #tpu.memory_space<semaphore_mem>> -> memref<!tpu.dma_semaphore, #tpu.memory_space<semaphore_mem>>
      tpu.wait_indirect_dma semaphore(%dma_wait3A_565 : memref<!tpu.dma_semaphore, #tpu.memory_space<semaphore_mem>>) src(%dma_wait3A_557 : memref<64x64xf32, #tpu.memory_space<vmem>>) dst(%dma_wait3A_563 : memref<10240x64xf32, #tpu.memory_space<vmem_shared>>)
      %scan3A_566 = arith.constant 0 : i32
      scf.yield %scan3A_566 : i32
    }
    %scan3A_536 = arith.constant 8 : i32
    %barrier3A_537 = arith.constant 0 : index
    tpu.barrier barrier_id(%barrier3A_537)
    %scan3A_538 = arith.constant 0 : i32
    %scan3A_539 = arith.constant 0 : i32
    %scan3A_540 = arith.constant 10 : i32
    %scan3A_541 = arith.addi %scan3A_539, %scan3A_540 : i32
    %scan3A_542 = arith.constant 1 : i32
    %scan3A_543 = scf.for %scan3A_545 = %scan3A_539 to %scan3A_541 step %scan3A_542 iter_args(%scan3A_546 = %scan3A_538) -> (i32)  : i32 {
      %mul3A_547 = arith.constant 640 : i32
      %mul3A_548 = arith.muli %arg1, %mul3A_547 : i32
      %mul3A_549 = arith.constant 64 : i32
      %mul3A_550 = arith.muli %scan3A_545, %mul3A_549 : i32
      %add3A_551 = arith.addi %mul3A_548, %mul3A_550 : i32
      %run_scoped3A = arith.constant 0 : i32
      "tpu.region"() ({
        %run_scoped3A_554 = tpu.sem_alloc : memref<!tpu.dma_semaphore, #tpu.memory_space<semaphore_mem>>
        %dma_start3A_555 = arith.constant 0 : i32
        %dma_start3A_556 = arith.constant 0 : i32
        %dma_start3A_557 = tpu.memref_slice %arg7[%run_scoped3A, %dma_start3A_555, %dma_start3A_556] : memref<8x64x64xf32, #tpu.memory_space<vmem>> -> memref<1x64x64xf32, #tpu.memory_space<vmem>>
        %dma_start3A_558 = tpu.memref_squeeze %dma_start3A_557 : memref<1x64x64xf32, #tpu.memory_space<vmem>> -> memref<64x64xf32, #tpu.memory_space<vmem>>
        %dma_start3A_559 = arith.constant 0 : i32
        %dma_start3A_560 = tpu.memref_slice %arg5[%add3A_551, %dma_start3A_559] : memref<10240x64xf32, #tpu.memory_space<vmem_shared>> -> memref<64x64xf32, #tpu.memory_space<vmem_shared>>
        %dma_start3A_561 = arith.constant 0 : i32
        %dma_start3A_562 = arith.constant 0 : i32
        %dma_start3A_563 = tpu.memref_slice %arg7[%run_scoped3A, %dma_start3A_561, %dma_start3A_562] : memref<8x64x64xf32, #tpu.memory_space<vmem>> -> memref<1x64x64xf32, #tpu.memory_space<vmem>>
        %dma_start3A_564 = tpu.memref_squeeze %dma_start3A_563 : memref<1x64x64xf32, #tpu.memory_space<vmem>> -> memref<64x64xf32, #tpu.memory_space<vmem>>
        %dma_start3A_565 = arith.constant 0 : i32
        %dma_start3A_566 = tpu.memref_slice %arg5[%add3A_551, %dma_start3A_565] : memref<10240x64xf32, #tpu.memory_space<vmem_shared>> -> memref<64x64xf32, #tpu.memory_space<vmem_shared>>
        tpu.enqueue_dma source(%dma_start3A_566 : memref<64x64xf32, #tpu.memory_space<vmem_shared>>) target(%dma_start3A_564 : memref<64x64xf32, #tpu.memory_space<vmem>>) target_semaphore(%run_scoped3A_554 : memref<!tpu.dma_semaphore, #tpu.memory_space<semaphore_mem>>)
        %dma_wait3A_567 = arith.constant 0 : i32
        %dma_wait3A_568 = arith.constant 0 : i32
        %dma_wait3A_569 = tpu.memref_slice %arg7[%run_scoped3A, %dma_wait3A_567, %dma_wait3A_568] : memref<8x64x64xf32, #tpu.memory_space<vmem>> -> memref<1x64x64xf32, #tpu.memory_space<vmem>>
        %dma_wait3A_570 = tpu.memref_squeeze %dma_wait3A_569 : memref<1x64x64xf32, #tpu.memory_space<vmem>> -> memref<64x64xf32, #tpu.memory_space<vmem>>
        %dma_wait3A_571 = arith.constant 0 : i32
        %dma_wait3A_572 = tpu.memref_slice %arg5[%add3A_551, %dma_wait3A_571] : memref<10240x64xf32, #tpu.memory_space<vmem_shared>> -> memref<64x64xf32, #tpu.memory_space<vmem_shared>>
        %dma_wait3A_573 = arith.constant 0 : i32
        %dma_wait3A_574 = arith.constant 0 : i32
        %dma_wait3A_575 = tpu.memref_slice %arg7[%run_scoped3A, %dma_wait3A_573, %dma_wait3A_574] : memref<8x64x64xf32, #tpu.memory_space<vmem>> -> memref<1x64x64xf32, #tpu.memory_space<vmem>>
        %dma_wait3A_576 = tpu.memref_squeeze %dma_wait3A_575 : memref<1x64x64xf32, #tpu.memory_space<vmem>> -> memref<64x64xf32, #tpu.memory_space<vmem>>
        %dma_wait3A_577 = arith.constant 0 : i32
        %dma_wait3A_578 = tpu.memref_slice %arg5[%add3A_551, %dma_wait3A_577] : memref<10240x64xf32, #tpu.memory_space<vmem_shared>> -> memref<64x64xf32, #tpu.memory_space<vmem_shared>>
        tpu.wait_dma2 semaphore(%run_scoped3A_554 : memref<!tpu.dma_semaphore, #tpu.memory_space<semaphore_mem>>) src(%dma_wait3A_578 : memref<64x64xf32, #tpu.memory_space<vmem_shared>>) dst(%dma_wait3A_576 : memref<64x64xf32, #tpu.memory_space<vmem>>)
        tpu.yield
      }) : () -> ()
      %run_scoped3A_552 = arith.constant 0 : i32
      "tpu.region"() ({
        %run_scoped3A_554 = tpu.sem_alloc : memref<!tpu.dma_semaphore, #tpu.memory_space<semaphore_mem>>
        %dma_start3A_555 = arith.constant 0 : i32
        %dma_start3A_556 = arith.constant 0 : i32
        %dma_start3A_557 = tpu.memref_slice %arg7[%run_scoped3A_552, %dma_start3A_555, %dma_start3A_556] : memref<8x64x64xf32, #tpu.memory_space<vmem>> -> memref<1x64x64xf32, #tpu.memory_space<vmem>>
        %dma_start3A_558 = tpu.memref_squeeze %dma_start3A_557 : memref<1x64x64xf32, #tpu.memory_space<vmem>> -> memref<64x64xf32, #tpu.memory_space<vmem>>
        %dma_start3A_559 = arith.constant 0 : i32
        %dma_start3A_560 = tpu.memref_slice %arg4[%arg0, %add3A_551, %dma_start3A_559] : memref<2x10240x64xf32, #tpu.memory_space<hbm>> -> memref<1x64x64xf32, #tpu.memory_space<hbm>>
        %dma_start3A_561 = tpu.memref_squeeze %dma_start3A_560 : memref<1x64x64xf32, #tpu.memory_space<hbm>> -> memref<64x64xf32, #tpu.memory_space<hbm>>
        %dma_start3A_562 = arith.constant 0 : i32
        %dma_start3A_563 = tpu.memref_slice %arg4[%arg0, %add3A_551, %dma_start3A_562] : memref<2x10240x64xf32, #tpu.memory_space<hbm>> -> memref<1x64x64xf32, #tpu.memory_space<hbm>>
        %dma_start3A_564 = tpu.memref_squeeze %dma_start3A_563 : memref<1x64x64xf32, #tpu.memory_space<hbm>> -> memref<64x64xf32, #tpu.memory_space<hbm>>
        %dma_start3A_565 = arith.constant 0 : i32
        %dma_start3A_566 = arith.constant 0 : i32
        %dma_start3A_567 = tpu.memref_slice %arg7[%run_scoped3A_552, %dma_start3A_565, %dma_start3A_566] : memref<8x64x64xf32, #tpu.memory_space<vmem>> -> memref<1x64x64xf32, #tpu.memory_space<vmem>>
        %dma_start3A_568 = tpu.memref_squeeze %dma_start3A_567 : memref<1x64x64xf32, #tpu.memory_space<vmem>> -> memref<64x64xf32, #tpu.memory_space<vmem>>
        tpu.enqueue_dma source(%dma_start3A_568 : memref<64x64xf32, #tpu.memory_space<vmem>>) target(%dma_start3A_564 : memref<64x64xf32, #tpu.memory_space<hbm>>) target_semaphore(%run_scoped3A_554 : memref<!tpu.dma_semaphore, #tpu.memory_space<semaphore_mem>>)
        %dma_wait3A_569 = arith.constant 0 : i32
        %dma_wait3A_570 = arith.constant 0 : i32
        %dma_wait3A_571 = tpu.memref_slice %arg7[%run_scoped3A_552, %dma_wait3A_569, %dma_wait3A_570] : memref<8x64x64xf32, #tpu.memory_space<vmem>> -> memref<1x64x64xf32, #tpu.memory_space<vmem>>
        %dma_wait3A_572 = tpu.memref_squeeze %dma_wait3A_571 : memref<1x64x64xf32, #tpu.memory_space<vmem>> -> memref<64x64xf32, #tpu.memory_space<vmem>>
        %dma_wait3A_573 = arith.constant 0 : i32
        %dma_wait3A_574 = tpu.memref_slice %arg4[%arg0, %add3A_551, %dma_wait3A_573] : memref<2x10240x64xf32, #tpu.memory_space<hbm>> -> memref<1x64x64xf32, #tpu.memory_space<hbm>>
        %dma_wait3A_575 = tpu.memref_squeeze %dma_wait3A_574 : memref<1x64x64xf32, #tpu.memory_space<hbm>> -> memref<64x64xf32, #tpu.memory_space<hbm>>
        %dma_wait3A_576 = arith.constant 0 : i32
        %dma_wait3A_577 = tpu.memref_slice %arg4[%arg0, %add3A_551, %dma_wait3A_576] : memref<2x10240x64xf32, #tpu.memory_space<hbm>> -> memref<1x64x64xf32, #tpu.memory_space<hbm>>
        %dma_wait3A_578 = tpu.memref_squeeze %dma_wait3A_577 : memref<1x64x64xf32, #tpu.memory_space<hbm>> -> memref<64x64xf32, #tpu.memory_space<hbm>>
        %dma_wait3A_579 = arith.constant 0 : i32
        %dma_wait3A_580 = arith.constant 0 : i32
        %dma_wait3A_581 = tpu.memref_slice %arg7[%run_scoped3A_552, %dma_wait3A_579, %dma_wait3A_580] : memref<8x64x64xf32, #tpu.memory_space<vmem>> -> memref<1x64x64xf32, #tpu.memory_space<vmem>>
        %dma_wait3A_582 = tpu.memref_squeeze %dma_wait3A_581 : memref<1x64x64xf32, #tpu.memory_space<vmem>> -> memref<64x64xf32, #tpu.memory_space<vmem>>
        tpu.wait_dma2 semaphore(%run_scoped3A_554 : memref<!tpu.dma_semaphore, #tpu.memory_space<semaphore_mem>>) src(%dma_wait3A_582 : memref<64x64xf32, #tpu.memory_space<vmem>>) dst(%dma_wait3A_578 : memref<64x64xf32, #tpu.memory_space<hbm>>)
        tpu.yield
      }) : () -> ()
      %scan3A_553 = arith.constant 0 : i32
      scf.yield %scan3A_553 : i32
    }
    %scan3A_544 = arith.constant 10 : i32
    return
  }
}

#map = affine_map<(d0, d1) -> (0)>
#map1 = affine_map<(d0, d1) -> (0, 0)>
module attributes {stable_mosaic.version = 14 : i64} {
  func.func @deg_kernel(%arg0: i32, %arg1: i32, %arg2: memref<321536xi32, #tpu.memory_space<hbm>>, %arg3: memref<32x10016xf32, #tpu.memory_space<hbm>>, %arg4: memref<10016xf32, #tpu.memory_space<vmem>>, %arg5: memref<10048xi32, #tpu.memory_space<vmem>>) attributes {dimension_semantics = [#tpu.dimension_semantics<core_parallel>, #tpu.dimension_semantics<subcore_parallel>], iteration_bounds = array<i64: 2, 16>, scalar_prefetch = 0 : i64, scratch_operands = 2 : i64, tpu.core_type = #tpu.core_type<sc_vector_subcore>, window_params = [{transform_indices = #map}, {transform_indices = #map1}]} {
    %mul3A = arith.constant 2 : i32
    %mul3A_0 = arith.muli %arg1, %mul3A : i32
    %add3A = arith.addi %mul3A_0, %arg0 : i32
    %scan3A = arith.constant 0 : i32
    %scan3A_1 = arith.constant 0 : i32
    %scan3A_2 = arith.constant 626 : i32
    %scan3A_3 = arith.addi %scan3A_1, %scan3A_2 : i32
    %scan3A_4 = arith.constant 1 : i32
    %scan3A_5 = scf.for %scan3A_17 = %scan3A_1 to %scan3A_3 step %scan3A_4 iter_args(%scan3A_18 = %scan3A) -> (i32)  : i32 {
      %broadcast_in_dim3A_19 = arith.constant 0.000000e+00 : f32
      %broadcast_in_dim3A_20 = vector.broadcast %broadcast_in_dim3A_19 : f32 to vector<16xf32>
      %mul3A_21 = arith.constant 16 : i32
      %mul3A_22 = arith.muli %scan3A_17, %mul3A_21 : i32
      %swap3A = arith.index_cast %mul3A_22 : i32 to index
      %swap3A_23 = tpu.vector_load %arg4[%swap3A] {strides = array<i32>} : memref<10016xf32, #tpu.memory_space<vmem>>, vector<16xf32>,
      tpu.vector_store %arg4[%swap3A], %broadcast_in_dim3A_20 {strides = array<i32>} : memref<10016xf32, #tpu.memory_space<vmem>>, vector<16xf32>,
      %scan3A_24 = arith.constant 0 : i32
      scf.yield %scan3A_24 : i32
    }
    %scan3A_6 = arith.constant 626 : i32
    %mul3A_7 = arith.constant 10048 : i32
    %mul3A_8 = arith.muli %add3A, %mul3A_7 : i32
    "tpu.region"() ({
      %run_scoped3A = tpu.sem_alloc : memref<!tpu.dma_semaphore, #tpu.memory_space<semaphore_mem>>
      %dma_start3A = tpu.memref_slice %arg2[%mul3A_8] : memref<321536xi32, #tpu.memory_space<hbm>> -> memref<10048xi32, #tpu.memory_space<hbm>>
      %dma_start3A_17 = tpu.memref_slice %arg2[%mul3A_8] : memref<321536xi32, #tpu.memory_space<hbm>> -> memref<10048xi32, #tpu.memory_space<hbm>>
      tpu.enqueue_dma source(%dma_start3A_17 : memref<10048xi32, #tpu.memory_space<hbm>>) target(%arg5 : memref<10048xi32, #tpu.memory_space<vmem>>) target_semaphore(%run_scoped3A : memref<!tpu.dma_semaphore, #tpu.memory_space<semaphore_mem>>)
      %dma_wait3A = tpu.memref_slice %arg2[%mul3A_8] : memref<321536xi32, #tpu.memory_space<hbm>> -> memref<10048xi32, #tpu.memory_space<hbm>>
      %dma_wait3A_18 = tpu.memref_slice %arg2[%mul3A_8] : memref<321536xi32, #tpu.memory_space<hbm>> -> memref<10048xi32, #tpu.memory_space<hbm>>
      tpu.wait_dma2 semaphore(%run_scoped3A : memref<!tpu.dma_semaphore, #tpu.memory_space<semaphore_mem>>) src(%dma_wait3A_18 : memref<10048xi32, #tpu.memory_space<hbm>>) dst(%arg5 : memref<10048xi32, #tpu.memory_space<vmem>>)
      tpu.yield
    }) : () -> ()
    %broadcast_in_dim3A = arith.constant 1.000000e+00 : f32
    %broadcast_in_dim3A_9 = vector.broadcast %broadcast_in_dim3A : f32 to vector<16xf32>
    %scan3A_10 = arith.constant 0 : i32
    %scan3A_11 = arith.constant 0 : i32
    %scan3A_12 = arith.constant 628 : i32
    %scan3A_13 = arith.addi %scan3A_11, %scan3A_12 : i32
    %scan3A_14 = arith.constant 1 : i32
    %scan3A_15 = scf.for %scan3A_17 = %scan3A_11 to %scan3A_13 step %scan3A_14 iter_args(%scan3A_18 = %scan3A_10) -> (i32)  : i32 {
      %mul3A_19 = arith.constant 16 : i32
      %mul3A_20 = arith.muli %scan3A_17, %mul3A_19 : i32
      %get3A = arith.index_cast %mul3A_20 : i32 to index
      %get3A_21 = tpu.vector_load %arg5[%get3A] {strides = array<i32>} : memref<10048xi32, #tpu.memory_space<vmem>>, vector<16xi32>,
      tpu.vector_store_idx %arg4[%get3A_21], %broadcast_in_dim3A_9 {add = true} : memref<10016xf32, #tpu.memory_space<vmem>>[vector<16xi32>], vector<16xf32>,
      %scan3A_22 = arith.constant 0 : i32
      scf.yield %scan3A_22 : i32
    }
    %scan3A_16 = arith.constant 628 : i32
    "tpu.region"() ({
      %run_scoped3A = tpu.sem_alloc : memref<!tpu.dma_semaphore, #tpu.memory_space<semaphore_mem>>
      %dma_start3A = arith.constant 0 : i32
      %dma_start3A_17 = tpu.memref_slice %arg3[%add3A, %dma_start3A] : memref<32x10016xf32, #tpu.memory_space<hbm>> -> memref<1x10016xf32, #tpu.memory_space<hbm>>
      %dma_start3A_18 = tpu.memref_squeeze %dma_start3A_17 : memref<1x10016xf32, #tpu.memory_space<hbm>> -> memref<10016xf32, #tpu.memory_space<hbm>>
      %dma_start3A_19 = arith.constant 0 : i32
      %dma_start3A_20 = tpu.memref_slice %arg3[%add3A, %dma_start3A_19] : memref<32x10016xf32, #tpu.memory_space<hbm>> -> memref<1x10016xf32, #tpu.memory_space<hbm>>
      %dma_start3A_21 = tpu.memref_squeeze %dma_start3A_20 : memref<1x10016xf32, #tpu.memory_space<hbm>> -> memref<10016xf32, #tpu.memory_space<hbm>>
      tpu.enqueue_dma source(%arg4 : memref<10016xf32, #tpu.memory_space<vmem>>) target(%dma_start3A_21 : memref<10016xf32, #tpu.memory_space<hbm>>) target_semaphore(%run_scoped3A : memref<!tpu.dma_semaphore, #tpu.memory_space<semaphore_mem>>)
      %dma_wait3A = arith.constant 0 : i32
      %dma_wait3A_22 = tpu.memref_slice %arg3[%add3A, %dma_wait3A] : memref<32x10016xf32, #tpu.memory_space<hbm>> -> memref<1x10016xf32, #tpu.memory_space<hbm>>
      %dma_wait3A_23 = tpu.memref_squeeze %dma_wait3A_22 : memref<1x10016xf32, #tpu.memory_space<hbm>> -> memref<10016xf32, #tpu.memory_space<hbm>>
      %dma_wait3A_24 = arith.constant 0 : i32
      %dma_wait3A_25 = tpu.memref_slice %arg3[%add3A, %dma_wait3A_24] : memref<32x10016xf32, #tpu.memory_space<hbm>> -> memref<1x10016xf32, #tpu.memory_space<hbm>>
      %dma_wait3A_26 = tpu.memref_squeeze %dma_wait3A_25 : memref<1x10016xf32, #tpu.memory_space<hbm>> -> memref<10016xf32, #tpu.memory_space<hbm>>
      tpu.wait_dma2 semaphore(%run_scoped3A : memref<!tpu.dma_semaphore, #tpu.memory_space<semaphore_mem>>) src(%arg4 : memref<10016xf32, #tpu.memory_space<vmem>>) dst(%dma_wait3A_26 : memref<10016xf32, #tpu.memory_space<hbm>>)
      tpu.yield
    }) : () -> ()
    return
  }
}

#map = affine_map<(d0, d1) -> (0, 0)>
#map1 = affine_map<(d0, d1) -> (0, 0, 0)>
module attributes {stable_mosaic.version = 14 : i64} {
  func.func @edge_kernel(%arg0: i32, %arg1: i32, %arg2: memref<10000x128xf32, #tpu.memory_space<hbm>>, %arg3: memref<5024x2x64xi32, #tpu.memory_space<hbm>>, %arg4: memref<2x10240x128xf32, #tpu.memory_space<hbm>>, %arg5: memref<10240x128xf32, #tpu.memory_space<vmem_shared>>, %arg6: memref<8x2x64xi32, #tpu.memory_space<vmem>>, %arg7: memref<5x64x128xf32, #tpu.memory_space<vmem>>, %arg8: memref<8x!tpu.dma_semaphore, #tpu.memory_space<semaphore_mem>>, %arg9: memref<5x!tpu.dma_semaphore, #tpu.memory_space<semaphore_mem>>, %arg10: memref<5x!tpu.dma_semaphore, #tpu.memory_space<semaphore_mem>>) attributes {dimension_semantics = [#tpu.dimension_semantics<core_parallel>, #tpu.dimension_semantics<subcore_parallel>], iteration_bounds = array<i64: 2, 16>, scalar_prefetch = 0 : i64, scratch_operands = 6 : i64, tpu.core_type = #tpu.core_type<sc_vector_subcore>, window_params = [{transform_indices = #map}, {transform_indices = #map1}, {transform_indices = #map1}]} {
    %mul3A = arith.constant 314 : i32
    %mul3A_0 = arith.muli %arg1, %mul3A : i32
    %eq3A = arith.constant 0 : i32
    %eq3A_1 = arith.cmpi eq, %arg0, %eq3A : i32
    %jit3A = arith.constant 0 : i32
    %jit3A_2 = arith.constant 245 : i32
    %select_n3A = arith.select %eq3A_1, %jit3A, %jit3A_2 : i32
    %add3A = arith.addi %mul3A_0, %select_n3A : i32
    %eq3A_3 = arith.constant 0 : i32
    %eq3A_4 = arith.cmpi eq, %arg0, %eq3A_3 : i32
    %jit3A_5 = arith.constant 245 : i32
    %jit3A_6 = arith.constant 69 : i32
    %select_n3A_7 = arith.select %eq3A_4, %jit3A_5, %jit3A_6 : i32
    %scan3A = arith.constant 0 : i32
    %scan3A_8 = arith.constant 0 : i32
    %scan3A_9 = arith.constant 512 : i32
    %scan3A_10 = arith.addi %scan3A_8, %scan3A_9 : i32
    %scan3A_11 = arith.constant 1 : i32
    %scan3A_12 = scf.for %scan3A_350 = %scan3A_8 to %scan3A_10 step %scan3A_11 iter_args(%scan3A_351 = %scan3A) -> (i32)  : i32 {
      %jit3A_352 = arith.constant 8 : i32
      %div3A = arith.divsi %scan3A_350, %jit3A_352 : i32
      %sign3A = arith.constant 0 : i32
      %sign3A_353 = arith.cmpi sgt, %scan3A_350, %sign3A : i32
      %sign3A_354 = arith.extui %sign3A_353 : i1 to i32
      %sign3A_355 = arith.constant 0 : i32
      %sign3A_356 = arith.cmpi slt, %scan3A_350, %sign3A_355 : i32
      %sign3A_357 = arith.extui %sign3A_356 : i1 to i32
      %sign3A_358 = arith.subi %sign3A_354, %sign3A_357 : i32
      %sign3A_359 = arith.constant 0 : i32
      %sign3A_360 = arith.cmpi sgt, %jit3A_352, %sign3A_359 : i32
      %sign3A_361 = arith.extui %sign3A_360 : i1 to i32
      %sign3A_362 = arith.constant 0 : i32
      %sign3A_363 = arith.cmpi slt, %jit3A_352, %sign3A_362 : i32
      %sign3A_364 = arith.extui %sign3A_363 : i1 to i32
      %sign3A_365 = arith.subi %sign3A_361, %sign3A_364 : i32
      %ne3A = arith.cmpi ne, %sign3A_358, %sign3A_365 : i32
      %rem3A_366 = arith.remsi %scan3A_350, %jit3A_352 : i32
      %ne3A_367 = arith.constant 0 : i32
      %ne3A_368 = arith.cmpi ne, %rem3A_366, %ne3A_367 : i32
      %and3A = arith.andi %ne3A, %ne3A_368 : i1
      %sub3A = arith.constant 1 : i32
      %sub3A_369 = arith.subi %div3A, %sub3A : i32
      %select_n3A_370 = arith.select %and3A, %sub3A_369, %div3A : i32
      %jit3A_371 = arith.constant 8 : i32
      %eq3A_372 = arith.constant 0 : i32
      %eq3A_373 = arith.cmpi eq, %jit3A_371, %eq3A_372 : i32
      %jit3A_374 = arith.constant 1 : i32
      %select_n3A_375 = arith.select %eq3A_373, %jit3A_374, %jit3A_371 : i32
      %rem3A_376 = arith.remsi %scan3A_350, %select_n3A_375 : i32
      %ne3A_377 = arith.constant 0 : i32
      %ne3A_378 = arith.cmpi ne, %rem3A_376, %ne3A_377 : i32
      %lt3A = arith.constant 0 : i32
      %lt3A_379 = arith.cmpi slt, %rem3A_376, %lt3A : i32
      %lt3A_380 = arith.constant 0 : i32
      %lt3A_381 = arith.cmpi slt, %select_n3A_375, %lt3A_380 : i32
      %ne3A_382 = arith.xori %lt3A_379, %lt3A_381 : i1
      %and3A_383 = arith.andi %ne3A_382, %ne3A_378 : i1
      %add3A_384 = arith.addi %rem3A_376, %select_n3A_375 : i32
      %select_n3A_385 = arith.select %and3A_383, %add3A_384, %rem3A_376 : i32
      %mul3A_386 = arith.constant 16 : i32
      %mul3A_387 = arith.muli %select_n3A_385, %mul3A_386 : i32
      %broadcast_in_dim3A = arith.constant 0.000000e+00 : f32
      %broadcast_in_dim3A_388 = vector.broadcast %broadcast_in_dim3A : f32 to vector<16xf32>
      %swap3A = arith.constant 0 : i32
      %swap3A_389 = arith.index_cast %swap3A : i32 to index
      %swap3A_390 = arith.index_cast %select_n3A_370 : i32 to index
      %swap3A_391 = arith.index_cast %mul3A_387 : i32 to index
      %swap3A_392 = tpu.vector_load %arg7[%swap3A_389, %swap3A_390, %swap3A_391] {strides = array<i32>} : memref<5x64x128xf32, #tpu.memory_space<vmem>>, vector<16xf32>,
      tpu.vector_store %arg7[%swap3A_389, %swap3A_390, %swap3A_391], %broadcast_in_dim3A_388 {strides = array<i32>} : memref<5x64x128xf32, #tpu.memory_space<vmem>>, vector<16xf32>,
      %scan3A_393 = arith.constant 0 : i32
      scf.yield %scan3A_393 : i32
    }
    %scan3A_13 = arith.constant 512 : i32
    %scan3A_14 = arith.constant 0 : i32
    %scan3A_15 = arith.constant 0 : i32
    %scan3A_16 = arith.constant 10 : i32
    %scan3A_17 = arith.addi %scan3A_15, %scan3A_16 : i32
    %scan3A_18 = arith.constant 1 : i32
    %scan3A_19 = scf.for %scan3A_350 = %scan3A_15 to %scan3A_17 step %scan3A_18 iter_args(%scan3A_351 = %scan3A_14) -> (i32)  : i32 {
      %mul3A_352 = arith.constant 640 : i32
      %mul3A_353 = arith.muli %arg1, %mul3A_352 : i32
      %mul3A_354 = arith.constant 64 : i32
      %mul3A_355 = arith.muli %scan3A_350, %mul3A_354 : i32
      %add3A_356 = arith.addi %mul3A_353, %mul3A_355 : i32
      %run_scoped3A = arith.constant 0 : i32
      "tpu.region"() ({
        %run_scoped3A_358 = tpu.sem_alloc : memref<!tpu.dma_semaphore, #tpu.memory_space<semaphore_mem>>
        %dma_start3A_359 = arith.constant 0 : i32
        %dma_start3A_360 = arith.constant 0 : i32
        %dma_start3A_361 = tpu.memref_slice %arg7[%run_scoped3A, %dma_start3A_359, %dma_start3A_360] : memref<5x64x128xf32, #tpu.memory_space<vmem>> -> memref<1x64x128xf32, #tpu.memory_space<vmem>>
        %dma_start3A_362 = tpu.memref_squeeze %dma_start3A_361 : memref<1x64x128xf32, #tpu.memory_space<vmem>> -> memref<64x128xf32, #tpu.memory_space<vmem>>
        %dma_start3A_363 = arith.constant 0 : i32
        %dma_start3A_364 = tpu.memref_slice %arg5[%add3A_356, %dma_start3A_363] : memref<10240x128xf32, #tpu.memory_space<vmem_shared>> -> memref<64x128xf32, #tpu.memory_space<vmem_shared>>
        %dma_start3A_365 = arith.constant 0 : i32
        %dma_start3A_366 = tpu.memref_slice %arg5[%add3A_356, %dma_start3A_365] : memref<10240x128xf32, #tpu.memory_space<vmem_shared>> -> memref<64x128xf32, #tpu.memory_space<vmem_shared>>
        %dma_start3A_367 = arith.constant 0 : i32
        %dma_start3A_368 = arith.constant 0 : i32
        %dma_start3A_369 = tpu.memref_slice %arg7[%run_scoped3A, %dma_start3A_367, %dma_start3A_368] : memref<5x64x128xf32, #tpu.memory_space<vmem>> -> memref<1x64x128xf32, #tpu.memory_space<vmem>>
        %dma_start3A_370 = tpu.memref_squeeze %dma_start3A_369 : memref<1x64x128xf32, #tpu.memory_space<vmem>> -> memref<64x128xf32, #tpu.memory_space<vmem>>
        tpu.enqueue_dma source(%dma_start3A_370 : memref<64x128xf32, #tpu.memory_space<vmem>>) target(%dma_start3A_366 : memref<64x128xf32, #tpu.memory_space<vmem_shared>>) target_semaphore(%run_scoped3A_358 : memref<!tpu.dma_semaphore, #tpu.memory_space<semaphore_mem>>)
        %dma_wait3A_371 = arith.constant 0 : i32
        %dma_wait3A_372 = arith.constant 0 : i32
        %dma_wait3A_373 = tpu.memref_slice %arg7[%run_scoped3A, %dma_wait3A_371, %dma_wait3A_372] : memref<5x64x128xf32, #tpu.memory_space<vmem>> -> memref<1x64x128xf32, #tpu.memory_space<vmem>>
        %dma_wait3A_374 = tpu.memref_squeeze %dma_wait3A_373 : memref<1x64x128xf32, #tpu.memory_space<vmem>> -> memref<64x128xf32, #tpu.memory_space<vmem>>
        %dma_wait3A_375 = arith.constant 0 : i32
        %dma_wait3A_376 = tpu.memref_slice %arg5[%add3A_356, %dma_wait3A_375] : memref<10240x128xf32, #tpu.memory_space<vmem_shared>> -> memref<64x128xf32, #tpu.memory_space<vmem_shared>>
        %dma_wait3A_377 = arith.constant 0 : i32
        %dma_wait3A_378 = tpu.memref_slice %arg5[%add3A_356, %dma_wait3A_377] : memref<10240x128xf32, #tpu.memory_space<vmem_shared>> -> memref<64x128xf32, #tpu.memory_space<vmem_shared>>
        %dma_wait3A_379 = arith.constant 0 : i32
        %dma_wait3A_380 = arith.constant 0 : i32
        %dma_wait3A_381 = tpu.memref_slice %arg7[%run_scoped3A, %dma_wait3A_379, %dma_wait3A_380] : memref<5x64x128xf32, #tpu.memory_space<vmem>> -> memref<1x64x128xf32, #tpu.memory_space<vmem>>
        %dma_wait3A_382 = tpu.memref_squeeze %dma_wait3A_381 : memref<1x64x128xf32, #tpu.memory_space<vmem>> -> memref<64x128xf32, #tpu.memory_space<vmem>>
        tpu.wait_dma2 semaphore(%run_scoped3A_358 : memref<!tpu.dma_semaphore, #tpu.memory_space<semaphore_mem>>) src(%dma_wait3A_382 : memref<64x128xf32, #tpu.memory_space<vmem>>) dst(%dma_wait3A_378 : memref<64x128xf32, #tpu.memory_space<vmem_shared>>)
        tpu.yield
      }) : () -> ()
      %scan3A_357 = arith.constant 0 : i32
      scf.yield %scan3A_357 : i32
    }
    %scan3A_20 = arith.constant 10 : i32
    %rem3A = arith.constant 0 : i32
    %rem3A_21 = arith.constant 8 : i32
    %rem3A_22 = arith.remsi %rem3A, %rem3A_21 : i32
    %add3A_23 = arith.constant 0 : i32
    %add3A_24 = arith.addi %add3A, %add3A_23 : i32
    %dma_start3A = arith.constant 0 : i32
    %dma_start3A_25 = arith.constant 0 : i32
    %dma_start3A_26 = tpu.memref_slice %arg6[%rem3A_22, %dma_start3A, %dma_start3A_25] : memref<8x2x64xi32, #tpu.memory_space<vmem>> -> memref<1x2x64xi32, #tpu.memory_space<vmem>>
    %dma_start3A_27 = tpu.memref_squeeze %dma_start3A_26 : memref<1x2x64xi32, #tpu.memory_space<vmem>> -> memref<2x64xi32, #tpu.memory_space<vmem>>
    %dma_start3A_28 = arith.constant 0 : i32
    %dma_start3A_29 = arith.constant 0 : i32
    %dma_start3A_30 = tpu.memref_slice %arg3[%add3A_24, %dma_start3A_28, %dma_start3A_29] : memref<5024x2x64xi32, #tpu.memory_space<hbm>> -> memref<1x2x64xi32, #tpu.memory_space<hbm>>
    %dma_start3A_31 = tpu.memref_squeeze %dma_start3A_30 : memref<1x2x64xi32, #tpu.memory_space<hbm>> -> memref<2x64xi32, #tpu.memory_space<hbm>>
    %dma_start3A_32 = tpu.memref_slice %arg8[%rem3A_22] : memref<8x!tpu.dma_semaphore, #tpu.memory_space<semaphore_mem>> -> memref<1x!tpu.dma_semaphore, #tpu.memory_space<semaphore_mem>>
    %dma_start3A_33 = tpu.memref_squeeze %dma_start3A_32 : memref<1x!tpu.dma_semaphore, #tpu.memory_space<semaphore_mem>> -> memref<!tpu.dma_semaphore, #tpu.memory_space<semaphore_mem>>
    %dma_start3A_34 = arith.constant 0 : i32
    %dma_start3A_35 = arith.constant 0 : i32
    %dma_start3A_36 = tpu.memref_slice %arg6[%rem3A_22, %dma_start3A_34, %dma_start3A_35] : memref<8x2x64xi32, #tpu.memory_space<vmem>> -> memref<1x2x64xi32, #tpu.memory_space<vmem>>
    %dma_start3A_37 = tpu.memref_squeeze %dma_start3A_36 : memref<1x2x64xi32, #tpu.memory_space<vmem>> -> memref<2x64xi32, #tpu.memory_space<vmem>>
    %dma_start3A_38 = arith.constant 0 : i32
    %dma_start3A_39 = arith.constant 0 : i32
    %dma_start3A_40 = tpu.memref_slice %arg3[%add3A_24, %dma_start3A_38, %dma_start3A_39] : memref<5024x2x64xi32, #tpu.memory_space<hbm>> -> memref<1x2x64xi32, #tpu.memory_space<hbm>>
    %dma_start3A_41 = tpu.memref_squeeze %dma_start3A_40 : memref<1x2x64xi32, #tpu.memory_space<hbm>> -> memref<2x64xi32, #tpu.memory_space<hbm>>
    tpu.enqueue_dma source(%dma_start3A_41 : memref<2x64xi32, #tpu.memory_space<hbm>>) target(%dma_start3A_37 : memref<2x64xi32, #tpu.memory_space<vmem>>) target_semaphore(%dma_start3A_33 : memref<!tpu.dma_semaphore, #tpu.memory_space<semaphore_mem>>)
    %rem3A_42 = arith.constant 1 : i32
    %rem3A_43 = arith.constant 8 : i32
    %rem3A_44 = arith.remsi %rem3A_42, %rem3A_43 : i32
    %add3A_45 = arith.constant 1 : i32
    %add3A_46 = arith.addi %add3A, %add3A_45 : i32
    %dma_start3A_47 = arith.constant 0 : i32
    %dma_start3A_48 = arith.constant 0 : i32
    %dma_start3A_49 = tpu.memref_slice %arg6[%rem3A_44, %dma_start3A_47, %dma_start3A_48] : memref<8x2x64xi32, #tpu.memory_space<vmem>> -> memref<1x2x64xi32, #tpu.memory_space<vmem>>
    %dma_start3A_50 = tpu.memref_squeeze %dma_start3A_49 : memref<1x2x64xi32, #tpu.memory_space<vmem>> -> memref<2x64xi32, #tpu.memory_space<vmem>>
    %dma_start3A_51 = arith.constant 0 : i32
    %dma_start3A_52 = arith.constant 0 : i32
    %dma_start3A_53 = tpu.memref_slice %arg3[%add3A_46, %dma_start3A_51, %dma_start3A_52] : memref<5024x2x64xi32, #tpu.memory_space<hbm>> -> memref<1x2x64xi32, #tpu.memory_space<hbm>>
    %dma_start3A_54 = tpu.memref_squeeze %dma_start3A_53 : memref<1x2x64xi32, #tpu.memory_space<hbm>> -> memref<2x64xi32, #tpu.memory_space<hbm>>
    %dma_start3A_55 = tpu.memref_slice %arg8[%rem3A_44] : memref<8x!tpu.dma_semaphore, #tpu.memory_space<semaphore_mem>> -> memref<1x!tpu.dma_semaphore, #tpu.memory_space<semaphore_mem>>
    %dma_start3A_56 = tpu.memref_squeeze %dma_start3A_55 : memref<1x!tpu.dma_semaphore, #tpu.memory_space<semaphore_mem>> -> memref<!tpu.dma_semaphore, #tpu.memory_space<semaphore_mem>>
    %dma_start3A_57 = arith.constant 0 : i32
    %dma_start3A_58 = arith.constant 0 : i32
    %dma_start3A_59 = tpu.memref_slice %arg6[%rem3A_44, %dma_start3A_57, %dma_start3A_58] : memref<8x2x64xi32, #tpu.memory_space<vmem>> -> memref<1x2x64xi32, #tpu.memory_space<vmem>>
    %dma_start3A_60 = tpu.memref_squeeze %dma_start3A_59 : memref<1x2x64xi32, #tpu.memory_space<vmem>> -> memref<2x64xi32, #tpu.memory_space<vmem>>
    %dma_start3A_61 = arith.constant 0 : i32
    %dma_start3A_62 = arith.constant 0 : i32
    %dma_start3A_63 = tpu.memref_slice %arg3[%add3A_46, %dma_start3A_61, %dma_start3A_62] : memref<5024x2x64xi32, #tpu.memory_space<hbm>> -> memref<1x2x64xi32, #tpu.memory_space<hbm>>
    %dma_start3A_64 = tpu.memref_squeeze %dma_start3A_63 : memref<1x2x64xi32, #tpu.memory_space<hbm>> -> memref<2x64xi32, #tpu.memory_space<hbm>>
    tpu.enqueue_dma source(%dma_start3A_64 : memref<2x64xi32, #tpu.memory_space<hbm>>) target(%dma_start3A_60 : memref<2x64xi32, #tpu.memory_space<vmem>>) target_semaphore(%dma_start3A_56 : memref<!tpu.dma_semaphore, #tpu.memory_space<semaphore_mem>>)
    %rem3A_65 = arith.constant 2 : i32
    %rem3A_66 = arith.constant 8 : i32
    %rem3A_67 = arith.remsi %rem3A_65, %rem3A_66 : i32
    %add3A_68 = arith.constant 2 : i32
    %add3A_69 = arith.addi %add3A, %add3A_68 : i32
    %dma_start3A_70 = arith.constant 0 : i32
    %dma_start3A_71 = arith.constant 0 : i32
    %dma_start3A_72 = tpu.memref_slice %arg6[%rem3A_67, %dma_start3A_70, %dma_start3A_71] : memref<8x2x64xi32, #tpu.memory_space<vmem>> -> memref<1x2x64xi32, #tpu.memory_space<vmem>>
    %dma_start3A_73 = tpu.memref_squeeze %dma_start3A_72 : memref<1x2x64xi32, #tpu.memory_space<vmem>> -> memref<2x64xi32, #tpu.memory_space<vmem>>
    %dma_start3A_74 = arith.constant 0 : i32
    %dma_start3A_75 = arith.constant 0 : i32
    %dma_start3A_76 = tpu.memref_slice %arg3[%add3A_69, %dma_start3A_74, %dma_start3A_75] : memref<5024x2x64xi32, #tpu.memory_space<hbm>> -> memref<1x2x64xi32, #tpu.memory_space<hbm>>
    %dma_start3A_77 = tpu.memref_squeeze %dma_start3A_76 : memref<1x2x64xi32, #tpu.memory_space<hbm>> -> memref<2x64xi32, #tpu.memory_space<hbm>>
    %dma_start3A_78 = tpu.memref_slice %arg8[%rem3A_67] : memref<8x!tpu.dma_semaphore, #tpu.memory_space<semaphore_mem>> -> memref<1x!tpu.dma_semaphore, #tpu.memory_space<semaphore_mem>>
    %dma_start3A_79 = tpu.memref_squeeze %dma_start3A_78 : memref<1x!tpu.dma_semaphore, #tpu.memory_space<semaphore_mem>> -> memref<!tpu.dma_semaphore, #tpu.memory_space<semaphore_mem>>
    %dma_start3A_80 = arith.constant 0 : i32
    %dma_start3A_81 = arith.constant 0 : i32
    %dma_start3A_82 = tpu.memref_slice %arg6[%rem3A_67, %dma_start3A_80, %dma_start3A_81] : memref<8x2x64xi32, #tpu.memory_space<vmem>> -> memref<1x2x64xi32, #tpu.memory_space<vmem>>
    %dma_start3A_83 = tpu.memref_squeeze %dma_start3A_82 : memref<1x2x64xi32, #tpu.memory_space<vmem>> -> memref<2x64xi32, #tpu.memory_space<vmem>>
    %dma_start3A_84 = arith.constant 0 : i32
    %dma_start3A_85 = arith.constant 0 : i32
    %dma_start3A_86 = tpu.memref_slice %arg3[%add3A_69, %dma_start3A_84, %dma_start3A_85] : memref<5024x2x64xi32, #tpu.memory_space<hbm>> -> memref<1x2x64xi32, #tpu.memory_space<hbm>>
    %dma_start3A_87 = tpu.memref_squeeze %dma_start3A_86 : memref<1x2x64xi32, #tpu.memory_space<hbm>> -> memref<2x64xi32, #tpu.memory_space<hbm>>
    tpu.enqueue_dma source(%dma_start3A_87 : memref<2x64xi32, #tpu.memory_space<hbm>>) target(%dma_start3A_83 : memref<2x64xi32, #tpu.memory_space<vmem>>) target_semaphore(%dma_start3A_79 : memref<!tpu.dma_semaphore, #tpu.memory_space<semaphore_mem>>)
    %rem3A_88 = arith.constant 3 : i32
    %rem3A_89 = arith.constant 8 : i32
    %rem3A_90 = arith.remsi %rem3A_88, %rem3A_89 : i32
    %add3A_91 = arith.constant 3 : i32
    %add3A_92 = arith.addi %add3A, %add3A_91 : i32
    %dma_start3A_93 = arith.constant 0 : i32
    %dma_start3A_94 = arith.constant 0 : i32
    %dma_start3A_95 = tpu.memref_slice %arg6[%rem3A_90, %dma_start3A_93, %dma_start3A_94] : memref<8x2x64xi32, #tpu.memory_space<vmem>> -> memref<1x2x64xi32, #tpu.memory_space<vmem>>
    %dma_start3A_96 = tpu.memref_squeeze %dma_start3A_95 : memref<1x2x64xi32, #tpu.memory_space<vmem>> -> memref<2x64xi32, #tpu.memory_space<vmem>>
    %dma_start3A_97 = arith.constant 0 : i32
    %dma_start3A_98 = arith.constant 0 : i32
    %dma_start3A_99 = tpu.memref_slice %arg3[%add3A_92, %dma_start3A_97, %dma_start3A_98] : memref<5024x2x64xi32, #tpu.memory_space<hbm>> -> memref<1x2x64xi32, #tpu.memory_space<hbm>>
    %dma_start3A_100 = tpu.memref_squeeze %dma_start3A_99 : memref<1x2x64xi32, #tpu.memory_space<hbm>> -> memref<2x64xi32, #tpu.memory_space<hbm>>
    %dma_start3A_101 = tpu.memref_slice %arg8[%rem3A_90] : memref<8x!tpu.dma_semaphore, #tpu.memory_space<semaphore_mem>> -> memref<1x!tpu.dma_semaphore, #tpu.memory_space<semaphore_mem>>
    %dma_start3A_102 = tpu.memref_squeeze %dma_start3A_101 : memref<1x!tpu.dma_semaphore, #tpu.memory_space<semaphore_mem>> -> memref<!tpu.dma_semaphore, #tpu.memory_space<semaphore_mem>>
    %dma_start3A_103 = arith.constant 0 : i32
    %dma_start3A_104 = arith.constant 0 : i32
    %dma_start3A_105 = tpu.memref_slice %arg6[%rem3A_90, %dma_start3A_103, %dma_start3A_104] : memref<8x2x64xi32, #tpu.memory_space<vmem>> -> memref<1x2x64xi32, #tpu.memory_space<vmem>>
    %dma_start3A_106 = tpu.memref_squeeze %dma_start3A_105 : memref<1x2x64xi32, #tpu.memory_space<vmem>> -> memref<2x64xi32, #tpu.memory_space<vmem>>
    %dma_start3A_107 = arith.constant 0 : i32
    %dma_start3A_108 = arith.constant 0 : i32
    %dma_start3A_109 = tpu.memref_slice %arg3[%add3A_92, %dma_start3A_107, %dma_start3A_108] : memref<5024x2x64xi32, #tpu.memory_space<hbm>> -> memref<1x2x64xi32, #tpu.memory_space<hbm>>
    %dma_start3A_110 = tpu.memref_squeeze %dma_start3A_109 : memref<1x2x64xi32, #tpu.memory_space<hbm>> -> memref<2x64xi32, #tpu.memory_space<hbm>>
    tpu.enqueue_dma source(%dma_start3A_110 : memref<2x64xi32, #tpu.memory_space<hbm>>) target(%dma_start3A_106 : memref<2x64xi32, #tpu.memory_space<vmem>>) target_semaphore(%dma_start3A_102 : memref<!tpu.dma_semaphore, #tpu.memory_space<semaphore_mem>>)
    %rem3A_111 = arith.constant 4 : i32
    %rem3A_112 = arith.constant 8 : i32
    %rem3A_113 = arith.remsi %rem3A_111, %rem3A_112 : i32
    %add3A_114 = arith.constant 4 : i32
    %add3A_115 = arith.addi %add3A, %add3A_114 : i32
    %dma_start3A_116 = arith.constant 0 : i32
    %dma_start3A_117 = arith.constant 0 : i32
    %dma_start3A_118 = tpu.memref_slice %arg6[%rem3A_113, %dma_start3A_116, %dma_start3A_117] : memref<8x2x64xi32, #tpu.memory_space<vmem>> -> memref<1x2x64xi32, #tpu.memory_space<vmem>>
    %dma_start3A_119 = tpu.memref_squeeze %dma_start3A_118 : memref<1x2x64xi32, #tpu.memory_space<vmem>> -> memref<2x64xi32, #tpu.memory_space<vmem>>
    %dma_start3A_120 = arith.constant 0 : i32
    %dma_start3A_121 = arith.constant 0 : i32
    %dma_start3A_122 = tpu.memref_slice %arg3[%add3A_115, %dma_start3A_120, %dma_start3A_121] : memref<5024x2x64xi32, #tpu.memory_space<hbm>> -> memref<1x2x64xi32, #tpu.memory_space<hbm>>
    %dma_start3A_123 = tpu.memref_squeeze %dma_start3A_122 : memref<1x2x64xi32, #tpu.memory_space<hbm>> -> memref<2x64xi32, #tpu.memory_space<hbm>>
    %dma_start3A_124 = tpu.memref_slice %arg8[%rem3A_113] : memref<8x!tpu.dma_semaphore, #tpu.memory_space<semaphore_mem>> -> memref<1x!tpu.dma_semaphore, #tpu.memory_space<semaphore_mem>>
    %dma_start3A_125 = tpu.memref_squeeze %dma_start3A_124 : memref<1x!tpu.dma_semaphore, #tpu.memory_space<semaphore_mem>> -> memref<!tpu.dma_semaphore, #tpu.memory_space<semaphore_mem>>
    %dma_start3A_126 = arith.constant 0 : i32
    %dma_start3A_127 = arith.constant 0 : i32
    %dma_start3A_128 = tpu.memref_slice %arg6[%rem3A_113, %dma_start3A_126, %dma_start3A_127] : memref<8x2x64xi32, #tpu.memory_space<vmem>> -> memref<1x2x64xi32, #tpu.memory_space<vmem>>
    %dma_start3A_129 = tpu.memref_squeeze %dma_start3A_128 : memref<1x2x64xi32, #tpu.memory_space<vmem>> -> memref<2x64xi32, #tpu.memory_space<vmem>>
    %dma_start3A_130 = arith.constant 0 : i32
    %dma_start3A_131 = arith.constant 0 : i32
    %dma_start3A_132 = tpu.memref_slice %arg3[%add3A_115, %dma_start3A_130, %dma_start3A_131] : memref<5024x2x64xi32, #tpu.memory_space<hbm>> -> memref<1x2x64xi32, #tpu.memory_space<hbm>>
    %dma_start3A_133 = tpu.memref_squeeze %dma_start3A_132 : memref<1x2x64xi32, #tpu.memory_space<hbm>> -> memref<2x64xi32, #tpu.memory_space<hbm>>
    tpu.enqueue_dma source(%dma_start3A_133 : memref<2x64xi32, #tpu.memory_space<hbm>>) target(%dma_start3A_129 : memref<2x64xi32, #tpu.memory_space<vmem>>) target_semaphore(%dma_start3A_125 : memref<!tpu.dma_semaphore, #tpu.memory_space<semaphore_mem>>)
    %rem3A_134 = arith.constant 5 : i32
    %rem3A_135 = arith.constant 8 : i32
    %rem3A_136 = arith.remsi %rem3A_134, %rem3A_135 : i32
    %add3A_137 = arith.constant 5 : i32
    %add3A_138 = arith.addi %add3A, %add3A_137 : i32
    %dma_start3A_139 = arith.constant 0 : i32
    %dma_start3A_140 = arith.constant 0 : i32
    %dma_start3A_141 = tpu.memref_slice %arg6[%rem3A_136, %dma_start3A_139, %dma_start3A_140] : memref<8x2x64xi32, #tpu.memory_space<vmem>> -> memref<1x2x64xi32, #tpu.memory_space<vmem>>
    %dma_start3A_142 = tpu.memref_squeeze %dma_start3A_141 : memref<1x2x64xi32, #tpu.memory_space<vmem>> -> memref<2x64xi32, #tpu.memory_space<vmem>>
    %dma_start3A_143 = arith.constant 0 : i32
    %dma_start3A_144 = arith.constant 0 : i32
    %dma_start3A_145 = tpu.memref_slice %arg3[%add3A_138, %dma_start3A_143, %dma_start3A_144] : memref<5024x2x64xi32, #tpu.memory_space<hbm>> -> memref<1x2x64xi32, #tpu.memory_space<hbm>>
    %dma_start3A_146 = tpu.memref_squeeze %dma_start3A_145 : memref<1x2x64xi32, #tpu.memory_space<hbm>> -> memref<2x64xi32, #tpu.memory_space<hbm>>
    %dma_start3A_147 = tpu.memref_slice %arg8[%rem3A_136] : memref<8x!tpu.dma_semaphore, #tpu.memory_space<semaphore_mem>> -> memref<1x!tpu.dma_semaphore, #tpu.memory_space<semaphore_mem>>
    %dma_start3A_148 = tpu.memref_squeeze %dma_start3A_147 : memref<1x!tpu.dma_semaphore, #tpu.memory_space<semaphore_mem>> -> memref<!tpu.dma_semaphore, #tpu.memory_space<semaphore_mem>>
    %dma_start3A_149 = arith.constant 0 : i32
    %dma_start3A_150 = arith.constant 0 : i32
    %dma_start3A_151 = tpu.memref_slice %arg6[%rem3A_136, %dma_start3A_149, %dma_start3A_150] : memref<8x2x64xi32, #tpu.memory_space<vmem>> -> memref<1x2x64xi32, #tpu.memory_space<vmem>>
    %dma_start3A_152 = tpu.memref_squeeze %dma_start3A_151 : memref<1x2x64xi32, #tpu.memory_space<vmem>> -> memref<2x64xi32, #tpu.memory_space<vmem>>
    %dma_start3A_153 = arith.constant 0 : i32
    %dma_start3A_154 = arith.constant 0 : i32
    %dma_start3A_155 = tpu.memref_slice %arg3[%add3A_138, %dma_start3A_153, %dma_start3A_154] : memref<5024x2x64xi32, #tpu.memory_space<hbm>> -> memref<1x2x64xi32, #tpu.memory_space<hbm>>
    %dma_start3A_156 = tpu.memref_squeeze %dma_start3A_155 : memref<1x2x64xi32, #tpu.memory_space<hbm>> -> memref<2x64xi32, #tpu.memory_space<hbm>>
    tpu.enqueue_dma source(%dma_start3A_156 : memref<2x64xi32, #tpu.memory_space<hbm>>) target(%dma_start3A_152 : memref<2x64xi32, #tpu.memory_space<vmem>>) target_semaphore(%dma_start3A_148 : memref<!tpu.dma_semaphore, #tpu.memory_space<semaphore_mem>>)
    %rem3A_157 = arith.constant 0 : i32
    %rem3A_158 = arith.constant 8 : i32
    %rem3A_159 = arith.remsi %rem3A_157, %rem3A_158 : i32
    %add3A_160 = arith.constant 0 : i32
    %add3A_161 = arith.addi %add3A, %add3A_160 : i32
    %dma_wait3A = arith.constant 0 : i32
    %dma_wait3A_162 = arith.constant 0 : i32
    %dma_wait3A_163 = tpu.memref_slice %arg6[%rem3A_159, %dma_wait3A, %dma_wait3A_162] : memref<8x2x64xi32, #tpu.memory_space<vmem>> -> memref<1x2x64xi32, #tpu.memory_space<vmem>>
    %dma_wait3A_164 = tpu.memref_squeeze %dma_wait3A_163 : memref<1x2x64xi32, #tpu.memory_space<vmem>> -> memref<2x64xi32, #tpu.memory_space<vmem>>
    %dma_wait3A_165 = arith.constant 0 : i32
    %dma_wait3A_166 = arith.constant 0 : i32
    %dma_wait3A_167 = tpu.memref_slice %arg3[%add3A_161, %dma_wait3A_165, %dma_wait3A_166] : memref<5024x2x64xi32, #tpu.memory_space<hbm>> -> memref<1x2x64xi32, #tpu.memory_space<hbm>>
    %dma_wait3A_168 = tpu.memref_squeeze %dma_wait3A_167 : memref<1x2x64xi32, #tpu.memory_space<hbm>> -> memref<2x64xi32, #tpu.memory_space<hbm>>
    %dma_wait3A_169 = tpu.memref_slice %arg8[%rem3A_159] : memref<8x!tpu.dma_semaphore, #tpu.memory_space<semaphore_mem>> -> memref<1x!tpu.dma_semaphore, #tpu.memory_space<semaphore_mem>>
    %dma_wait3A_170 = tpu.memref_squeeze %dma_wait3A_169 : memref<1x!tpu.dma_semaphore, #tpu.memory_space<semaphore_mem>> -> memref<!tpu.dma_semaphore, #tpu.memory_space<semaphore_mem>>
    %dma_wait3A_171 = arith.constant 0 : i32
    %dma_wait3A_172 = arith.constant 0 : i32
    %dma_wait3A_173 = tpu.memref_slice %arg6[%rem3A_159, %dma_wait3A_171, %dma_wait3A_172] : memref<8x2x64xi32, #tpu.memory_space<vmem>> -> memref<1x2x64xi32, #tpu.memory_space<vmem>>
    %dma_wait3A_174 = tpu.memref_squeeze %dma_wait3A_173 : memref<1x2x64xi32, #tpu.memory_space<vmem>> -> memref<2x64xi32, #tpu.memory_space<vmem>>
    %dma_wait3A_175 = arith.constant 0 : i32
    %dma_wait3A_176 = arith.constant 0 : i32
    %dma_wait3A_177 = tpu.memref_slice %arg3[%add3A_161, %dma_wait3A_175, %dma_wait3A_176] : memref<5024x2x64xi32, #tpu.memory_space<hbm>> -> memref<1x2x64xi32, #tpu.memory_space<hbm>>
    %dma_wait3A_178 = tpu.memref_squeeze %dma_wait3A_177 : memref<1x2x64xi32, #tpu.memory_space<hbm>> -> memref<2x64xi32, #tpu.memory_space<hbm>>
    tpu.wait_dma2 semaphore(%dma_wait3A_170 : memref<!tpu.dma_semaphore, #tpu.memory_space<semaphore_mem>>) src(%dma_wait3A_178 : memref<2x64xi32, #tpu.memory_space<hbm>>) dst(%dma_wait3A_174 : memref<2x64xi32, #tpu.memory_space<vmem>>)
    %rem3A_179 = arith.constant 0 : i32
    %rem3A_180 = arith.constant 8 : i32
    %rem3A_181 = arith.remsi %rem3A_179, %rem3A_180 : i32
    %rem3A_182 = arith.constant 0 : i32
    %rem3A_183 = arith.constant 5 : i32
    %rem3A_184 = arith.remsi %rem3A_182, %rem3A_183 : i32
    %dma_start3A_185 = arith.constant 0 : i32
    %dma_start3A_186 = arith.constant 0 : i32
    %dma_start3A_187 = arith.constant 0 : i32
    %dma_start3A_188 = tpu.memref_slice %arg7[%rem3A_184, %dma_start3A_186, %dma_start3A_187] : memref<5x64x128xf32, #tpu.memory_space<vmem>> -> memref<1x64x128xf32, #tpu.memory_space<vmem>>
    %dma_start3A_189 = tpu.memref_squeeze %dma_start3A_188 : memref<1x64x128xf32, #tpu.memory_space<vmem>> -> memref<64x128xf32, #tpu.memory_space<vmem>>
    %dma_start3A_190 = arith.constant 0 : i32
    %dma_start3A_191 = tpu.memref_slice %arg6[%rem3A_181, %dma_start3A_185, %dma_start3A_190] : memref<8x2x64xi32, #tpu.memory_space<vmem>> -> memref<1x1x64xi32, #tpu.memory_space<vmem>>
    %dma_start3A_192 = tpu.memref_squeeze %dma_start3A_191 : memref<1x1x64xi32, #tpu.memory_space<vmem>> -> memref<64xi32, #tpu.memory_space<vmem>>
    %dma_start3A_193 = arith.constant 0 : i32
    %dma_start3A_194 = arith.constant 0 : i32
    %dma_start3A_195 = tpu.memref_slice %arg2[%dma_start3A_193, %dma_start3A_194] : memref<10000x128xf32, #tpu.memory_space<hbm>> -> memref<10000x128xf32, #tpu.memory_space<hbm>>
    %dma_start3A_196 = tpu.memref_slice %arg9[%rem3A_184] : memref<5x!tpu.dma_semaphore, #tpu.memory_space<semaphore_mem>> -> memref<1x!tpu.dma_semaphore, #tpu.memory_space<semaphore_mem>>
    %dma_start3A_197 = tpu.memref_squeeze %dma_start3A_196 : memref<1x!tpu.dma_semaphore, #tpu.memory_space<semaphore_mem>> -> memref<!tpu.dma_semaphore, #tpu.memory_space<semaphore_mem>>
    tpu.enqueue_indirect_dma source(%dma_start3A_195 : memref<10000x128xf32, #tpu.memory_space<hbm>>) target(%dma_start3A_189 : memref<64x128xf32, #tpu.memory_space<vmem>>) offsets(%dma_start3A_192 : memref<64xi32, #tpu.memory_space<vmem>>) semaphore(%dma_start3A_197 : memref<!tpu.dma_semaphore, #tpu.memory_space<semaphore_mem>>)
    %rem3A_198 = arith.constant 1 : i32
    %rem3A_199 = arith.constant 8 : i32
    %rem3A_200 = arith.remsi %rem3A_198, %rem3A_199 : i32
    %add3A_201 = arith.constant 1 : i32
    %add3A_202 = arith.addi %add3A, %add3A_201 : i32
    %dma_wait3A_203 = arith.constant 0 : i32
    %dma_wait3A_204 = arith.constant 0 : i32
    %dma_wait3A_205 = tpu.memref_slice %arg6[%rem3A_200, %dma_wait3A_203, %dma_wait3A_204] : memref<8x2x64xi32, #tpu.memory_space<vmem>> -> memref<1x2x64xi32, #tpu.memory_space<vmem>>
    %dma_wait3A_206 = tpu.memref_squeeze %dma_wait3A_205 : memref<1x2x64xi32, #tpu.memory_space<vmem>> -> memref<2x64xi32, #tpu.memory_space<vmem>>
    %dma_wait3A_207 = arith.constant 0 : i32
    %dma_wait3A_208 = arith.constant 0 : i32
    %dma_wait3A_209 = tpu.memref_slice %arg3[%add3A_202, %dma_wait3A_207, %dma_wait3A_208] : memref<5024x2x64xi32, #tpu.memory_space<hbm>> -> memref<1x2x64xi32, #tpu.memory_space<hbm>>
    %dma_wait3A_210 = tpu.memref_squeeze %dma_wait3A_209 : memref<1x2x64xi32, #tpu.memory_space<hbm>> -> memref<2x64xi32, #tpu.memory_space<hbm>>
    %dma_wait3A_211 = tpu.memref_slice %arg8[%rem3A_200] : memref<8x!tpu.dma_semaphore, #tpu.memory_space<semaphore_mem>> -> memref<1x!tpu.dma_semaphore, #tpu.memory_space<semaphore_mem>>
    %dma_wait3A_212 = tpu.memref_squeeze %dma_wait3A_211 : memref<1x!tpu.dma_semaphore, #tpu.memory_space<semaphore_mem>> -> memref<!tpu.dma_semaphore, #tpu.memory_space<semaphore_mem>>
    %dma_wait3A_213 = arith.constant 0 : i32
    %dma_wait3A_214 = arith.constant 0 : i32
    %dma_wait3A_215 = tpu.memref_slice %arg6[%rem3A_200, %dma_wait3A_213, %dma_wait3A_214] : memref<8x2x64xi32, #tpu.memory_space<vmem>> -> memref<1x2x64xi32, #tpu.memory_space<vmem>>
    %dma_wait3A_216 = tpu.memref_squeeze %dma_wait3A_215 : memref<1x2x64xi32, #tpu.memory_space<vmem>> -> memref<2x64xi32, #tpu.memory_space<vmem>>
    %dma_wait3A_217 = arith.constant 0 : i32
    %dma_wait3A_218 = arith.constant 0 : i32
    %dma_wait3A_219 = tpu.memref_slice %arg3[%add3A_202, %dma_wait3A_217, %dma_wait3A_218] : memref<5024x2x64xi32, #tpu.memory_space<hbm>> -> memref<1x2x64xi32, #tpu.memory_space<hbm>>
    %dma_wait3A_220 = tpu.memref_squeeze %dma_wait3A_219 : memref<1x2x64xi32, #tpu.memory_space<hbm>> -> memref<2x64xi32, #tpu.memory_space<hbm>>
    tpu.wait_dma2 semaphore(%dma_wait3A_212 : memref<!tpu.dma_semaphore, #tpu.memory_space<semaphore_mem>>) src(%dma_wait3A_220 : memref<2x64xi32, #tpu.memory_space<hbm>>) dst(%dma_wait3A_216 : memref<2x64xi32, #tpu.memory_space<vmem>>)
    %rem3A_221 = arith.constant 1 : i32
    %rem3A_222 = arith.constant 8 : i32
    %rem3A_223 = arith.remsi %rem3A_221, %rem3A_222 : i32
    %rem3A_224 = arith.constant 1 : i32
    %rem3A_225 = arith.constant 5 : i32
    %rem3A_226 = arith.remsi %rem3A_224, %rem3A_225 : i32
    %dma_start3A_227 = arith.constant 0 : i32
    %dma_start3A_228 = arith.constant 0 : i32
    %dma_start3A_229 = arith.constant 0 : i32
    %dma_start3A_230 = tpu.memref_slice %arg7[%rem3A_226, %dma_start3A_228, %dma_start3A_229] : memref<5x64x128xf32, #tpu.memory_space<vmem>> -> memref<1x64x128xf32, #tpu.memory_space<vmem>>
    %dma_start3A_231 = tpu.memref_squeeze %dma_start3A_230 : memref<1x64x128xf32, #tpu.memory_space<vmem>> -> memref<64x128xf32, #tpu.memory_space<vmem>>
    %dma_start3A_232 = arith.constant 0 : i32
    %dma_start3A_233 = tpu.memref_slice %arg6[%rem3A_223, %dma_start3A_227, %dma_start3A_232] : memref<8x2x64xi32, #tpu.memory_space<vmem>> -> memref<1x1x64xi32, #tpu.memory_space<vmem>>
    %dma_start3A_234 = tpu.memref_squeeze %dma_start3A_233 : memref<1x1x64xi32, #tpu.memory_space<vmem>> -> memref<64xi32, #tpu.memory_space<vmem>>
    %dma_start3A_235 = arith.constant 0 : i32
    %dma_start3A_236 = arith.constant 0 : i32
    %dma_start3A_237 = tpu.memref_slice %arg2[%dma_start3A_235, %dma_start3A_236] : memref<10000x128xf32, #tpu.memory_space<hbm>> -> memref<10000x128xf32, #tpu.memory_space<hbm>>
    %dma_start3A_238 = tpu.memref_slice %arg9[%rem3A_226] : memref<5x!tpu.dma_semaphore, #tpu.memory_space<semaphore_mem>> -> memref<1x!tpu.dma_semaphore, #tpu.memory_space<semaphore_mem>>
    %dma_start3A_239 = tpu.memref_squeeze %dma_start3A_238 : memref<1x!tpu.dma_semaphore, #tpu.memory_space<semaphore_mem>> -> memref<!tpu.dma_semaphore, #tpu.memory_space<semaphore_mem>>
    tpu.enqueue_indirect_dma source(%dma_start3A_237 : memref<10000x128xf32, #tpu.memory_space<hbm>>) target(%dma_start3A_231 : memref<64x128xf32, #tpu.memory_space<vmem>>) offsets(%dma_start3A_234 : memref<64xi32, #tpu.memory_space<vmem>>) semaphore(%dma_start3A_239 : memref<!tpu.dma_semaphore, #tpu.memory_space<semaphore_mem>>)
    %rem3A_240 = arith.constant 2 : i32
    %rem3A_241 = arith.constant 8 : i32
    %rem3A_242 = arith.remsi %rem3A_240, %rem3A_241 : i32
    %add3A_243 = arith.constant 2 : i32
    %add3A_244 = arith.addi %add3A, %add3A_243 : i32
    %dma_wait3A_245 = arith.constant 0 : i32
    %dma_wait3A_246 = arith.constant 0 : i32
    %dma_wait3A_247 = tpu.memref_slice %arg6[%rem3A_242, %dma_wait3A_245, %dma_wait3A_246] : memref<8x2x64xi32, #tpu.memory_space<vmem>> -> memref<1x2x64xi32, #tpu.memory_space<vmem>>
    %dma_wait3A_248 = tpu.memref_squeeze %dma_wait3A_247 : memref<1x2x64xi32, #tpu.memory_space<vmem>> -> memref<2x64xi32, #tpu.memory_space<vmem>>
    %dma_wait3A_249 = arith.constant 0 : i32
    %dma_wait3A_250 = arith.constant 0 : i32
    %dma_wait3A_251 = tpu.memref_slice %arg3[%add3A_244, %dma_wait3A_249, %dma_wait3A_250] : memref<5024x2x64xi32, #tpu.memory_space<hbm>> -> memref<1x2x64xi32, #tpu.memory_space<hbm>>
    %dma_wait3A_252 = tpu.memref_squeeze %dma_wait3A_251 : memref<1x2x64xi32, #tpu.memory_space<hbm>> -> memref<2x64xi32, #tpu.memory_space<hbm>>
    %dma_wait3A_253 = tpu.memref_slice %arg8[%rem3A_242] : memref<8x!tpu.dma_semaphore, #tpu.memory_space<semaphore_mem>> -> memref<1x!tpu.dma_semaphore, #tpu.memory_space<semaphore_mem>>
    %dma_wait3A_254 = tpu.memref_squeeze %dma_wait3A_253 : memref<1x!tpu.dma_semaphore, #tpu.memory_space<semaphore_mem>> -> memref<!tpu.dma_semaphore, #tpu.memory_space<semaphore_mem>>
    %dma_wait3A_255 = arith.constant 0 : i32
    %dma_wait3A_256 = arith.constant 0 : i32
    %dma_wait3A_257 = tpu.memref_slice %arg6[%rem3A_242, %dma_wait3A_255, %dma_wait3A_256] : memref<8x2x64xi32, #tpu.memory_space<vmem>> -> memref<1x2x64xi32, #tpu.memory_space<vmem>>
    %dma_wait3A_258 = tpu.memref_squeeze %dma_wait3A_257 : memref<1x2x64xi32, #tpu.memory_space<vmem>> -> memref<2x64xi32, #tpu.memory_space<vmem>>
    %dma_wait3A_259 = arith.constant 0 : i32
    %dma_wait3A_260 = arith.constant 0 : i32
    %dma_wait3A_261 = tpu.memref_slice %arg3[%add3A_244, %dma_wait3A_259, %dma_wait3A_260] : memref<5024x2x64xi32, #tpu.memory_space<hbm>> -> memref<1x2x64xi32, #tpu.memory_space<hbm>>
    %dma_wait3A_262 = tpu.memref_squeeze %dma_wait3A_261 : memref<1x2x64xi32, #tpu.memory_space<hbm>> -> memref<2x64xi32, #tpu.memory_space<hbm>>
    tpu.wait_dma2 semaphore(%dma_wait3A_254 : memref<!tpu.dma_semaphore, #tpu.memory_space<semaphore_mem>>) src(%dma_wait3A_262 : memref<2x64xi32, #tpu.memory_space<hbm>>) dst(%dma_wait3A_258 : memref<2x64xi32, #tpu.memory_space<vmem>>)
    %rem3A_263 = arith.constant 2 : i32
    %rem3A_264 = arith.constant 8 : i32
    %rem3A_265 = arith.remsi %rem3A_263, %rem3A_264 : i32
    %rem3A_266 = arith.constant 2 : i32
    %rem3A_267 = arith.constant 5 : i32
    %rem3A_268 = arith.remsi %rem3A_266, %rem3A_267 : i32
    %dma_start3A_269 = arith.constant 0 : i32
    %dma_start3A_270 = arith.constant 0 : i32
    %dma_start3A_271 = arith.constant 0 : i32
    %dma_start3A_272 = tpu.memref_slice %arg7[%rem3A_268, %dma_start3A_270, %dma_start3A_271] : memref<5x64x128xf32, #tpu.memory_space<vmem>> -> memref<1x64x128xf32, #tpu.memory_space<vmem>>
    %dma_start3A_273 = tpu.memref_squeeze %dma_start3A_272 : memref<1x64x128xf32, #tpu.memory_space<vmem>> -> memref<64x128xf32, #tpu.memory_space<vmem>>
    %dma_start3A_274 = arith.constant 0 : i32
    %dma_start3A_275 = tpu.memref_slice %arg6[%rem3A_265, %dma_start3A_269, %dma_start3A_274] : memref<8x2x64xi32, #tpu.memory_space<vmem>> -> memref<1x1x64xi32, #tpu.memory_space<vmem>>
    %dma_start3A_276 = tpu.memref_squeeze %dma_start3A_275 : memref<1x1x64xi32, #tpu.memory_space<vmem>> -> memref<64xi32, #tpu.memory_space<vmem>>
    %dma_start3A_277 = arith.constant 0 : i32
    %dma_start3A_278 = arith.constant 0 : i32
    %dma_start3A_279 = tpu.memref_slice %arg2[%dma_start3A_277, %dma_start3A_278] : memref<10000x128xf32, #tpu.memory_space<hbm>> -> memref<10000x128xf32, #tpu.memory_space<hbm>>
    %dma_start3A_280 = tpu.memref_slice %arg9[%rem3A_268] : memref<5x!tpu.dma_semaphore, #tpu.memory_space<semaphore_mem>> -> memref<1x!tpu.dma_semaphore, #tpu.memory_space<semaphore_mem>>
    %dma_start3A_281 = tpu.memref_squeeze %dma_start3A_280 : memref<1x!tpu.dma_semaphore, #tpu.memory_space<semaphore_mem>> -> memref<!tpu.dma_semaphore, #tpu.memory_space<semaphore_mem>>
    tpu.enqueue_indirect_dma source(%dma_start3A_279 : memref<10000x128xf32, #tpu.memory_space<hbm>>) target(%dma_start3A_273 : memref<64x128xf32, #tpu.memory_space<vmem>>) offsets(%dma_start3A_276 : memref<64xi32, #tpu.memory_space<vmem>>) semaphore(%dma_start3A_281 : memref<!tpu.dma_semaphore, #tpu.memory_space<semaphore_mem>>)
    %rem3A_282 = arith.constant 3 : i32
    %rem3A_283 = arith.constant 8 : i32
    %rem3A_284 = arith.remsi %rem3A_282, %rem3A_283 : i32
    %add3A_285 = arith.constant 3 : i32
    %add3A_286 = arith.addi %add3A, %add3A_285 : i32
    %dma_wait3A_287 = arith.constant 0 : i32
    %dma_wait3A_288 = arith.constant 0 : i32
    %dma_wait3A_289 = tpu.memref_slice %arg6[%rem3A_284, %dma_wait3A_287, %dma_wait3A_288] : memref<8x2x64xi32, #tpu.memory_space<vmem>> -> memref<1x2x64xi32, #tpu.memory_space<vmem>>
    %dma_wait3A_290 = tpu.memref_squeeze %dma_wait3A_289 : memref<1x2x64xi32, #tpu.memory_space<vmem>> -> memref<2x64xi32, #tpu.memory_space<vmem>>
    %dma_wait3A_291 = arith.constant 0 : i32
    %dma_wait3A_292 = arith.constant 0 : i32
    %dma_wait3A_293 = tpu.memref_slice %arg3[%add3A_286, %dma_wait3A_291, %dma_wait3A_292] : memref<5024x2x64xi32, #tpu.memory_space<hbm>> -> memref<1x2x64xi32, #tpu.memory_space<hbm>>
    %dma_wait3A_294 = tpu.memref_squeeze %dma_wait3A_293 : memref<1x2x64xi32, #tpu.memory_space<hbm>> -> memref<2x64xi32, #tpu.memory_space<hbm>>
    %dma_wait3A_295 = tpu.memref_slice %arg8[%rem3A_284] : memref<8x!tpu.dma_semaphore, #tpu.memory_space<semaphore_mem>> -> memref<1x!tpu.dma_semaphore, #tpu.memory_space<semaphore_mem>>
    %dma_wait3A_296 = tpu.memref_squeeze %dma_wait3A_295 : memref<1x!tpu.dma_semaphore, #tpu.memory_space<semaphore_mem>> -> memref<!tpu.dma_semaphore, #tpu.memory_space<semaphore_mem>>
    %dma_wait3A_297 = arith.constant 0 : i32
    %dma_wait3A_298 = arith.constant 0 : i32
    %dma_wait3A_299 = tpu.memref_slice %arg6[%rem3A_284, %dma_wait3A_297, %dma_wait3A_298] : memref<8x2x64xi32, #tpu.memory_space<vmem>> -> memref<1x2x64xi32, #tpu.memory_space<vmem>>
    %dma_wait3A_300 = tpu.memref_squeeze %dma_wait3A_299 : memref<1x2x64xi32, #tpu.memory_space<vmem>> -> memref<2x64xi32, #tpu.memory_space<vmem>>
    %dma_wait3A_301 = arith.constant 0 : i32
    %dma_wait3A_302 = arith.constant 0 : i32
    %dma_wait3A_303 = tpu.memref_slice %arg3[%add3A_286, %dma_wait3A_301, %dma_wait3A_302] : memref<5024x2x64xi32, #tpu.memory_space<hbm>> -> memref<1x2x64xi32, #tpu.memory_space<hbm>>
    %dma_wait3A_304 = tpu.memref_squeeze %dma_wait3A_303 : memref<1x2x64xi32, #tpu.memory_space<hbm>> -> memref<2x64xi32, #tpu.memory_space<hbm>>
    tpu.wait_dma2 semaphore(%dma_wait3A_296 : memref<!tpu.dma_semaphore, #tpu.memory_space<semaphore_mem>>) src(%dma_wait3A_304 : memref<2x64xi32, #tpu.memory_space<hbm>>) dst(%dma_wait3A_300 : memref<2x64xi32, #tpu.memory_space<vmem>>)
    %rem3A_305 = arith.constant 3 : i32
    %rem3A_306 = arith.constant 8 : i32
    %rem3A_307 = arith.remsi %rem3A_305, %rem3A_306 : i32
    %rem3A_308 = arith.constant 3 : i32
    %rem3A_309 = arith.constant 5 : i32
    %rem3A_310 = arith.remsi %rem3A_308, %rem3A_309 : i32
    %dma_start3A_311 = arith.constant 0 : i32
    %dma_start3A_312 = arith.constant 0 : i32
    %dma_start3A_313 = arith.constant 0 : i32
    %dma_start3A_314 = tpu.memref_slice %arg7[%rem3A_310, %dma_start3A_312, %dma_start3A_313] : memref<5x64x128xf32, #tpu.memory_space<vmem>> -> memref<1x64x128xf32, #tpu.memory_space<vmem>>
    %dma_start3A_315 = tpu.memref_squeeze %dma_start3A_314 : memref<1x64x128xf32, #tpu.memory_space<vmem>> -> memref<64x128xf32, #tpu.memory_space<vmem>>
    %dma_start3A_316 = arith.constant 0 : i32
    %dma_start3A_317 = tpu.memref_slice %arg6[%rem3A_307, %dma_start3A_311, %dma_start3A_316] : memref<8x2x64xi32, #tpu.memory_space<vmem>> -> memref<1x1x64xi32, #tpu.memory_space<vmem>>
    %dma_start3A_318 = tpu.memref_squeeze %dma_start3A_317 : memref<1x1x64xi32, #tpu.memory_space<vmem>> -> memref<64xi32, #tpu.memory_space<vmem>>
    %dma_start3A_319 = arith.constant 0 : i32
    %dma_start3A_320 = arith.constant 0 : i32
    %dma_start3A_321 = tpu.memref_slice %arg2[%dma_start3A_319, %dma_start3A_320] : memref<10000x128xf32, #tpu.memory_space<hbm>> -> memref<10000x128xf32, #tpu.memory_space<hbm>>
    %dma_start3A_322 = tpu.memref_slice %arg9[%rem3A_310] : memref<5x!tpu.dma_semaphore, #tpu.memory_space<semaphore_mem>> -> memref<1x!tpu.dma_semaphore, #tpu.memory_space<semaphore_mem>>
    %dma_start3A_323 = tpu.memref_squeeze %dma_start3A_322 : memref<1x!tpu.dma_semaphore, #tpu.memory_space<semaphore_mem>> -> memref<!tpu.dma_semaphore, #tpu.memory_space<semaphore_mem>>
    tpu.enqueue_indirect_dma source(%dma_start3A_321 : memref<10000x128xf32, #tpu.memory_space<hbm>>) target(%dma_start3A_315 : memref<64x128xf32, #tpu.memory_space<vmem>>) offsets(%dma_start3A_318 : memref<64xi32, #tpu.memory_space<vmem>>) semaphore(%dma_start3A_323 : memref<!tpu.dma_semaphore, #tpu.memory_space<semaphore_mem>>)
    %barrier3A = arith.constant 0 : index
    tpu.barrier barrier_id(%barrier3A)
    %while3A = arith.constant 0 : i32
    %while3A_324 = arith.constant 0 : i32
    %while3A_325 = arith.subi %select_n3A_7, %while3A : i32
    %while3A_326 = arith.addi %while3A, %while3A_325 : i32
    %while3A_327 = arith.constant 1 : i32
    %while3A_328 = arith.divsi %while3A_325, %while3A_327 : i32
    %while3A_329 = arith.muli %while3A_328, %while3A_327 : i32
    %while3A_330 = arith.addi %while3A, %while3A_329 : i32
    %while3A_331 = arith.constant 1 : i32
    %while3A_332 = scf.for %while3A_350 = %while3A to %while3A_330 step %while3A_331 iter_args(%while3A_351 = %while3A_324) -> (i32)  : i32 {
      %rem3A_352 = arith.constant 8 : i32
      %rem3A_353 = arith.remsi %while3A_350, %rem3A_352 : i32
      %rem3A_354 = arith.constant 5 : i32
      %rem3A_355 = arith.remsi %while3A_350, %rem3A_354 : i32
      %dma_wait3A_356 = arith.constant 0 : i32
      %dma_wait3A_357 = arith.constant 0 : i32
      %dma_wait3A_358 = arith.constant 0 : i32
      %dma_wait3A_359 = tpu.memref_slice %arg7[%rem3A_355, %dma_wait3A_357, %dma_wait3A_358] : memref<5x64x128xf32, #tpu.memory_space<vmem>> -> memref<1x64x128xf32, #tpu.memory_space<vmem>>
      %dma_wait3A_360 = tpu.memref_squeeze %dma_wait3A_359 : memref<1x64x128xf32, #tpu.memory_space<vmem>> -> memref<64x128xf32, #tpu.memory_space<vmem>>
      %dma_wait3A_361 = arith.constant 0 : i32
      %dma_wait3A_362 = tpu.memref_slice %arg6[%rem3A_353, %dma_wait3A_356, %dma_wait3A_361] : memref<8x2x64xi32, #tpu.memory_space<vmem>> -> memref<1x1x64xi32, #tpu.memory_space<vmem>>
      %dma_wait3A_363 = tpu.memref_squeeze %dma_wait3A_362 : memref<1x1x64xi32, #tpu.memory_space<vmem>> -> memref<64xi32, #tpu.memory_space<vmem>>
      %dma_wait3A_364 = arith.constant 0 : i32
      %dma_wait3A_365 = arith.constant 0 : i32
      %dma_wait3A_366 = tpu.memref_slice %arg2[%dma_wait3A_364, %dma_wait3A_365] : memref<10000x128xf32, #tpu.memory_space<hbm>> -> memref<10000x128xf32, #tpu.memory_space<hbm>>
      %dma_wait3A_367 = tpu.memref_slice %arg9[%rem3A_355] : memref<5x!tpu.dma_semaphore, #tpu.memory_space<semaphore_mem>> -> memref<1x!tpu.dma_semaphore, #tpu.memory_space<semaphore_mem>>
      %dma_wait3A_368 = tpu.memref_squeeze %dma_wait3A_367 : memref<1x!tpu.dma_semaphore, #tpu.memory_space<semaphore_mem>> -> memref<!tpu.dma_semaphore, #tpu.memory_space<semaphore_mem>>
      tpu.wait_indirect_dma semaphore(%dma_wait3A_368 : memref<!tpu.dma_semaphore, #tpu.memory_space<semaphore_mem>>) src(%dma_wait3A_366 : memref<10000x128xf32, #tpu.memory_space<hbm>>) dst(%dma_wait3A_360 : memref<64x128xf32, #tpu.memory_space<vmem>>)
      %rem3A_369 = arith.constant 8 : i32
      %rem3A_370 = arith.remsi %while3A_350, %rem3A_369 : i32
      %rem3A_371 = arith.constant 5 : i32
      %rem3A_372 = arith.remsi %while3A_350, %rem3A_371 : i32
      %dma_start3A_373 = arith.constant 1 : i32
      %dma_start3A_374 = arith.constant 0 : i32
      %dma_start3A_375 = arith.constant 0 : i32
      %dma_start3A_376 = tpu.memref_slice %arg7[%rem3A_372, %dma_start3A_374, %dma_start3A_375] : memref<5x64x128xf32, #tpu.memory_space<vmem>> -> memref<1x64x128xf32, #tpu.memory_space<vmem>>
      %dma_start3A_377 = tpu.memref_squeeze %dma_start3A_376 : memref<1x64x128xf32, #tpu.memory_space<vmem>> -> memref<64x128xf32, #tpu.memory_space<vmem>>
      %dma_start3A_378 = arith.constant 0 : i32
      %dma_start3A_379 = tpu.memref_slice %arg6[%rem3A_370, %dma_start3A_373, %dma_start3A_378] : memref<8x2x64xi32, #tpu.memory_space<vmem>> -> memref<1x1x64xi32, #tpu.memory_space<vmem>>
      %dma_start3A_380 = tpu.memref_squeeze %dma_start3A_379 : memref<1x1x64xi32, #tpu.memory_space<vmem>> -> memref<64xi32, #tpu.memory_space<vmem>>
      %dma_start3A_381 = arith.constant 0 : i32
      %dma_start3A_382 = arith.constant 0 : i32
      %dma_start3A_383 = tpu.memref_slice %arg5[%dma_start3A_381, %dma_start3A_382] : memref<10240x128xf32, #tpu.memory_space<vmem_shared>> -> memref<10240x128xf32, #tpu.memory_space<vmem_shared>>
      %dma_start3A_384 = tpu.memref_slice %arg10[%rem3A_372] : memref<5x!tpu.dma_semaphore, #tpu.memory_space<semaphore_mem>> -> memref<1x!tpu.dma_semaphore, #tpu.memory_space<semaphore_mem>>
      %dma_start3A_385 = tpu.memref_squeeze %dma_start3A_384 : memref<1x!tpu.dma_semaphore, #tpu.memory_space<semaphore_mem>> -> memref<!tpu.dma_semaphore, #tpu.memory_space<semaphore_mem>>
      tpu.enqueue_indirect_dma source(%dma_start3A_377 : memref<64x128xf32, #tpu.memory_space<vmem>>) target(%dma_start3A_383 : memref<10240x128xf32, #tpu.memory_space<vmem_shared>>) offsets(%dma_start3A_380 : memref<64xi32, #tpu.memory_space<vmem>>) semaphore(%dma_start3A_385 : memref<!tpu.dma_semaphore, #tpu.memory_space<semaphore_mem>>) {add = true}
      %add3A_386 = arith.constant 4 : i32
      %add3A_387 = arith.addi %while3A_350, %add3A_386 : i32
      %lt3A = arith.cmpi slt, %add3A_387, %select_n3A_7 : i32
      %convert_element_type3A = arith.extui %lt3A : i1 to i32
      %cond3A = arith.constant 0 : i32
      %cond3A_388 = arith.cmpi ne, %convert_element_type3A, %cond3A : i32
      scf.if %cond3A_388 {
        %add3A_390 = arith.constant 4 : i32
        %add3A_391 = arith.addi %while3A_350, %add3A_390 : i32
        %rem3A_392 = arith.constant 8 : i32
        %rem3A_393 = arith.remsi %add3A_391, %rem3A_392 : i32
        %add3A_394 = arith.addi %add3A, %add3A_391 : i32
        %dma_wait3A_395 = arith.constant 0 : i32
        %dma_wait3A_396 = arith.constant 0 : i32
        %dma_wait3A_397 = tpu.memref_slice %arg6[%rem3A_393, %dma_wait3A_395, %dma_wait3A_396] : memref<8x2x64xi32, #tpu.memory_space<vmem>> -> memref<1x2x64xi32, #tpu.memory_space<vmem>>
        %dma_wait3A_398 = tpu.memref_squeeze %dma_wait3A_397 : memref<1x2x64xi32, #tpu.memory_space<vmem>> -> memref<2x64xi32, #tpu.memory_space<vmem>>
        %dma_wait3A_399 = arith.constant 0 : i32
        %dma_wait3A_400 = arith.constant 0 : i32
        %dma_wait3A_401 = tpu.memref_slice %arg3[%add3A_394, %dma_wait3A_399, %dma_wait3A_400] : memref<5024x2x64xi32, #tpu.memory_space<hbm>> -> memref<1x2x64xi32, #tpu.memory_space<hbm>>
        %dma_wait3A_402 = tpu.memref_squeeze %dma_wait3A_401 : memref<1x2x64xi32, #tpu.memory_space<hbm>> -> memref<2x64xi32, #tpu.memory_space<hbm>>
        %dma_wait3A_403 = tpu.memref_slice %arg8[%rem3A_393] : memref<8x!tpu.dma_semaphore, #tpu.memory_space<semaphore_mem>> -> memref<1x!tpu.dma_semaphore, #tpu.memory_space<semaphore_mem>>
        %dma_wait3A_404 = tpu.memref_squeeze %dma_wait3A_403 : memref<1x!tpu.dma_semaphore, #tpu.memory_space<semaphore_mem>> -> memref<!tpu.dma_semaphore, #tpu.memory_space<semaphore_mem>>
        %dma_wait3A_405 = arith.constant 0 : i32
        %dma_wait3A_406 = arith.constant 0 : i32
        %dma_wait3A_407 = tpu.memref_slice %arg6[%rem3A_393, %dma_wait3A_405, %dma_wait3A_406] : memref<8x2x64xi32, #tpu.memory_space<vmem>> -> memref<1x2x64xi32, #tpu.memory_space<vmem>>
        %dma_wait3A_408 = tpu.memref_squeeze %dma_wait3A_407 : memref<1x2x64xi32, #tpu.memory_space<vmem>> -> memref<2x64xi32, #tpu.memory_space<vmem>>
        %dma_wait3A_409 = arith.constant 0 : i32
        %dma_wait3A_410 = arith.constant 0 : i32
        %dma_wait3A_411 = tpu.memref_slice %arg3[%add3A_394, %dma_wait3A_409, %dma_wait3A_410] : memref<5024x2x64xi32, #tpu.memory_space<hbm>> -> memref<1x2x64xi32, #tpu.memory_space<hbm>>
        %dma_wait3A_412 = tpu.memref_squeeze %dma_wait3A_411 : memref<1x2x64xi32, #tpu.memory_space<hbm>> -> memref<2x64xi32, #tpu.memory_space<hbm>>
        tpu.wait_dma2 semaphore(%dma_wait3A_404 : memref<!tpu.dma_semaphore, #tpu.memory_space<semaphore_mem>>) src(%dma_wait3A_412 : memref<2x64xi32, #tpu.memory_space<hbm>>) dst(%dma_wait3A_408 : memref<2x64xi32, #tpu.memory_space<vmem>>)
        %add3A_413 = arith.constant 4 : i32
        %add3A_414 = arith.addi %while3A_350, %add3A_413 : i32
        %add3A_415 = arith.constant 2 : i32
        %add3A_416 = arith.addi %add3A_414, %add3A_415 : i32
        %lt3A_417 = arith.cmpi slt, %add3A_416, %select_n3A_7 : i32
        %convert_element_type3A_418 = arith.extui %lt3A_417 : i1 to i32
        %cond3A_419 = arith.constant 0 : i32
        %cond3A_420 = arith.cmpi ne, %convert_element_type3A_418, %cond3A_419 : i32
        scf.if %cond3A_420 {
          %add3A_446 = arith.constant 4 : i32
          %add3A_447 = arith.addi %while3A_350, %add3A_446 : i32
          %add3A_448 = arith.constant 2 : i32
          %add3A_449 = arith.addi %add3A_447, %add3A_448 : i32
          %rem3A_450 = arith.constant 8 : i32
          %rem3A_451 = arith.remsi %add3A_449, %rem3A_450 : i32
          %add3A_452 = arith.addi %add3A, %add3A_449 : i32
          %dma_start3A_453 = arith.constant 0 : i32
          %dma_start3A_454 = arith.constant 0 : i32
          %dma_start3A_455 = tpu.memref_slice %arg6[%rem3A_451, %dma_start3A_453, %dma_start3A_454] : memref<8x2x64xi32, #tpu.memory_space<vmem>> -> memref<1x2x64xi32, #tpu.memory_space<vmem>>
          %dma_start3A_456 = tpu.memref_squeeze %dma_start3A_455 : memref<1x2x64xi32, #tpu.memory_space<vmem>> -> memref<2x64xi32, #tpu.memory_space<vmem>>
          %dma_start3A_457 = arith.constant 0 : i32
          %dma_start3A_458 = arith.constant 0 : i32
          %dma_start3A_459 = tpu.memref_slice %arg3[%add3A_452, %dma_start3A_457, %dma_start3A_458] : memref<5024x2x64xi32, #tpu.memory_space<hbm>> -> memref<1x2x64xi32, #tpu.memory_space<hbm>>
          %dma_start3A_460 = tpu.memref_squeeze %dma_start3A_459 : memref<1x2x64xi32, #tpu.memory_space<hbm>> -> memref<2x64xi32, #tpu.memory_space<hbm>>
          %dma_start3A_461 = tpu.memref_slice %arg8[%rem3A_451] : memref<8x!tpu.dma_semaphore, #tpu.memory_space<semaphore_mem>> -> memref<1x!tpu.dma_semaphore, #tpu.memory_space<semaphore_mem>>
          %dma_start3A_462 = tpu.memref_squeeze %dma_start3A_461 : memref<1x!tpu.dma_semaphore, #tpu.memory_space<semaphore_mem>> -> memref<!tpu.dma_semaphore, #tpu.memory_space<semaphore_mem>>
          %dma_start3A_463 = arith.constant 0 : i32
          %dma_start3A_464 = arith.constant 0 : i32
          %dma_start3A_465 = tpu.memref_slice %arg6[%rem3A_451, %dma_start3A_463, %dma_start3A_464] : memref<8x2x64xi32, #tpu.memory_space<vmem>> -> memref<1x2x64xi32, #tpu.memory_space<vmem>>
          %dma_start3A_466 = tpu.memref_squeeze %dma_start3A_465 : memref<1x2x64xi32, #tpu.memory_space<vmem>> -> memref<2x64xi32, #tpu.memory_space<vmem>>
          %dma_start3A_467 = arith.constant 0 : i32
          %dma_start3A_468 = arith.constant 0 : i32
          %dma_start3A_469 = tpu.memref_slice %arg3[%add3A_452, %dma_start3A_467, %dma_start3A_468] : memref<5024x2x64xi32, #tpu.memory_space<hbm>> -> memref<1x2x64xi32, #tpu.memory_space<hbm>>
          %dma_start3A_470 = tpu.memref_squeeze %dma_start3A_469 : memref<1x2x64xi32, #tpu.memory_space<hbm>> -> memref<2x64xi32, #tpu.memory_space<hbm>>
          tpu.enqueue_dma source(%dma_start3A_470 : memref<2x64xi32, #tpu.memory_space<hbm>>) target(%dma_start3A_466 : memref<2x64xi32, #tpu.memory_space<vmem>>) target_semaphore(%dma_start3A_462 : memref<!tpu.dma_semaphore, #tpu.memory_space<semaphore_mem>>)
        } else {
        }
        %add3A_421 = arith.constant 4 : i32
        %add3A_422 = arith.addi %while3A_350, %add3A_421 : i32
        %ge3A = arith.constant 5 : i32
        %ge3A_423 = arith.cmpi sge, %add3A_422, %ge3A : i32
        %convert_element_type3A_424 = arith.extui %ge3A_423 : i1 to i32
        %cond3A_425 = arith.constant 0 : i32
        %cond3A_426 = arith.cmpi ne, %convert_element_type3A_424, %cond3A_425 : i32
        scf.if %cond3A_426 {
          %add3A_446 = arith.constant 4 : i32
          %add3A_447 = arith.addi %while3A_350, %add3A_446 : i32
          %sub3A = arith.constant 5 : i32
          %sub3A_448 = arith.subi %add3A_447, %sub3A : i32
          %rem3A_449 = arith.constant 8 : i32
          %rem3A_450 = arith.remsi %sub3A_448, %rem3A_449 : i32
          %rem3A_451 = arith.constant 5 : i32
          %rem3A_452 = arith.remsi %sub3A_448, %rem3A_451 : i32
          %dma_wait3A_453 = arith.constant 1 : i32
          %dma_wait3A_454 = arith.constant 0 : i32
          %dma_wait3A_455 = arith.constant 0 : i32
          %dma_wait3A_456 = tpu.memref_slice %arg7[%rem3A_452, %dma_wait3A_454, %dma_wait3A_455] : memref<5x64x128xf32, #tpu.memory_space<vmem>> -> memref<1x64x128xf32, #tpu.memory_space<vmem>>
          %dma_wait3A_457 = tpu.memref_squeeze %dma_wait3A_456 : memref<1x64x128xf32, #tpu.memory_space<vmem>> -> memref<64x128xf32, #tpu.memory_space<vmem>>
          %dma_wait3A_458 = arith.constant 0 : i32
          %dma_wait3A_459 = tpu.memref_slice %arg6[%rem3A_450, %dma_wait3A_453, %dma_wait3A_458] : memref<8x2x64xi32, #tpu.memory_space<vmem>> -> memref<1x1x64xi32, #tpu.memory_space<vmem>>
          %dma_wait3A_460 = tpu.memref_squeeze %dma_wait3A_459 : memref<1x1x64xi32, #tpu.memory_space<vmem>> -> memref<64xi32, #tpu.memory_space<vmem>>
          %dma_wait3A_461 = arith.constant 0 : i32
          %dma_wait3A_462 = arith.constant 0 : i32
          %dma_wait3A_463 = tpu.memref_slice %arg5[%dma_wait3A_461, %dma_wait3A_462] : memref<10240x128xf32, #tpu.memory_space<vmem_shared>> -> memref<10240x128xf32, #tpu.memory_space<vmem_shared>>
          %dma_wait3A_464 = tpu.memref_slice %arg10[%rem3A_452] : memref<5x!tpu.dma_semaphore, #tpu.memory_space<semaphore_mem>> -> memref<1x!tpu.dma_semaphore, #tpu.memory_space<semaphore_mem>>
          %dma_wait3A_465 = tpu.memref_squeeze %dma_wait3A_464 : memref<1x!tpu.dma_semaphore, #tpu.memory_space<semaphore_mem>> -> memref<!tpu.dma_semaphore, #tpu.memory_space<semaphore_mem>>
          tpu.wait_indirect_dma semaphore(%dma_wait3A_465 : memref<!tpu.dma_semaphore, #tpu.memory_space<semaphore_mem>>) src(%dma_wait3A_457 : memref<64x128xf32, #tpu.memory_space<vmem>>) dst(%dma_wait3A_463 : memref<10240x128xf32, #tpu.memory_space<vmem_shared>>)
        } else {
        }
        %add3A_427 = arith.constant 4 : i32
        %add3A_428 = arith.addi %while3A_350, %add3A_427 : i32
        %rem3A_429 = arith.constant 8 : i32
        %rem3A_430 = arith.remsi %add3A_428, %rem3A_429 : i32
        %rem3A_431 = arith.constant 5 : i32
        %rem3A_432 = arith.remsi %add3A_428, %rem3A_431 : i32
        %dma_start3A_433 = arith.constant 0 : i32
        %dma_start3A_434 = arith.constant 0 : i32
        %dma_start3A_435 = arith.constant 0 : i32
        %dma_start3A_436 = tpu.memref_slice %arg7[%rem3A_432, %dma_start3A_434, %dma_start3A_435] : memref<5x64x128xf32, #tpu.memory_space<vmem>> -> memref<1x64x128xf32, #tpu.memory_space<vmem>>
        %dma_start3A_437 = tpu.memref_squeeze %dma_start3A_436 : memref<1x64x128xf32, #tpu.memory_space<vmem>> -> memref<64x128xf32, #tpu.memory_space<vmem>>
        %dma_start3A_438 = arith.constant 0 : i32
        %dma_start3A_439 = tpu.memref_slice %arg6[%rem3A_430, %dma_start3A_433, %dma_start3A_438] : memref<8x2x64xi32, #tpu.memory_space<vmem>> -> memref<1x1x64xi32, #tpu.memory_space<vmem>>
        %dma_start3A_440 = tpu.memref_squeeze %dma_start3A_439 : memref<1x1x64xi32, #tpu.memory_space<vmem>> -> memref<64xi32, #tpu.memory_space<vmem>>
        %dma_start3A_441 = arith.constant 0 : i32
        %dma_start3A_442 = arith.constant 0 : i32
        %dma_start3A_443 = tpu.memref_slice %arg2[%dma_start3A_441, %dma_start3A_442] : memref<10000x128xf32, #tpu.memory_space<hbm>> -> memref<10000x128xf32, #tpu.memory_space<hbm>>
        %dma_start3A_444 = tpu.memref_slice %arg9[%rem3A_432] : memref<5x!tpu.dma_semaphore, #tpu.memory_space<semaphore_mem>> -> memref<1x!tpu.dma_semaphore, #tpu.memory_space<semaphore_mem>>
        %dma_start3A_445 = tpu.memref_squeeze %dma_start3A_444 : memref<1x!tpu.dma_semaphore, #tpu.memory_space<semaphore_mem>> -> memref<!tpu.dma_semaphore, #tpu.memory_space<semaphore_mem>>
        tpu.enqueue_indirect_dma source(%dma_start3A_443 : memref<10000x128xf32, #tpu.memory_space<hbm>>) target(%dma_start3A_437 : memref<64x128xf32, #tpu.memory_space<vmem>>) offsets(%dma_start3A_440 : memref<64xi32, #tpu.memory_space<vmem>>) semaphore(%dma_start3A_445 : memref<!tpu.dma_semaphore, #tpu.memory_space<semaphore_mem>>)
      } else {
      }
      %while3A_389 = arith.constant 0 : i32
      scf.yield %while3A_389 : i32
    }
    %while3A_333 = arith.constant 1 : i32
    %while3A_334 = scf.for %while3A_350 = %while3A_330 to %while3A_326 step %while3A_333 iter_args(%while3A_351 = %while3A_332) -> (i32)  : i32 {
      %rem3A_352 = arith.constant 8 : i32
      %rem3A_353 = arith.remsi %while3A_350, %rem3A_352 : i32
      %rem3A_354 = arith.constant 5 : i32
      %rem3A_355 = arith.remsi %while3A_350, %rem3A_354 : i32
      %dma_wait3A_356 = arith.constant 0 : i32
      %dma_wait3A_357 = arith.constant 0 : i32
      %dma_wait3A_358 = arith.constant 0 : i32
      %dma_wait3A_359 = tpu.memref_slice %arg7[%rem3A_355, %dma_wait3A_357, %dma_wait3A_358] : memref<5x64x128xf32, #tpu.memory_space<vmem>> -> memref<1x64x128xf32, #tpu.memory_space<vmem>>
      %dma_wait3A_360 = tpu.memref_squeeze %dma_wait3A_359 : memref<1x64x128xf32, #tpu.memory_space<vmem>> -> memref<64x128xf32, #tpu.memory_space<vmem>>
      %dma_wait3A_361 = arith.constant 0 : i32
      %dma_wait3A_362 = tpu.memref_slice %arg6[%rem3A_353, %dma_wait3A_356, %dma_wait3A_361] : memref<8x2x64xi32, #tpu.memory_space<vmem>> -> memref<1x1x64xi32, #tpu.memory_space<vmem>>
      %dma_wait3A_363 = tpu.memref_squeeze %dma_wait3A_362 : memref<1x1x64xi32, #tpu.memory_space<vmem>> -> memref<64xi32, #tpu.memory_space<vmem>>
      %dma_wait3A_364 = arith.constant 0 : i32
      %dma_wait3A_365 = arith.constant 0 : i32
      %dma_wait3A_366 = tpu.memref_slice %arg2[%dma_wait3A_364, %dma_wait3A_365] : memref<10000x128xf32, #tpu.memory_space<hbm>> -> memref<10000x128xf32, #tpu.memory_space<hbm>>
      %dma_wait3A_367 = tpu.memref_slice %arg9[%rem3A_355] : memref<5x!tpu.dma_semaphore, #tpu.memory_space<semaphore_mem>> -> memref<1x!tpu.dma_semaphore, #tpu.memory_space<semaphore_mem>>
      %dma_wait3A_368 = tpu.memref_squeeze %dma_wait3A_367 : memref<1x!tpu.dma_semaphore, #tpu.memory_space<semaphore_mem>> -> memref<!tpu.dma_semaphore, #tpu.memory_space<semaphore_mem>>
      tpu.wait_indirect_dma semaphore(%dma_wait3A_368 : memref<!tpu.dma_semaphore, #tpu.memory_space<semaphore_mem>>) src(%dma_wait3A_366 : memref<10000x128xf32, #tpu.memory_space<hbm>>) dst(%dma_wait3A_360 : memref<64x128xf32, #tpu.memory_space<vmem>>)
      %rem3A_369 = arith.constant 8 : i32
      %rem3A_370 = arith.remsi %while3A_350, %rem3A_369 : i32
      %rem3A_371 = arith.constant 5 : i32
      %rem3A_372 = arith.remsi %while3A_350, %rem3A_371 : i32
      %dma_start3A_373 = arith.constant 1 : i32
      %dma_start3A_374 = arith.constant 0 : i32
      %dma_start3A_375 = arith.constant 0 : i32
      %dma_start3A_376 = tpu.memref_slice %arg7[%rem3A_372, %dma_start3A_374, %dma_start3A_375] : memref<5x64x128xf32, #tpu.memory_space<vmem>> -> memref<1x64x128xf32, #tpu.memory_space<vmem>>
      %dma_start3A_377 = tpu.memref_squeeze %dma_start3A_376 : memref<1x64x128xf32, #tpu.memory_space<vmem>> -> memref<64x128xf32, #tpu.memory_space<vmem>>
      %dma_start3A_378 = arith.constant 0 : i32
      %dma_start3A_379 = tpu.memref_slice %arg6[%rem3A_370, %dma_start3A_373, %dma_start3A_378] : memref<8x2x64xi32, #tpu.memory_space<vmem>> -> memref<1x1x64xi32, #tpu.memory_space<vmem>>
      %dma_start3A_380 = tpu.memref_squeeze %dma_start3A_379 : memref<1x1x64xi32, #tpu.memory_space<vmem>> -> memref<64xi32, #tpu.memory_space<vmem>>
      %dma_start3A_381 = arith.constant 0 : i32
      %dma_start3A_382 = arith.constant 0 : i32
      %dma_start3A_383 = tpu.memref_slice %arg5[%dma_start3A_381, %dma_start3A_382] : memref<10240x128xf32, #tpu.memory_space<vmem_shared>> -> memref<10240x128xf32, #tpu.memory_space<vmem_shared>>
      %dma_start3A_384 = tpu.memref_slice %arg10[%rem3A_372] : memref<5x!tpu.dma_semaphore, #tpu.memory_space<semaphore_mem>> -> memref<1x!tpu.dma_semaphore, #tpu.memory_space<semaphore_mem>>
      %dma_start3A_385 = tpu.memref_squeeze %dma_start3A_384 : memref<1x!tpu.dma_semaphore, #tpu.memory_space<semaphore_mem>> -> memref<!tpu.dma_semaphore, #tpu.memory_space<semaphore_mem>>
      tpu.enqueue_indirect_dma source(%dma_start3A_377 : memref<64x128xf32, #tpu.memory_space<vmem>>) target(%dma_start3A_383 : memref<10240x128xf32, #tpu.memory_space<vmem_shared>>) offsets(%dma_start3A_380 : memref<64xi32, #tpu.memory_space<vmem>>) semaphore(%dma_start3A_385 : memref<!tpu.dma_semaphore, #tpu.memory_space<semaphore_mem>>) {add = true}
      %add3A_386 = arith.constant 4 : i32
      %add3A_387 = arith.addi %while3A_350, %add3A_386 : i32
      %lt3A = arith.cmpi slt, %add3A_387, %select_n3A_7 : i32
      %convert_element_type3A = arith.extui %lt3A : i1 to i32
      %cond3A = arith.constant 0 : i32
      %cond3A_388 = arith.cmpi ne, %convert_element_type3A, %cond3A : i32
      scf.if %cond3A_388 {
        %add3A_390 = arith.constant 4 : i32
        %add3A_391 = arith.addi %while3A_350, %add3A_390 : i32
        %rem3A_392 = arith.constant 8 : i32
        %rem3A_393 = arith.remsi %add3A_391, %rem3A_392 : i32
        %add3A_394 = arith.addi %add3A, %add3A_391 : i32
        %dma_wait3A_395 = arith.constant 0 : i32
        %dma_wait3A_396 = arith.constant 0 : i32
        %dma_wait3A_397 = tpu.memref_slice %arg6[%rem3A_393, %dma_wait3A_395, %dma_wait3A_396] : memref<8x2x64xi32, #tpu.memory_space<vmem>> -> memref<1x2x64xi32, #tpu.memory_space<vmem>>
        %dma_wait3A_398 = tpu.memref_squeeze %dma_wait3A_397 : memref<1x2x64xi32, #tpu.memory_space<vmem>> -> memref<2x64xi32, #tpu.memory_space<vmem>>
        %dma_wait3A_399 = arith.constant 0 : i32
        %dma_wait3A_400 = arith.constant 0 : i32
        %dma_wait3A_401 = tpu.memref_slice %arg3[%add3A_394, %dma_wait3A_399, %dma_wait3A_400] : memref<5024x2x64xi32, #tpu.memory_space<hbm>> -> memref<1x2x64xi32, #tpu.memory_space<hbm>>
        %dma_wait3A_402 = tpu.memref_squeeze %dma_wait3A_401 : memref<1x2x64xi32, #tpu.memory_space<hbm>> -> memref<2x64xi32, #tpu.memory_space<hbm>>
        %dma_wait3A_403 = tpu.memref_slice %arg8[%rem3A_393] : memref<8x!tpu.dma_semaphore, #tpu.memory_space<semaphore_mem>> -> memref<1x!tpu.dma_semaphore, #tpu.memory_space<semaphore_mem>>
        %dma_wait3A_404 = tpu.memref_squeeze %dma_wait3A_403 : memref<1x!tpu.dma_semaphore, #tpu.memory_space<semaphore_mem>> -> memref<!tpu.dma_semaphore, #tpu.memory_space<semaphore_mem>>
        %dma_wait3A_405 = arith.constant 0 : i32
        %dma_wait3A_406 = arith.constant 0 : i32
        %dma_wait3A_407 = tpu.memref_slice %arg6[%rem3A_393, %dma_wait3A_405, %dma_wait3A_406] : memref<8x2x64xi32, #tpu.memory_space<vmem>> -> memref<1x2x64xi32, #tpu.memory_space<vmem>>
        %dma_wait3A_408 = tpu.memref_squeeze %dma_wait3A_407 : memref<1x2x64xi32, #tpu.memory_space<vmem>> -> memref<2x64xi32, #tpu.memory_space<vmem>>
        %dma_wait3A_409 = arith.constant 0 : i32
        %dma_wait3A_410 = arith.constant 0 : i32
        %dma_wait3A_411 = tpu.memref_slice %arg3[%add3A_394, %dma_wait3A_409, %dma_wait3A_410] : memref<5024x2x64xi32, #tpu.memory_space<hbm>> -> memref<1x2x64xi32, #tpu.memory_space<hbm>>
        %dma_wait3A_412 = tpu.memref_squeeze %dma_wait3A_411 : memref<1x2x64xi32, #tpu.memory_space<hbm>> -> memref<2x64xi32, #tpu.memory_space<hbm>>
        tpu.wait_dma2 semaphore(%dma_wait3A_404 : memref<!tpu.dma_semaphore, #tpu.memory_space<semaphore_mem>>) src(%dma_wait3A_412 : memref<2x64xi32, #tpu.memory_space<hbm>>) dst(%dma_wait3A_408 : memref<2x64xi32, #tpu.memory_space<vmem>>)
        %add3A_413 = arith.constant 4 : i32
        %add3A_414 = arith.addi %while3A_350, %add3A_413 : i32
        %add3A_415 = arith.constant 2 : i32
        %add3A_416 = arith.addi %add3A_414, %add3A_415 : i32
        %lt3A_417 = arith.cmpi slt, %add3A_416, %select_n3A_7 : i32
        %convert_element_type3A_418 = arith.extui %lt3A_417 : i1 to i32
        %cond3A_419 = arith.constant 0 : i32
        %cond3A_420 = arith.cmpi ne, %convert_element_type3A_418, %cond3A_419 : i32
        scf.if %cond3A_420 {
          %add3A_446 = arith.constant 4 : i32
          %add3A_447 = arith.addi %while3A_350, %add3A_446 : i32
          %add3A_448 = arith.constant 2 : i32
          %add3A_449 = arith.addi %add3A_447, %add3A_448 : i32
          %rem3A_450 = arith.constant 8 : i32
          %rem3A_451 = arith.remsi %add3A_449, %rem3A_450 : i32
          %add3A_452 = arith.addi %add3A, %add3A_449 : i32
          %dma_start3A_453 = arith.constant 0 : i32
          %dma_start3A_454 = arith.constant 0 : i32
          %dma_start3A_455 = tpu.memref_slice %arg6[%rem3A_451, %dma_start3A_453, %dma_start3A_454] : memref<8x2x64xi32, #tpu.memory_space<vmem>> -> memref<1x2x64xi32, #tpu.memory_space<vmem>>
          %dma_start3A_456 = tpu.memref_squeeze %dma_start3A_455 : memref<1x2x64xi32, #tpu.memory_space<vmem>> -> memref<2x64xi32, #tpu.memory_space<vmem>>
          %dma_start3A_457 = arith.constant 0 : i32
          %dma_start3A_458 = arith.constant 0 : i32
          %dma_start3A_459 = tpu.memref_slice %arg3[%add3A_452, %dma_start3A_457, %dma_start3A_458] : memref<5024x2x64xi32, #tpu.memory_space<hbm>> -> memref<1x2x64xi32, #tpu.memory_space<hbm>>
          %dma_start3A_460 = tpu.memref_squeeze %dma_start3A_459 : memref<1x2x64xi32, #tpu.memory_space<hbm>> -> memref<2x64xi32, #tpu.memory_space<hbm>>
          %dma_start3A_461 = tpu.memref_slice %arg8[%rem3A_451] : memref<8x!tpu.dma_semaphore, #tpu.memory_space<semaphore_mem>> -> memref<1x!tpu.dma_semaphore, #tpu.memory_space<semaphore_mem>>
          %dma_start3A_462 = tpu.memref_squeeze %dma_start3A_461 : memref<1x!tpu.dma_semaphore, #tpu.memory_space<semaphore_mem>> -> memref<!tpu.dma_semaphore, #tpu.memory_space<semaphore_mem>>
          %dma_start3A_463 = arith.constant 0 : i32
          %dma_start3A_464 = arith.constant 0 : i32
          %dma_start3A_465 = tpu.memref_slice %arg6[%rem3A_451, %dma_start3A_463, %dma_start3A_464] : memref<8x2x64xi32, #tpu.memory_space<vmem>> -> memref<1x2x64xi32, #tpu.memory_space<vmem>>
          %dma_start3A_466 = tpu.memref_squeeze %dma_start3A_465 : memref<1x2x64xi32, #tpu.memory_space<vmem>> -> memref<2x64xi32, #tpu.memory_space<vmem>>
          %dma_start3A_467 = arith.constant 0 : i32
          %dma_start3A_468 = arith.constant 0 : i32
          %dma_start3A_469 = tpu.memref_slice %arg3[%add3A_452, %dma_start3A_467, %dma_start3A_468] : memref<5024x2x64xi32, #tpu.memory_space<hbm>> -> memref<1x2x64xi32, #tpu.memory_space<hbm>>
          %dma_start3A_470 = tpu.memref_squeeze %dma_start3A_469 : memref<1x2x64xi32, #tpu.memory_space<hbm>> -> memref<2x64xi32, #tpu.memory_space<hbm>>
          tpu.enqueue_dma source(%dma_start3A_470 : memref<2x64xi32, #tpu.memory_space<hbm>>) target(%dma_start3A_466 : memref<2x64xi32, #tpu.memory_space<vmem>>) target_semaphore(%dma_start3A_462 : memref<!tpu.dma_semaphore, #tpu.memory_space<semaphore_mem>>)
        } else {
        }
        %add3A_421 = arith.constant 4 : i32
        %add3A_422 = arith.addi %while3A_350, %add3A_421 : i32
        %ge3A = arith.constant 5 : i32
        %ge3A_423 = arith.cmpi sge, %add3A_422, %ge3A : i32
        %convert_element_type3A_424 = arith.extui %ge3A_423 : i1 to i32
        %cond3A_425 = arith.constant 0 : i32
        %cond3A_426 = arith.cmpi ne, %convert_element_type3A_424, %cond3A_425 : i32
        scf.if %cond3A_426 {
          %add3A_446 = arith.constant 4 : i32
          %add3A_447 = arith.addi %while3A_350, %add3A_446 : i32
          %sub3A = arith.constant 5 : i32
          %sub3A_448 = arith.subi %add3A_447, %sub3A : i32
          %rem3A_449 = arith.constant 8 : i32
          %rem3A_450 = arith.remsi %sub3A_448, %rem3A_449 : i32
          %rem3A_451 = arith.constant 5 : i32
          %rem3A_452 = arith.remsi %sub3A_448, %rem3A_451 : i32
          %dma_wait3A_453 = arith.constant 1 : i32
          %dma_wait3A_454 = arith.constant 0 : i32
          %dma_wait3A_455 = arith.constant 0 : i32
          %dma_wait3A_456 = tpu.memref_slice %arg7[%rem3A_452, %dma_wait3A_454, %dma_wait3A_455] : memref<5x64x128xf32, #tpu.memory_space<vmem>> -> memref<1x64x128xf32, #tpu.memory_space<vmem>>
          %dma_wait3A_457 = tpu.memref_squeeze %dma_wait3A_456 : memref<1x64x128xf32, #tpu.memory_space<vmem>> -> memref<64x128xf32, #tpu.memory_space<vmem>>
          %dma_wait3A_458 = arith.constant 0 : i32
          %dma_wait3A_459 = tpu.memref_slice %arg6[%rem3A_450, %dma_wait3A_453, %dma_wait3A_458] : memref<8x2x64xi32, #tpu.memory_space<vmem>> -> memref<1x1x64xi32, #tpu.memory_space<vmem>>
          %dma_wait3A_460 = tpu.memref_squeeze %dma_wait3A_459 : memref<1x1x64xi32, #tpu.memory_space<vmem>> -> memref<64xi32, #tpu.memory_space<vmem>>
          %dma_wait3A_461 = arith.constant 0 : i32
          %dma_wait3A_462 = arith.constant 0 : i32
          %dma_wait3A_463 = tpu.memref_slice %arg5[%dma_wait3A_461, %dma_wait3A_462] : memref<10240x128xf32, #tpu.memory_space<vmem_shared>> -> memref<10240x128xf32, #tpu.memory_space<vmem_shared>>
          %dma_wait3A_464 = tpu.memref_slice %arg10[%rem3A_452] : memref<5x!tpu.dma_semaphore, #tpu.memory_space<semaphore_mem>> -> memref<1x!tpu.dma_semaphore, #tpu.memory_space<semaphore_mem>>
          %dma_wait3A_465 = tpu.memref_squeeze %dma_wait3A_464 : memref<1x!tpu.dma_semaphore, #tpu.memory_space<semaphore_mem>> -> memref<!tpu.dma_semaphore, #tpu.memory_space<semaphore_mem>>
          tpu.wait_indirect_dma semaphore(%dma_wait3A_465 : memref<!tpu.dma_semaphore, #tpu.memory_space<semaphore_mem>>) src(%dma_wait3A_457 : memref<64x128xf32, #tpu.memory_space<vmem>>) dst(%dma_wait3A_463 : memref<10240x128xf32, #tpu.memory_space<vmem_shared>>)
        } else {
        }
        %add3A_427 = arith.constant 4 : i32
        %add3A_428 = arith.addi %while3A_350, %add3A_427 : i32
        %rem3A_429 = arith.constant 8 : i32
        %rem3A_430 = arith.remsi %add3A_428, %rem3A_429 : i32
        %rem3A_431 = arith.constant 5 : i32
        %rem3A_432 = arith.remsi %add3A_428, %rem3A_431 : i32
        %dma_start3A_433 = arith.constant 0 : i32
        %dma_start3A_434 = arith.constant 0 : i32
        %dma_start3A_435 = arith.constant 0 : i32
        %dma_start3A_436 = tpu.memref_slice %arg7[%rem3A_432, %dma_start3A_434, %dma_start3A_435] : memref<5x64x128xf32, #tpu.memory_space<vmem>> -> memref<1x64x128xf32, #tpu.memory_space<vmem>>
        %dma_start3A_437 = tpu.memref_squeeze %dma_start3A_436 : memref<1x64x128xf32, #tpu.memory_space<vmem>> -> memref<64x128xf32, #tpu.memory_space<vmem>>
        %dma_start3A_438 = arith.constant 0 : i32
        %dma_start3A_439 = tpu.memref_slice %arg6[%rem3A_430, %dma_start3A_433, %dma_start3A_438] : memref<8x2x64xi32, #tpu.memory_space<vmem>> -> memref<1x1x64xi32, #tpu.memory_space<vmem>>
        %dma_start3A_440 = tpu.memref_squeeze %dma_start3A_439 : memref<1x1x64xi32, #tpu.memory_space<vmem>> -> memref<64xi32, #tpu.memory_space<vmem>>
        %dma_start3A_441 = arith.constant 0 : i32
        %dma_start3A_442 = arith.constant 0 : i32
        %dma_start3A_443 = tpu.memref_slice %arg2[%dma_start3A_441, %dma_start3A_442] : memref<10000x128xf32, #tpu.memory_space<hbm>> -> memref<10000x128xf32, #tpu.memory_space<hbm>>
        %dma_start3A_444 = tpu.memref_slice %arg9[%rem3A_432] : memref<5x!tpu.dma_semaphore, #tpu.memory_space<semaphore_mem>> -> memref<1x!tpu.dma_semaphore, #tpu.memory_space<semaphore_mem>>
        %dma_start3A_445 = tpu.memref_squeeze %dma_start3A_444 : memref<1x!tpu.dma_semaphore, #tpu.memory_space<semaphore_mem>> -> memref<!tpu.dma_semaphore, #tpu.memory_space<semaphore_mem>>
        tpu.enqueue_indirect_dma source(%dma_start3A_443 : memref<10000x128xf32, #tpu.memory_space<hbm>>) target(%dma_start3A_437 : memref<64x128xf32, #tpu.memory_space<vmem>>) offsets(%dma_start3A_440 : memref<64xi32, #tpu.memory_space<vmem>>) semaphore(%dma_start3A_445 : memref<!tpu.dma_semaphore, #tpu.memory_space<semaphore_mem>>)
      } else {
      }
      %while3A_389 = arith.constant 0 : i32
      scf.yield %while3A_389 : i32
    }
    %scan3A_335 = arith.constant 0 : i32
    %scan3A_336 = arith.constant 0 : i32
    %scan3A_337 = arith.constant 5 : i32
    %scan3A_338 = arith.addi %scan3A_336, %scan3A_337 : i32
    %scan3A_339 = arith.constant 1 : i32
    %scan3A_340 = scf.for %scan3A_350 = %scan3A_336 to %scan3A_338 step %scan3A_339 iter_args(%scan3A_351 = %scan3A_335) -> (i32)  : i32 {
      %sub3A = arith.constant 5 : i32
      %sub3A_352 = arith.subi %select_n3A_7, %sub3A : i32
      %add3A_353 = arith.addi %sub3A_352, %scan3A_350 : i32
      %rem3A_354 = arith.constant 8 : i32
      %rem3A_355 = arith.remsi %add3A_353, %rem3A_354 : i32
      %rem3A_356 = arith.constant 5 : i32
      %rem3A_357 = arith.remsi %add3A_353, %rem3A_356 : i32
      %dma_wait3A_358 = arith.constant 1 : i32
      %dma_wait3A_359 = arith.constant 0 : i32
      %dma_wait3A_360 = arith.constant 0 : i32
      %dma_wait3A_361 = tpu.memref_slice %arg7[%rem3A_357, %dma_wait3A_359, %dma_wait3A_360] : memref<5x64x128xf32, #tpu.memory_space<vmem>> -> memref<1x64x128xf32, #tpu.memory_space<vmem>>
      %dma_wait3A_362 = tpu.memref_squeeze %dma_wait3A_361 : memref<1x64x128xf32, #tpu.memory_space<vmem>> -> memref<64x128xf32, #tpu.memory_space<vmem>>
      %dma_wait3A_363 = arith.constant 0 : i32
      %dma_wait3A_364 = tpu.memref_slice %arg6[%rem3A_355, %dma_wait3A_358, %dma_wait3A_363] : memref<8x2x64xi32, #tpu.memory_space<vmem>> -> memref<1x1x64xi32, #tpu.memory_space<vmem>>
      %dma_wait3A_365 = tpu.memref_squeeze %dma_wait3A_364 : memref<1x1x64xi32, #tpu.memory_space<vmem>> -> memref<64xi32, #tpu.memory_space<vmem>>
      %dma_wait3A_366 = arith.constant 0 : i32
      %dma_wait3A_367 = arith.constant 0 : i32
      %dma_wait3A_368 = tpu.memref_slice %arg5[%dma_wait3A_366, %dma_wait3A_367] : memref<10240x128xf32, #tpu.memory_space<vmem_shared>> -> memref<10240x128xf32, #tpu.memory_space<vmem_shared>>
      %dma_wait3A_369 = tpu.memref_slice %arg10[%rem3A_357] : memref<5x!tpu.dma_semaphore, #tpu.memory_space<semaphore_mem>> -> memref<1x!tpu.dma_semaphore, #tpu.memory_space<semaphore_mem>>
      %dma_wait3A_370 = tpu.memref_squeeze %dma_wait3A_369 : memref<1x!tpu.dma_semaphore, #tpu.memory_space<semaphore_mem>> -> memref<!tpu.dma_semaphore, #tpu.memory_space<semaphore_mem>>
      tpu.wait_indirect_dma semaphore(%dma_wait3A_370 : memref<!tpu.dma_semaphore, #tpu.memory_space<semaphore_mem>>) src(%dma_wait3A_362 : memref<64x128xf32, #tpu.memory_space<vmem>>) dst(%dma_wait3A_368 : memref<10240x128xf32, #tpu.memory_space<vmem_shared>>)
      %scan3A_371 = arith.constant 0 : i32
      scf.yield %scan3A_371 : i32
    }
    %scan3A_341 = arith.constant 5 : i32
    %barrier3A_342 = arith.constant 0 : index
    tpu.barrier barrier_id(%barrier3A_342)
    %scan3A_343 = arith.constant 0 : i32
    %scan3A_344 = arith.constant 0 : i32
    %scan3A_345 = arith.constant 10 : i32
    %scan3A_346 = arith.addi %scan3A_344, %scan3A_345 : i32
    %scan3A_347 = arith.constant 1 : i32
    %scan3A_348 = scf.for %scan3A_350 = %scan3A_344 to %scan3A_346 step %scan3A_347 iter_args(%scan3A_351 = %scan3A_343) -> (i32)  : i32 {
      %mul3A_352 = arith.constant 640 : i32
      %mul3A_353 = arith.muli %arg1, %mul3A_352 : i32
      %mul3A_354 = arith.constant 64 : i32
      %mul3A_355 = arith.muli %scan3A_350, %mul3A_354 : i32
      %add3A_356 = arith.addi %mul3A_353, %mul3A_355 : i32
      %run_scoped3A = arith.constant 0 : i32
      "tpu.region"() ({
        %run_scoped3A_359 = tpu.sem_alloc : memref<!tpu.dma_semaphore, #tpu.memory_space<semaphore_mem>>
        %dma_start3A_360 = arith.constant 0 : i32
        %dma_start3A_361 = arith.constant 0 : i32
        %dma_start3A_362 = tpu.memref_slice %arg7[%run_scoped3A, %dma_start3A_360, %dma_start3A_361] : memref<5x64x128xf32, #tpu.memory_space<vmem>> -> memref<1x64x128xf32, #tpu.memory_space<vmem>>
        %dma_start3A_363 = tpu.memref_squeeze %dma_start3A_362 : memref<1x64x128xf32, #tpu.memory_space<vmem>> -> memref<64x128xf32, #tpu.memory_space<vmem>>
        %dma_start3A_364 = arith.constant 0 : i32
        %dma_start3A_365 = tpu.memref_slice %arg5[%add3A_356, %dma_start3A_364] : memref<10240x128xf32, #tpu.memory_space<vmem_shared>> -> memref<64x128xf32, #tpu.memory_space<vmem_shared>>
        %dma_start3A_366 = arith.constant 0 : i32
        %dma_start3A_367 = arith.constant 0 : i32
        %dma_start3A_368 = tpu.memref_slice %arg7[%run_scoped3A, %dma_start3A_366, %dma_start3A_367] : memref<5x64x128xf32, #tpu.memory_space<vmem>> -> memref<1x64x128xf32, #tpu.memory_space<vmem>>
        %dma_start3A_369 = tpu.memref_squeeze %dma_start3A_368 : memref<1x64x128xf32, #tpu.memory_space<vmem>> -> memref<64x128xf32, #tpu.memory_space<vmem>>
        %dma_start3A_370 = arith.constant 0 : i32
        %dma_start3A_371 = tpu.memref_slice %arg5[%add3A_356, %dma_start3A_370] : memref<10240x128xf32, #tpu.memory_space<vmem_shared>> -> memref<64x128xf32, #tpu.memory_space<vmem_shared>>
        tpu.enqueue_dma source(%dma_start3A_371 : memref<64x128xf32, #tpu.memory_space<vmem_shared>>) target(%dma_start3A_369 : memref<64x128xf32, #tpu.memory_space<vmem>>) target_semaphore(%run_scoped3A_359 : memref<!tpu.dma_semaphore, #tpu.memory_space<semaphore_mem>>)
        %dma_wait3A_372 = arith.constant 0 : i32
        %dma_wait3A_373 = arith.constant 0 : i32
        %dma_wait3A_374 = tpu.memref_slice %arg7[%run_scoped3A, %dma_wait3A_372, %dma_wait3A_373] : memref<5x64x128xf32, #tpu.memory_space<vmem>> -> memref<1x64x128xf32, #tpu.memory_space<vmem>>
        %dma_wait3A_375 = tpu.memref_squeeze %dma_wait3A_374 : memref<1x64x128xf32, #tpu.memory_space<vmem>> -> memref<64x128xf32, #tpu.memory_space<vmem>>
        %dma_wait3A_376 = arith.constant 0 : i32
        %dma_wait3A_377 = tpu.memref_slice %arg5[%add3A_356, %dma_wait3A_376] : memref<10240x128xf32, #tpu.memory_space<vmem_shared>> -> memref<64x128xf32, #tpu.memory_space<vmem_shared>>
        %dma_wait3A_378 = arith.constant 0 : i32
        %dma_wait3A_379 = arith.constant 0 : i32
        %dma_wait3A_380 = tpu.memref_slice %arg7[%run_scoped3A, %dma_wait3A_378, %dma_wait3A_379] : memref<5x64x128xf32, #tpu.memory_space<vmem>> -> memref<1x64x128xf32, #tpu.memory_space<vmem>>
        %dma_wait3A_381 = tpu.memref_squeeze %dma_wait3A_380 : memref<1x64x128xf32, #tpu.memory_space<vmem>> -> memref<64x128xf32, #tpu.memory_space<vmem>>
        %dma_wait3A_382 = arith.constant 0 : i32
        %dma_wait3A_383 = tpu.memref_slice %arg5[%add3A_356, %dma_wait3A_382] : memref<10240x128xf32, #tpu.memory_space<vmem_shared>> -> memref<64x128xf32, #tpu.memory_space<vmem_shared>>
        tpu.wait_dma2 semaphore(%run_scoped3A_359 : memref<!tpu.dma_semaphore, #tpu.memory_space<semaphore_mem>>) src(%dma_wait3A_383 : memref<64x128xf32, #tpu.memory_space<vmem_shared>>) dst(%dma_wait3A_381 : memref<64x128xf32, #tpu.memory_space<vmem>>)
        tpu.yield
      }) : () -> ()
      %run_scoped3A_357 = arith.constant 0 : i32
      "tpu.region"() ({
        %run_scoped3A_359 = tpu.sem_alloc : memref<!tpu.dma_semaphore, #tpu.memory_space<semaphore_mem>>
        %dma_start3A_360 = arith.constant 0 : i32
        %dma_start3A_361 = arith.constant 0 : i32
        %dma_start3A_362 = tpu.memref_slice %arg7[%run_scoped3A_357, %dma_start3A_360, %dma_start3A_361] : memref<5x64x128xf32, #tpu.memory_space<vmem>> -> memref<1x64x128xf32, #tpu.memory_space<vmem>>
        %dma_start3A_363 = tpu.memref_squeeze %dma_start3A_362 : memref<1x64x128xf32, #tpu.memory_space<vmem>> -> memref<64x128xf32, #tpu.memory_space<vmem>>
        %dma_start3A_364 = arith.constant 0 : i32
        %dma_start3A_365 = tpu.memref_slice %arg4[%arg0, %add3A_356, %dma_start3A_364] : memref<2x10240x128xf32, #tpu.memory_space<hbm>> -> memref<1x64x128xf32, #tpu.memory_space<hbm>>
        %dma_start3A_366 = tpu.memref_squeeze %dma_start3A_365 : memref<1x64x128xf32, #tpu.memory_space<hbm>> -> memref<64x128xf32, #tpu.memory_space<hbm>>
        %dma_start3A_367 = arith.constant 0 : i32
        %dma_start3A_368 = tpu.memref_slice %arg4[%arg0, %add3A_356, %dma_start3A_367] : memref<2x10240x128xf32, #tpu.memory_space<hbm>> -> memref<1x64x128xf32, #tpu.memory_space<hbm>>
        %dma_start3A_369 = tpu.memref_squeeze %dma_start3A_368 : memref<1x64x128xf32, #tpu.memory_space<hbm>> -> memref<64x128xf32, #tpu.memory_space<hbm>>
        %dma_start3A_370 = arith.constant 0 : i32
        %dma_start3A_371 = arith.constant 0 : i32
        %dma_start3A_372 = tpu.memref_slice %arg7[%run_scoped3A_357, %dma_start3A_370, %dma_start3A_371] : memref<5x64x128xf32, #tpu.memory_space<vmem>> -> memref<1x64x128xf32, #tpu.memory_space<vmem>>
        %dma_start3A_373 = tpu.memref_squeeze %dma_start3A_372 : memref<1x64x128xf32, #tpu.memory_space<vmem>> -> memref<64x128xf32, #tpu.memory_space<vmem>>
        tpu.enqueue_dma source(%dma_start3A_373 : memref<64x128xf32, #tpu.memory_space<vmem>>) target(%dma_start3A_369 : memref<64x128xf32, #tpu.memory_space<hbm>>) target_semaphore(%run_scoped3A_359 : memref<!tpu.dma_semaphore, #tpu.memory_space<semaphore_mem>>)
        %dma_wait3A_374 = arith.constant 0 : i32
        %dma_wait3A_375 = arith.constant 0 : i32
        %dma_wait3A_376 = tpu.memref_slice %arg7[%run_scoped3A_357, %dma_wait3A_374, %dma_wait3A_375] : memref<5x64x128xf32, #tpu.memory_space<vmem>> -> memref<1x64x128xf32, #tpu.memory_space<vmem>>
        %dma_wait3A_377 = tpu.memref_squeeze %dma_wait3A_376 : memref<1x64x128xf32, #tpu.memory_space<vmem>> -> memref<64x128xf32, #tpu.memory_space<vmem>>
        %dma_wait3A_378 = arith.constant 0 : i32
        %dma_wait3A_379 = tpu.memref_slice %arg4[%arg0, %add3A_356, %dma_wait3A_378] : memref<2x10240x128xf32, #tpu.memory_space<hbm>> -> memref<1x64x128xf32, #tpu.memory_space<hbm>>
        %dma_wait3A_380 = tpu.memref_squeeze %dma_wait3A_379 : memref<1x64x128xf32, #tpu.memory_space<hbm>> -> memref<64x128xf32, #tpu.memory_space<hbm>>
        %dma_wait3A_381 = arith.constant 0 : i32
        %dma_wait3A_382 = tpu.memref_slice %arg4[%arg0, %add3A_356, %dma_wait3A_381] : memref<2x10240x128xf32, #tpu.memory_space<hbm>> -> memref<1x64x128xf32, #tpu.memory_space<hbm>>
        %dma_wait3A_383 = tpu.memref_squeeze %dma_wait3A_382 : memref<1x64x128xf32, #tpu.memory_space<hbm>> -> memref<64x128xf32, #tpu.memory_space<hbm>>
        %dma_wait3A_384 = arith.constant 0 : i32
        %dma_wait3A_385 = arith.constant 0 : i32
        %dma_wait3A_386 = tpu.memref_slice %arg7[%run_scoped3A_357, %dma_wait3A_384, %dma_wait3A_385] : memref<5x64x128xf32, #tpu.memory_space<vmem>> -> memref<1x64x128xf32, #tpu.memory_space<vmem>>
        %dma_wait3A_387 = tpu.memref_squeeze %dma_wait3A_386 : memref<1x64x128xf32, #tpu.memory_space<vmem>> -> memref<64x128xf32, #tpu.memory_space<vmem>>
        tpu.wait_dma2 semaphore(%run_scoped3A_359 : memref<!tpu.dma_semaphore, #tpu.memory_space<semaphore_mem>>) src(%dma_wait3A_387 : memref<64x128xf32, #tpu.memory_space<vmem>>) dst(%dma_wait3A_383 : memref<64x128xf32, #tpu.memory_space<hbm>>)
        tpu.yield
      }) : () -> ()
      %scan3A_358 = arith.constant 0 : i32
      scf.yield %scan3A_358 : i32
    }
    %scan3A_349 = arith.constant 10 : i32
    return
  }
}

module attributes {stable_mosaic.version = 14 : i64} {
  func.func @_dis_kernel(%arg0: memref<32x10016xf32, #tpu.memory_space<vmem>>, %arg1: memref<10000xf32, #tpu.memory_space<vmem>>) attributes {dimension_semantics = [], scalar_prefetch = 0 : i64, scratch_operands = 0 : i64, tpu.core_type = #tpu.core_type<tc>} {
    %get3A = arith.constant 0 : index
    %get3A_0 = arith.constant 0 : index
    %get3A_1 = vector.load %arg0[%get3A, %get3A_0] : memref<32x10016xf32, #tpu.memory_space<vmem>>, vector<32x10016xf32>
    %reduce_sum3A = arith.constant dense<0.000000e+00> : vector<10016xf32>
    %reduce_sum3A_2 = vector.multi_reduction <add>, %get3A_1, %reduce_sum3A [0] : vector<32x10016xf32> to vector<10016xf32>
    %slice3A = vector.extract_strided_slice %reduce_sum3A_2 {offsets = [0], sizes = [10000], strides = [1]} : vector<10016xf32> to vector<10000xf32>
    %add3A = arith.constant 1.000000e+00 : f32
    %add3A_3 = vector.broadcast %add3A : f32 to vector<10000xf32>
    %add3A_4 = arith.addf %slice3A, %add3A_3 : vector<10000xf32>
    %rsqrt3A = math.rsqrt %add3A_4 : vector<10000xf32>
    %swap3A = arith.constant 0 : index
    %swap3A_5 = vector.load %arg1[%swap3A] : memref<10000xf32, #tpu.memory_space<vmem>>, vector<10000xf32>
    tpu.vector_store %arg1[%swap3A], %rsqrt3A {strides = array<i32>} : memref<10000xf32, #tpu.memory_space<vmem>>, vector<10000xf32>,
    return
  }
}

module attributes {stable_mosaic.version = 14 : i64} {
  func.func @_scale_matmul_kernel(%arg0: i32, %arg1: memref<1000x128xf32, #tpu.memory_space<vmem>>, %arg2: memref<1000x1xf32, #tpu.memory_space<vmem>>, %arg3: memref<128x128xf32, #tpu.memory_space<vmem>>, %arg4: memref<1000x128xf32, #tpu.memory_space<vmem>>) attributes {dimension_semantics = [#tpu.dimension_semantics<arbitrary>], iteration_bounds = array<i64: 10>, scalar_prefetch = 0 : i64, scratch_operands = 0 : i64, tpu.core_type = #tpu.core_type<tc>, window_params = [{transform_indices = @transform_0, window_bounds = array<i64: 1000, 128>}, {transform_indices = @transform_1, window_bounds = array<i64: 1000, 1>}, {pipeline_mode = #tpu.pipeline_mode<synchronous>, transform_indices = @transform_2, window_bounds = array<i64: 128, 128>}, {transform_indices = @transform_3, window_bounds = array<i64: 1000, 128>}]} {
    %get3A = arith.constant 0 : index
    %get3A_0 = arith.constant 0 : index
    %get3A_1 = vector.load %arg1[%get3A, %get3A_0] : memref<1000x128xf32, #tpu.memory_space<vmem>>, vector<1000x128xf32>
    %get3A_2 = arith.constant 0 : index
    %get3A_3 = arith.constant 0 : index
    %get3A_4 = vector.load %arg3[%get3A_2, %get3A_3] : memref<128x128xf32, #tpu.memory_space<vmem>>, vector<128x128xf32>
    %dot_general3A = arith.constant dense<0.000000e+00> : vector<1000x128xf32>
    %dot_general3A_5 = tpu.matmul %get3A_1, %get3A_4, %dot_general3A {dimension_numbers = #tpu.dot_dimension_numbers<[1], [0], [0], [1], [0, 0, 1, 1], [], []>, precision = #tpu.contract_precision<fp32>, transpose_lhs_hint = false} : vector<1000x128xf32>, vector<128x128xf32>, vector<1000x128xf32> -> vector<1000x128xf32>
    %get3A_6 = arith.constant 0 : index
    %get3A_7 = arith.constant 0 : index
    %get3A_8 = vector.load %arg2[%get3A_6, %get3A_7] : memref<1000x1xf32, #tpu.memory_space<vmem>>, vector<1000x1xf32>
    %mul3A = vector.broadcast %get3A_8 : vector<1000x1xf32> to vector<1000x128xf32>
    %mul3A_9 = arith.mulf %mul3A, %dot_general3A_5 : vector<1000x128xf32>
    %swap3A = arith.constant 0 : index
    %swap3A_10 = arith.constant 0 : index
    %swap3A_11 = vector.load %arg4[%swap3A, %swap3A_10] : memref<1000x128xf32, #tpu.memory_space<vmem>>, vector<1000x128xf32>
    tpu.vector_store %arg4[%swap3A, %swap3A_10], %mul3A_9 {strides = array<i32>} : memref<1000x128xf32, #tpu.memory_space<vmem>>, vector<1000x128xf32>,
    return
  }
  func.func @transform_0(%arg0: i32) -> (i32, i32) {
    %c0_i32 = arith.constant 0 : i32
    %c0_i32_0 = arith.constant 0 : i32
    return %arg0, %c0_i32 : i32, i32
  }
  func.func @transform_1(%arg0: i32) -> (i32, i32) {
    %c0_i32 = arith.constant 0 : i32
    %c0_i32_0 = arith.constant 0 : i32
    return %arg0, %c0_i32 : i32, i32
  }
  func.func @transform_2(%arg0: i32) -> (i32, i32) {
    %c0_i32 = arith.constant 0 : i32
    %c0_i32_0 = arith.constant 0 : i32
    %c0_i32_1 = arith.constant 0 : i32
    return %c0_i32, %c0_i32_0 : i32, i32
  }
  func.func @transform_3(%arg0: i32) -> (i32, i32) {
    %c0_i32 = arith.constant 0 : i32
    %c0_i32_0 = arith.constant 0 : i32
    return %arg0, %c0_i32 : i32, i32
  }
}

module attributes {stable_mosaic.version = 14 : i64} {
  func.func @_layer1_combine_kernel(%arg0: i32, %arg1: memref<2x1000x128xf32, #tpu.memory_space<vmem>>, %arg2: memref<1000x128xf32, #tpu.memory_space<vmem>>, %arg3: memref<1000x1xf32, #tpu.memory_space<vmem>>, %arg4: memref<1x128xf32, #tpu.memory_space<vmem>>, %arg5: memref<128x64xf32, #tpu.memory_space<vmem>>, %arg6: memref<1000x64xf32, #tpu.memory_space<vmem>>) attributes {dimension_semantics = [#tpu.dimension_semantics<arbitrary>], iteration_bounds = array<i64: 10>, scalar_prefetch = 0 : i64, scratch_operands = 0 : i64, tpu.core_type = #tpu.core_type<tc>, window_params = [{transform_indices = @transform_0, window_bounds = array<i64: 2, 1000, 128>}, {transform_indices = @transform_1, window_bounds = array<i64: 1000, 128>}, {transform_indices = @transform_2, window_bounds = array<i64: 1000, 1>}, {pipeline_mode = #tpu.pipeline_mode<synchronous>, transform_indices = @transform_3, window_bounds = array<i64: 1, 128>}, {pipeline_mode = #tpu.pipeline_mode<synchronous>, transform_indices = @transform_4, window_bounds = array<i64: 128, 64>}, {transform_indices = @transform_5, window_bounds = array<i64: 1000, 64>}]} {
    %get3A = arith.constant 0 : index
    %get3A_0 = arith.constant 0 : index
    %get3A_1 = arith.constant 0 : index
    %get3A_2 = vector.load %arg1[%get3A, %get3A_0, %get3A_1] : memref<2x1000x128xf32, #tpu.memory_space<vmem>>, vector<1x1000x128xf32>
    %get3A_3 = vector.shape_cast %get3A_2 : vector<1x1000x128xf32> to vector<1000x128xf32>
    %get3A_4 = arith.constant 1 : index
    %get3A_5 = arith.constant 0 : index
    %get3A_6 = arith.constant 0 : index
    %get3A_7 = vector.load %arg1[%get3A_4, %get3A_5, %get3A_6] : memref<2x1000x128xf32, #tpu.memory_space<vmem>>, vector<1x1000x128xf32>
    %get3A_8 = vector.shape_cast %get3A_7 : vector<1x1000x128xf32> to vector<1000x128xf32>
    %add3A = arith.addf %get3A_3, %get3A_8 : vector<1000x128xf32>
    %get3A_9 = arith.constant 0 : index
    %get3A_10 = arith.constant 0 : index
    %get3A_11 = vector.load %arg2[%get3A_9, %get3A_10] : memref<1000x128xf32, #tpu.memory_space<vmem>>, vector<1000x128xf32>
    %add3A_12 = arith.addf %add3A, %get3A_11 : vector<1000x128xf32>
    %get3A_13 = arith.constant 0 : index
    %get3A_14 = arith.constant 0 : index
    %get3A_15 = vector.load %arg3[%get3A_13, %get3A_14] : memref<1000x1xf32, #tpu.memory_space<vmem>>, vector<1000x1xf32>
    %mul3A = vector.broadcast %get3A_15 : vector<1000x1xf32> to vector<1000x128xf32>
    %mul3A_16 = arith.mulf %mul3A, %add3A_12 : vector<1000x128xf32>
    %get3A_17 = arith.constant 0 : index
    %get3A_18 = arith.constant 0 : index
    %get3A_19 = vector.load %arg4[%get3A_17, %get3A_18] : memref<1x128xf32, #tpu.memory_space<vmem>>, vector<1x128xf32>
    %add3A_20 = vector.broadcast %get3A_19 : vector<1x128xf32> to vector<1000x128xf32>
    %add3A_21 = arith.addf %mul3A_16, %add3A_20 : vector<1000x128xf32>
    %max3A = arith.constant 0.000000e+00 : f32
    %max3A_22 = vector.broadcast %max3A : f32 to vector<1000x128xf32>
    %max3A_23 = arith.maximumf %add3A_21, %max3A_22 : vector<1000x128xf32>
    %get3A_24 = arith.constant 0 : index
    %get3A_25 = arith.constant 0 : index
    %get3A_26 = vector.load %arg5[%get3A_24, %get3A_25] : memref<128x64xf32, #tpu.memory_space<vmem>>, vector<128x64xf32>
    %dot_general3A = arith.constant dense<0.000000e+00> : vector<1000x64xf32>
    %dot_general3A_27 = tpu.matmul %max3A_23, %get3A_26, %dot_general3A {dimension_numbers = #tpu.dot_dimension_numbers<[1], [0], [0], [1], [0, 0, 1, 1], [], []>, precision = #tpu.contract_precision<fp32>, transpose_lhs_hint = false} : vector<1000x128xf32>, vector<128x64xf32>, vector<1000x64xf32> -> vector<1000x64xf32>
    %get3A_28 = arith.constant 0 : index
    %get3A_29 = arith.constant 0 : index
    %get3A_30 = vector.load %arg3[%get3A_28, %get3A_29] : memref<1000x1xf32, #tpu.memory_space<vmem>>, vector<1000x1xf32>
    %mul3A_31 = vector.broadcast %get3A_30 : vector<1000x1xf32> to vector<1000x64xf32>
    %mul3A_32 = arith.mulf %mul3A_31, %dot_general3A_27 : vector<1000x64xf32>
    %swap3A = arith.constant 0 : index
    %swap3A_33 = arith.constant 0 : index
    %swap3A_34 = vector.load %arg6[%swap3A, %swap3A_33] : memref<1000x64xf32, #tpu.memory_space<vmem>>, vector<1000x64xf32>
    tpu.vector_store %arg6[%swap3A, %swap3A_33], %mul3A_32 {strides = array<i32>} : memref<1000x64xf32, #tpu.memory_space<vmem>>, vector<1000x64xf32>,
    return
  }
  func.func @transform_0(%arg0: i32) -> (i32, i32, i32) {
    %c0_i32 = arith.constant 0 : i32
    %c0_i32_0 = arith.constant 0 : i32
    %c0_i32_1 = arith.constant 0 : i32
    return %c0_i32, %arg0, %c0_i32_0 : i32, i32, i32
  }
  func.func @transform_1(%arg0: i32) -> (i32, i32) {
    %c0_i32 = arith.constant 0 : i32
    %c0_i32_0 = arith.constant 0 : i32
    return %arg0, %c0_i32 : i32, i32
  }
  func.func @transform_2(%arg0: i32) -> (i32, i32) {
    %c0_i32 = arith.constant 0 : i32
    %c0_i32_0 = arith.constant 0 : i32
    return %arg0, %c0_i32 : i32, i32
  }
  func.func @transform_3(%arg0: i32) -> (i32, i32) {
    %c0_i32 = arith.constant 0 : i32
    %c0_i32_0 = arith.constant 0 : i32
    %c0_i32_1 = arith.constant 0 : i32
    return %c0_i32, %c0_i32_0 : i32, i32
  }
  func.func @transform_4(%arg0: i32) -> (i32, i32) {
    %c0_i32 = arith.constant 0 : i32
    %c0_i32_0 = arith.constant 0 : i32
    %c0_i32_1 = arith.constant 0 : i32
    return %c0_i32, %c0_i32_0 : i32, i32
  }
  func.func @transform_5(%arg0: i32) -> (i32, i32) {
    %c0_i32 = arith.constant 0 : i32
    %c0_i32_0 = arith.constant 0 : i32
    return %arg0, %c0_i32 : i32, i32
  }
}

module attributes {stable_mosaic.version = 14 : i64} {
  func.func @_layer2_combine_kernel(%arg0: i32, %arg1: memref<2x1000x64xf32, #tpu.memory_space<vmem>>, %arg2: memref<1000x64xf32, #tpu.memory_space<vmem>>, %arg3: memref<1000x1xf32, #tpu.memory_space<vmem>>, %arg4: memref<1x64xf32, #tpu.memory_space<vmem>>, %arg5: memref<1000x64xf32, #tpu.memory_space<vmem>>) attributes {dimension_semantics = [#tpu.dimension_semantics<arbitrary>], iteration_bounds = array<i64: 10>, scalar_prefetch = 0 : i64, scratch_operands = 0 : i64, tpu.core_type = #tpu.core_type<tc>, window_params = [{transform_indices = @transform_0, window_bounds = array<i64: 2, 1000, 64>}, {transform_indices = @transform_1, window_bounds = array<i64: 1000, 64>}, {transform_indices = @transform_2, window_bounds = array<i64: 1000, 1>}, {pipeline_mode = #tpu.pipeline_mode<synchronous>, transform_indices = @transform_3, window_bounds = array<i64: 1, 64>}, {transform_indices = @transform_4, window_bounds = array<i64: 1000, 64>}]} {
    %get3A = arith.constant 0 : index
    %get3A_0 = arith.constant 0 : index
    %get3A_1 = arith.constant 0 : index
    %get3A_2 = vector.load %arg1[%get3A, %get3A_0, %get3A_1] : memref<2x1000x64xf32, #tpu.memory_space<vmem>>, vector<1x1000x64xf32>
    %get3A_3 = vector.shape_cast %get3A_2 : vector<1x1000x64xf32> to vector<1000x64xf32>
    %get3A_4 = arith.constant 1 : index
    %get3A_5 = arith.constant 0 : index
    %get3A_6 = arith.constant 0 : index
    %get3A_7 = vector.load %arg1[%get3A_4, %get3A_5, %get3A_6] : memref<2x1000x64xf32, #tpu.memory_space<vmem>>, vector<1x1000x64xf32>
    %get3A_8 = vector.shape_cast %get3A_7 : vector<1x1000x64xf32> to vector<1000x64xf32>
    %add3A = arith.addf %get3A_3, %get3A_8 : vector<1000x64xf32>
    %get3A_9 = arith.constant 0 : index
    %get3A_10 = arith.constant 0 : index
    %get3A_11 = vector.load %arg2[%get3A_9, %get3A_10] : memref<1000x64xf32, #tpu.memory_space<vmem>>, vector<1000x64xf32>
    %add3A_12 = arith.addf %add3A, %get3A_11 : vector<1000x64xf32>
    %get3A_13 = arith.constant 0 : index
    %get3A_14 = arith.constant 0 : index
    %get3A_15 = vector.load %arg3[%get3A_13, %get3A_14] : memref<1000x1xf32, #tpu.memory_space<vmem>>, vector<1000x1xf32>
    %mul3A = vector.broadcast %get3A_15 : vector<1000x1xf32> to vector<1000x64xf32>
    %mul3A_16 = arith.mulf %mul3A, %add3A_12 : vector<1000x64xf32>
    %get3A_17 = arith.constant 0 : index
    %get3A_18 = arith.constant 0 : index
    %get3A_19 = vector.load %arg4[%get3A_17, %get3A_18] : memref<1x64xf32, #tpu.memory_space<vmem>>, vector<1x64xf32>
    %add3A_20 = vector.broadcast %get3A_19 : vector<1x64xf32> to vector<1000x64xf32>
    %add3A_21 = arith.addf %mul3A_16, %add3A_20 : vector<1000x64xf32>
    %swap3A = arith.constant 0 : index
    %swap3A_22 = arith.constant 0 : index
    %swap3A_23 = vector.load %arg5[%swap3A, %swap3A_22] : memref<1000x64xf32, #tpu.memory_space<vmem>>, vector<1000x64xf32>
    tpu.vector_store %arg5[%swap3A, %swap3A_22], %add3A_21 {strides = array<i32>} : memref<1000x64xf32, #tpu.memory_space<vmem>>, vector<1000x64xf32>,
    return
  }
  func.func @transform_0(%arg0: i32) -> (i32, i32, i32) {
    %c0_i32 = arith.constant 0 : i32
    %c0_i32_0 = arith.constant 0 : i32
    %c0_i32_1 = arith.constant 0 : i32
    return %c0_i32, %arg0, %c0_i32_0 : i32, i32, i32
  }
  func.func @transform_1(%arg0: i32) -> (i32, i32) {
    %c0_i32 = arith.constant 0 : i32
    %c0_i32_0 = arith.constant 0 : i32
    return %arg0, %c0_i32 : i32, i32
  }
  func.func @transform_2(%arg0: i32) -> (i32, i32) {
    %c0_i32 = arith.constant 0 : i32
    %c0_i32_0 = arith.constant 0 : i32
    return %arg0, %c0_i32 : i32, i32
  }
  func.func @transform_3(%arg0: i32) -> (i32, i32) {
    %c0_i32 = arith.constant 0 : i32
    %c0_i32_0 = arith.constant 0 : i32
    %c0_i32_1 = arith.constant 0 : i32
    return %c0_i32, %c0_i32_0 : i32, i32
  }
  func.func @transform_4(%arg0: i32) -> (i32, i32) {
    %c0_i32 = arith.constant 0 : i32
    %c0_i32_0 = arith.constant 0 : i32
    return %arg0, %c0_i32 : i32, i32
  }
}

</mosaic_0001>

<sc_bundles>
// kernel: kernel.12.cloned.1.call-start
scs
__scs_entry_jumppad:
0x0: {  	(pc) =	sbr.rel $0x88, $3  }
0x1: {  	(tag) =	ssettag $0x0;
	lr =	simm.s32 $0x1  }
0x2: {  	[smem:$0x3F9B] =	sst lr;
	_ =	strace $0xD0000000  }
0x3: {  	_ = 	snop  }
0x4: {  	_ = 	snop  }
0x5: {  	_ = 	snop  }
0x6: {  	_ = 	snop  }
0x7: {  	_ = 	snop  }
__scs_overlays_trampoline_lowered:
0x8: {  	[smem:$0x3FAA] =	sst s0  }
0x9: {  	[smem:$0x3FAB] =	sst s1  }
0xa: {  	[smem:$0x3FAC] =	sst s2  }
0xb: {  	[smem:$0x3FAD] =	sst s3  }
0xc: {  	[smem:$0x3FAE] =	sst s4  }
0xd: {  	[smem:$0x3FAF] =	sst s5  }
0xe: {  	[smem:$0x3FB0] =	sst s6  }
0xf: {  	[smem:$0x3FB1] =	sst s7  }
0x10: {  	[smem:$0x3FB2] =	sst s8  }
0x11: {  	[smem:$0x3FB3] =	sst s9;
	s0 =	simm.s32 @!p0 $0x0  }
0x12: {  	s1 =	sld [smem:$0x3F99];
	s0 =	simm.s32 @p0 $0x1  }
0x13: {  	[smem:$0x3FB4] =	sst s0;
	s0 =	simm.s32 @!p1 $0x0  }
0x14: {  	s2 =	sld [smem:$0x3F98];
	s0 =	simm.s32 @p1 $0x1  }
0x15: {  	[smem:$0x3FB5] =	sst s0;
	s0 =	simm.s32 @!p2 $0x0  }
0x16: {  	s3 =	sld [smem:$0x3FDB];
	s0 =	simm.s32 @p2 $0x1  }
0x17: {  	s4 =	simm.s32 $0x1BF5;
	[smem:$0x3FB7] =	sst s0  }
0x18: {  	s0 =	sld [smem:$0x3F9A];
	_ =	swait.ge [sflag:s4], $0x0  }
0x19: {  	s7 =	sld [smem:$0x3F9B]  }
0x1a: {  	s8 =	sadd.s32 $0xFFFFE003, lr  }
0x1b: {  	s9 =	sadd.s32 $0xFFFFFEF7, lr;
	s5 =	simm.s32 $0xFFFFFFFF;
	p2 =	slt.u32 s8, $0xFFFFF086  }
0x1c: {  	p1 =	slt.u32 s9, $0xF7A;
	s5 =	simm.s32 @!p2 $0x0  }
0x1d: {  	s5 =	simm.s32 @p1 $0x1;
	p0 =	seq.s32 s7, s2  }
0x1e: {  	s7 =	smul.u32 @!p0 $0xF7A, s2;
	p2 =	seq.s32 @!p0 s5, $0x0  }
0x1f: {  	s9 =	smul.u32 $0xF7A, s1;
	s8 =	simm.s32 @!p0 $0x1BF5;
	p2 =	por !p2, p0  }
0x20: {  	[sflag:s8] =	ssyncset.s32 @!p0 $0xFFFFF086;
	s6 =	sadd.s32 @!p0 s3, s7;
	s7 =	simm.s32 @!p0 $0x108  }
0x21: {  	s3 =	sadd.s32 s3, s9;
	s6 =	sadd.s32 @!p0 $0x88, s6;
	s7 =	simm.s32 @p2 $0x1082  }
0x22: {  	[simem:s7], [sflag:s8] =	dma.local @!p0 [hbm:s6], $0xF7A  }
0x23: {  	s9 =	sor.u32 $0xD0000000, s2;
	s6 =	simm.s32 $0x108;
	_ =	swait.ge @!p0 [sflag:s8], $0x0  }
0x24: {  	s3 =	sadd.s32 $0x88, s3;
	s6 =	simm.s32 @!p1 $0x1082;
	[sflag:s4] =	ssyncset.s32 $0xFFFFF086  }
0x25: {  	[simem:s6], [sflag:s4] =	dma.local [hbm:s3], $0xF7A  }
0x26: {  	[smem:$0x3F9B] =	sst s1;
	(tag) =	ssettag s2;
	_ =	strace s9  }
0x27: {  	s1 =	sld [smem:$0x3FAB]  }
0x28: {  	s2 =	sld [smem:$0x3FAC]  }
0x29: {  	s4 =	sld [smem:$0x3FAE]  }
0x2a: {  	p0 =	seq.s32 s5, $0x0;
	s5 =	sld [smem:$0x3FAF]  }
0x2b: {  	s6 =	sld [smem:$0x3FB0]  }
0x2c: {  	s7 =	sld [smem:$0x3FB1]  }
0x2d: {  	s3 =	simm.s32 $0x108;
	s8 =	sld [smem:$0x3FB2]  }
0x2e: {  	s3 =	simm.s32 @!p0 $0x1082;
	s9 =	sld [smem:$0x3FB3]  }
0x2f: {  	lr =	sadd.s32 s0, s3;
	s0 =	sld [smem:$0x3FAA]  }
0x30: {  	s3 =	sld [smem:$0x3FAD]  }
0x31: {  	[smem:$0x3FB6] =	sst s10  }
0x32: {  	s10 =	sld [smem:$0x3FB4];
	_ =	sdelay $0x3  }
0x33: {  	p0 =	seq.s32 s10, $0x1;
	s10 =	sld [smem:$0x3FB6];
	_ =	sdelay $0x3  }
0x34: {  	[smem:$0x3FB6] =	sst s10  }
0x35: {  	s10 =	sld [smem:$0x3FB5];
	_ =	sdelay $0x3  }
0x36: {  	p1 =	seq.s32 s10, $0x1;
	s10 =	sld [smem:$0x3FB6];
	_ =	sdelay $0x3  }
0x37: {  	[smem:$0x3FB6] =	sst s10  }
0x38: {  	s10 =	sld [smem:$0x3FB7]  }
0x39: {  	_ = 	snop;
	(pc) =	sbr.ind lr, $3  }
0x3a: {  	_ = 	snop  }
0x3b: {  	_ = 	snop  }
0x3c: {  	p2 =	seq.s32 s10, $0x1;
	s10 =	sld [smem:$0x3FB6]  }
0x3d: {  	_ =	shalt  }
0x3e: {  	_ =	shalt  }
0x3f: {  	_ =	shalt  }
0x40: {  	_ =	shalt  }
0x41: {  	_ =	shalt  }
0x42: {  	_ =	shalt  }
0x43: {  	_ =	shalt  }
0x44: {  	_ =	shalt  }
0x45: {  	_ =	shalt  }
0x46: {  	_ =	shalt  }
0x47: {  	_ =	shalt  }
0x48: {  	_ =	shalt  }
0x49: {  	_ =	shalt  }
0x4a: {  	_ =	shalt  }
0x4b: {  	_ =	shalt  }
0x4c: {  	_ =	shalt  }
0x4d: {  	_ =	shalt  }
0x4e: {  	_ =	shalt  }
0x4f: {  	_ =	shalt  }
0x50: {  	_ =	shalt  }
0x51: {  	_ =	shalt  }
0x52: {  	_ =	shalt  }
0x53: {  	_ =	shalt  }
0x54: {  	_ =	shalt  }
0x55: {  	_ =	shalt  }
0x56: {  	_ =	shalt  }
0x57: {  	_ =	shalt  }
0x58: {  	_ =	shalt  }
0x59: {  	_ =	shalt  }
0x5a: {  	_ =	shalt  }
0x5b: {  	_ =	shalt  }
0x5c: {  	_ =	shalt  }
0x5d: {  	_ =	shalt  }
0x5e: {  	_ =	shalt  }
0x5f: {  	_ =	shalt  }
0x60: {  	_ =	shalt  }
0x61: {  	_ =	shalt  }
0x62: {  	_ =	shalt  }
0x63: {  	_ =	shalt  }
0x64: {  	_ =	shalt  }
0x65: {  	_ =	shalt  }
0x66: {  	_ =	shalt  }
0x67: {  	_ =	shalt  }
0x68: {  	_ =	shalt  }
0x69: {  	_ =	shalt  }
0x6a: {  	_ =	shalt  }
0x6b: {  	_ =	shalt  }
0x6c: {  	_ =	shalt  }
0x6d: {  	_ =	shalt  }
0x6e: {  	_ =	shalt  }
0x6f: {  	_ =	shalt  }
0x70: {  	_ =	shalt  }
0x71: {  	_ =	shalt  }
0x72: {  	_ =	shalt  }
0x73: {  	_ =	shalt  }
0x74: {  	_ =	shalt  }
0x75: {  	_ =	shalt  }
0x76: {  	_ =	shalt  }
0x77: {  	_ =	shalt  }
0x78: {  	_ =	shalt  }
0x79: {  	_ =	shalt  }
0x7a: {  	_ =	shalt  }
0x7b: {  	_ =	shalt  }
0x7c: {  	_ =	shalt  }
0x7d: {  	_ =	shalt  }
0x7e: {  	_ =	shalt  }
0x7f: {  	_ =	shalt  }
0x80: {  	_ =	shalt  }
0x81: {  	_ =	shalt  }
0x82: {  	_ =	shalt  }
0x83: {  	_ =	shalt  }
0x84: {  	_ =	shalt  }
0x85: {  	_ =	shalt  }
0x86: {  	_ =	shalt  }
0x87: {  	_ =	shalt  }
.Lfunc_end0:
.L_simem_size_0:
called_computation.1_lowered:
.L_overlay_start_0:
0x88: {  	s2 =	sld [smem:$0x3FD9]  }
0x89: {  	s3 =	sld [smem:$0x3FFE];
	_ =	sdelay $0x1  }
0x8a: {  	s1 =	srdreg.scid  }
0x8b: {  	s0 =	sand.u32 $0x1, s1  }
0x8c: {  	s16 =	sshll.u32 s0, $0xA;
	s2 =	sadd.s32 s3, s2  }
0x8d: {  	s2 =	sadd.s32 s2, s16  }
0x8e: {  	[smem:$0x3FC2] =	sst s2  }
0x8f: {  	_ = 	snop  }
0x90: {  	(tm) =	ssettm $0x1  }
0x91: {  	s17 =	sld [smem:$0x3FFB];
	_ =	sdelay $0x3  }
0x92: {  	_ =	strace s17  }
0x93: {  	s2 =	sld [smem:$0x3FFC];
	_ =	sdelay $0x3  }
0x94: {  	_ =	strace s2  }
0x95: {  	s2 =	sld [smem:$0x3FFD];
	_ =	sdelay $0x3  }
0x96: {  	_ =	strace s2  }
0x97: {  	_ =	strace $0x8FFFFFFF  }
0x98: {  	s18 =	sld [smem:$0x3FDB];
	_ =	sdelay $0x1  }
0x99: {  	s19 =	simm.s32 $_scs_section_size  }
0x9a: {  	s4 =	simm.s32 $_size__tile_overlayer_lowered;
	s5 =	simm.s32 $_tile_overlayer_lowered  }
0x9b: {  	s22 =	simm.s32 $0x1BFF;
	s21 =	sshll.u32 s5, $0x1;
	s2 =	sadd.s32 s19, s18  }
0x9c: {  	s6 =	simm.s32 $0x0;
	s20 =	sshll.u32 s4, $0x1;
	s4 =	sadd.s32 s21, s2  }
0x9d: {  	[timem:s6], [sflag:s22] =	dma.local [hbm:s4], s20  }
0x9e: {  	_ =	swait.ge [sflag:s22], s20  }
0x9f: {  	s3 =	ssub.s32 $0x0, s20;
	[sflag:s22] =	ssyncset.done $0x0  }
0xa0: {  	[sflag:s22] =	ssyncadd.s32 s3;
	_ =	sdelay $0x1  }
0xa1: {  	s23 =	simm.s32 $0x1B8B  }
0xa2: {  	_ =	swait.ge [sflag:s23], $0x1  }
0xa3: {  	[sflag:s23] =	ssyncset.done $0x0  }
0xa4: {  	s25 =	simm.s32 $0x1B8E;
	s24 =	sld [smem:$0x3FFE];
	[sflag:s23] =	ssyncadd.s32 $0xFFFFFFFF  }
0xa5: {  	s26 =	simm.s32 $execute0_lowered;
	[smem:$0x3FD2] =	sst s25  }
0xa6: {  	s4 =	sshll.u32 s26, $0x1;
	_ =	strace $0x80000049;
	[dreg:$0x1] =	wrdreg $0xFFFFFFFF  }
0xa7: {  	s28 =	simm.s32 $_size_execute0_lowered;
	s2 =	sadd.s32 s2, s4;
	[dreg:$0x0] =	wrdreg $0x0  }
0xa8: {  	s4 =	sshll.u32 s28, $0x1;
	[dreg:$0x2] =	wrdreg s2  }
0xa9: {  	[dreg:$0x3] =	wrdreg s4  }
0xaa: {  	[dreg:$0x4] =	wrdreg $0xC0  }
0xab: {  	_ =	task [dreg:s6], $0x5FFFF  }
0xac: {  	[dreg:$0x1] =	wrdreg $0xFFFFFFFF  }
0xad: {  	[dreg:$0x0] =	wrdreg $0x60  }
0xae: {  	[dreg:$0x2] =	wrdreg s24  }
0xaf: {  	[dreg:$0x3] =	wrdreg $0x0  }
0xb0: {  	[dreg:$0x4] =	wrdreg $0x9  }
0xb1: {  	_ =	task.clear_ibuf [dreg:s6], $0x5FFFF;
	_ =	strace $0x90000049  }
0xb2: {  	s29 =	simm.s32 $0x9;
	_ =	strace $0x8000004B  }
0xb3: {  	_ =	swait.ge [sflag:s29], $0x1  }
0xb4: {  	[sflag:s29] =	ssyncadd.s32 $0xFFFFFFFF  }
0xb5: {  	_ =	strace $0x9000004B  }
0xb6: {  	_ =	sfence  }
0xb7: {  	s30 =	sld [smem:$0x0];
	_ =	sdelay $0x2  }
0xb8: {  	s31 =	sshll.u32 s1, $0xD;
	s1 =	sshrl.u32 s1, $0x2  }
0xb9: {  	s3 =	sand.u32 $0x4000, s31;
	s1 =	sadd.s32 s1, s30  }
0xba: {  	s0 =	sor.u32 s3, s0;
	s1 =	sshll.u32 s1, $0x11  }
0xbb: {  	s0 =	sor.u32 s1, s0  }
0xbc: {  	s0 =	sadd.s32 $0x8F2B, s0  }
0xbd: {  	[sflag:s0] =	ssyncadd.remote.s32 $0x1  }
0xbe: {  	_ =	sfence.sel $0xFFFF  }
0xbf: {  	[dreg:$0x0] =	wrdreg $0xFFFFFFFF;
	(pc) =	sbr.abs _section_cstart, $3  }
0xc0: {  	[dreg:$0x1] =	wrdreg $0xFFFFFFFF  }
0xc1: {  	_ =	task.clear_ibuf [dreg:s6], $0x2FFFF;
	_ =	strace $0x9FFFFFFF  }
0xc2: {  	(tm) =	ssettm $0x7FFFFFFF  }
0xc3: {  	_ =	shalt  }
tec
execute0_lowered:
.L_overlay_start_1:
0x0: {  	(tag) =	ssettag $0x1  }
0x1: {  	s0 =	rddreg [dreg:$0x0];
	s15 =	stileid.u32  }
0x2: {  	s1 =	simm.s32 $0x0;
	s2 =	srdreg.scid;
	s3 =	smul.u32 $0x13A, s15  }
0x3: {  	[smem:$0x7FF] =	sst s1;
	s2 =	sand.u32 $0x1, s2;
	s8 =	smul.u32 $0x14000, s15  }
0x4: {  	s23 =	sadd.s32 $0x5A800, s0;
	s4 =	ssub.s32 $0x0, s2;
	s5 =	ssub.s32 $0x2, s2  }
0x5: {  	s6 =	smul.u32 $0x140000, s2;
	p0 =	seq.s32 s2, $0x0;
	s2 =	simm.s32 $0xF5  }
0x6: {  	s4 =	sand.u32 $0xF5, s4;
	s7 =	sshrl.u32 s5, $0x1;
	s9 =	sor.u32 $0x2000, s8  }
0x7: {  	s10 =	sadd.s32 $0x4000, s8;
	s12 =	sadd.s32 $0x6000, s8;
	s14 =	sadd.s32 $0xA000, s8  }
0x8: {  	s17 =	sadd.s32 $0xC000, s8;
	s5 =	ssub.s32 s5, s7;
	s24 =	sadd.s32 s6, s8  }
0x9: {  	s25 =	sadd.s32 s6, s9;
	s11 =	sadd.s32 s6, s10;
	s7 =	sshrl.u32 s24, $0x3  }
0xa: {  	s30 =	sadd.s32 s6, s12;
	s18 =	sadd.s32 s6, s17;
	s7 =	sadd.s32 s23, s7  }
0xb: {  	s26 =	sshrl.u32 s11, $0x3;
	[dreg:$0x4] =	wrdreg s7;
	s7 =	sshrl.u32 s25, $0x3  }
0xc: {  	s31 =	sshrl.u32 s30, $0x3;
	s11 =	sadd.s32 $0x8000, s8;
	s7 =	sadd.s32 s23, s7  }
0xd: {  	s19 =	sshrl.u32 s18, $0x3;
	[dreg:$0x5] =	wrdreg s7;
	s7 =	sadd.s32 s23, s26  }
0xe: {  	s13 =	sadd.s32 s6, s11;
	[dreg:$0x6] =	wrdreg s7;
	s7 =	sadd.s32 s23, s31  }
0xf: {  	[dreg:$0x7] =	wrdreg s7;
	s7 =	sshrl.u32 s13, $0x3;
	s13 =	sadd.s32 s6, s14  }
0x10: {  	s7 =	sadd.s32 s23, s7;
	s16 =	sshrl.u32 s13, $0x3;
	s13 =	rddreg [dreg:$0x1]  }
0x11: {  	s18 =	sadd.s32 $0xE000, s8;
	[dreg:$0x8] =	wrdreg s7;
	s7 =	sadd.s32 s23, s16  }
0x12: {  	s2 =	simm.s32 @!p0 $0x45;
	s20 =	sadd.s32 s6, s18;
	[dreg:$0x9] =	wrdreg s7  }
0x13: {  	s7 =	sadd.s32 s23, s19;
	s19 =	sadd.s32 $0x10000, s8;
	s8 =	sadd.s32 $0x12000, s8  }
0x14: {  	[dreg:$0xa] =	wrdreg s7;
	s7 =	sshrl.u32 s20, $0x3;
	s21 =	sadd.s32 s6, s19  }
0x15: {  	s6 =	sadd.s32 s6, s8;
	s7 =	sadd.s32 s23, s7;
	s22 =	sshrl.u32 s21, $0x3  }
0x16: {  	s6 =	sshrl.u32 s6, $0x3;
	[dreg:$0xb] =	wrdreg s7;
	s7 =	sadd.s32 s23, s22  }
0x17: {  	s3 =	sadd.s32 s3, s4;
	s4 =	sadd.s32 s23, s6;
	[dreg:$0xc] =	wrdreg s7  }
0x18: {  	s24 =	ssub.s32 $0x0, s2;
	[dreg:$0xd] =	wrdreg s4  }
0x19: {  	s25 =	smax.u32 s5, $0x1;
	_ =	strace $0x8000004A;
	[dreg:$0x3] =	wrdreg s24  }
0x1a: {  	s26 =	sadd.s32 s9, s13;
	[dreg:$0xe] =	wrdreg s25  }
0x1b: {  	s30 =	sadd.s32 s10, s13;
	[dreg:$0xf] =	wrdreg s26  }
0x1c: {  	s31 =	sadd.s32 s12, s13;
	[dreg:$0x10] =	wrdreg s30  }
0x1d: {  	s5 =	sadd.s32 s14, s13;
	[dreg:$0x11] =	wrdreg s31  }
0x1e: {  	s6 =	sadd.s32 s17, s13;
	[dreg:$0x13] =	wrdreg s5  }
0x1f: {  	s7 =	sadd.s32 s18, s13;
	[dreg:$0x14] =	wrdreg s6  }
0x20: {  	s3 =	sshll.u32 s3, $0x5;
	s9 =	sadd.s32 s19, s13;
	[dreg:$0x15] =	wrdreg s7  }
0x21: {  	s3 =	sadd.s32 s3, s0;
	s10 =	sadd.s32 s8, s13;
	[dreg:$0x16] =	wrdreg s9  }
0x22: {  	s12 =	sadd.s32 $0xC220, s3;
	[dreg:$0x17] =	wrdreg s10  }
0x23: {  	s14 =	sadd.s32 $0xC240, s3;
	[dreg:$0x19] =	wrdreg s12  }
0x24: {  	s17 =	sadd.s32 $0xC260, s3;
	[dreg:$0x1a] =	wrdreg s14  }
0x25: {  	s23 =	smul.u32 $0x50000, s15;
	s18 =	sadd.s32 $0xC280, s3;
	[dreg:$0x1b] =	wrdreg s17  }
0x26: {  	s19 =	sadd.s32 $0xC2A0, s3;
	[dreg:$0x1c] =	wrdreg s18  }
0x27: {  	s20 =	sadd.s32 $0xC2C0, s3;
	s4 =	sshrl.u32 s23, $0x2;
	[dreg:$0x1d] =	wrdreg s19  }
0x28: {  	[dreg:$0x1e] =	wrdreg s20;
	s16 =	sadd.s32 s4, s13;
	s4 =	sadd.s32 s11, s13  }
0x29: {  	s11 =	sadd.s32 $0xC200, s3;
	[dreg:$0x12] =	wrdreg s4  }
0x2a: {  	[dreg:$0x18] =	wrdreg s11;
	s21 =	sadd.s32 $0x2000, s16  }
0x2b: {  	s22 =	sadd.s32 $0x4000, s16;
	[dreg:$0x1f] =	wrdreg s21  }
0x2c: {  	s28 =	simm.s32 $0x14800;
	s23 =	sadd.s32 $0x6000, s16;
	[smem:$0x7F7] =	sst s22  }
0x2d: {  	s29 =	simm.s32 $0x0;
	s24 =	sadd.s32 $0x8000, s16;
	[smem:$0x7F8] =	sst s23  }
0x2e: {  	s15 =	sadd.s32 $0x33600, s0;
	s25 =	sadd.s32 $0xA000, s16;
	[smem:$0x7F9] =	sst s24  }
0x2f: {  	s18 =	simm.s32 $0x13;
	s26 =	sadd.s32 $0xC000, s16;
	[smem:$0x7FA] =	sst s25  }
0x30: {  	s4 =	sadd.s32 $0xFB, s2;
	s30 =	sadd.s32 $0xE000, s16;
	[smem:$0x7FB] =	sst s26  }
0x31: {  	s31 =	sadd.s32 $0x10000, s16;
	s17 =	sadd.s32 $0x12000, s16;
	[smem:$0x7FC] =	sst s30  }
0x32: {  	[smem:$0x7FD] =	sst s31;
	s22 =	simm.s32 $0x14300;
	s23 =	simm.s32 $0x1  }
0x33: {  	v0 =	vimm.f32 $0.0e+00;
	s24 =	simm.s32 $0x40;
	s25 =	simm.s32 $0x2;
	s26 =	simm.s32 $0x3  }
.LBB2_1:
0x34: {  	s0 =	sand.u32 $0x7E00, s1  }
0x35: {  	s3 =	sand.u32 $0x70, s1;
	s5 =	sshrl.u32 s0, $0x2  }
0x36: {  	s0 =	simm.s32 $0x40;
	s5 =	sor.u32 s3, s5;
	s3 =	simm.s32 $0x0  }
.LBB2_2:
0x37: {  	p0 =	sne.s32 s0, $0x7FC0  }
0x38: {  	[tilespmem:s5+$0x14800] =	vst v0;
	s3 =	sadd.s32 $0x10, s3;
	s5 =	smov.u32 s0;
	s0 =	sadd.s32 $0x40, s0  }
.Ltmp0:
0x39: {  	(pc) =	sbr.rel @p0 .LBB2_2-.Ltmp0, $4  }
0x3a: {  	_ = 	snop  }
0x3b: {  	s5 =	sand.u32 $0x7E00, s5  }
0x3c: {  	s6 =	sand.u32 $0x70, s3;
	s5 =	sshrl.u32 s5, $0x2  }
0x3d: {  	s5 =	sor.u32 s6, s5  }
0x3e: {  	[tilespmem:s5+$0x14800] =	vst v0;
	s30 =	simm.s32 $0x14800  }
0x3f: {  	[spmem:s16] =	stream.linear.scatter [tilespmem:s30], [sflag:$0x13], $0x2000, $0x38;
	[tilespmem:$0x1E800] =	vst v63  }
0x40: {  	_ =	swait.ge [sflag:s18], $0x2000  }
0x41: {  	[sflag:s18] =	ssyncset.done $0x0  }
0x42: {  	s0 =	rddreg [dreg:$0x1f];
	[sflag:s18] =	ssyncadd.s32 $0xFFFFE000  }
0x43: {  	[spmem:s0] =	stream.linear.scatter [tilespmem:s30], [sflag:$0x13], $0x2000, $0x38;
	[tilespmem:$0x1E800] =	vst v63  }
0x44: {  	_ =	swait.ge [sflag:s18], $0x2000  }
0x45: {  	s12 =	sld [smem:$0x7F7]  }
0x46: {  	[sflag:s18] =	ssyncset.done $0x0  }
0x47: {  	[sflag:s18] =	ssyncadd.s32 $0xFFFFE000  }
0x48: {  	[spmem:s12] =	stream.linear.scatter [tilespmem:s30], [sflag:$0x13], $0x2000, $0x38;
	[tilespmem:$0x1E800] =	vst v63  }
0x49: {  	_ =	swait.ge [sflag:s18], $0x2000  }
0x4a: {  	s14 =	sld [smem:$0x7F8]  }
0x4b: {  	[sflag:s18] =	ssyncset.done $0x0  }
0x4c: {  	[sflag:s18] =	ssyncadd.s32 $0xFFFFE000  }
0x4d: {  	[spmem:s14] =	stream.linear.scatter [tilespmem:s30], [sflag:$0x13], $0x2000, $0x38;
	[tilespmem:$0x1E800] =	vst v63  }
0x4e: {  	_ =	swait.ge [sflag:s18], $0x2000  }
0x4f: {  	s19 =	sld [smem:$0x7F9]  }
0x50: {  	[sflag:s18] =	ssyncset.done $0x0  }
0x51: {  	[sflag:s18] =	ssyncadd.s32 $0xFFFFE000  }
0x52: {  	[spmem:s19] =	stream.linear.scatter [tilespmem:s30], [sflag:$0x13], $0x2000, $0x38;
	[tilespmem:$0x1E800] =	vst v63  }
0x53: {  	_ =	swait.ge [sflag:s18], $0x2000  }
0x54: {  	s20 =	sld [smem:$0x7FA]  }
0x55: {  	[sflag:s18] =	ssyncset.done $0x0  }
0x56: {  	[sflag:s18] =	ssyncadd.s32 $0xFFFFE000  }
0x57: {  	[spmem:s20] =	stream.linear.scatter [tilespmem:s30], [sflag:$0x13], $0x2000, $0x38;
	[tilespmem:$0x1E800] =	vst v63  }
0x58: {  	_ =	swait.ge [sflag:s18], $0x2000  }
0x59: {  	s21 =	sld [smem:$0x7FB]  }
0x5a: {  	[sflag:s18] =	ssyncset.done $0x0  }
0x5b: {  	[sflag:s18] =	ssyncadd.s32 $0xFFFFE000  }
0x5c: {  	[spmem:s21] =	stream.linear.scatter [tilespmem:s30], [sflag:$0x13], $0x2000, $0x38;
	[tilespmem:$0x1E800] =	vst v63  }
0x5d: {  	_ =	swait.ge [sflag:s18], $0x2000  }
0x5e: {  	s3 =	sld [smem:$0x7FC]  }
0x5f: {  	[sflag:s18] =	ssyncset.done $0x0  }
0x60: {  	[sflag:s18] =	ssyncadd.s32 $0xFFFFE000  }
0x61: {  	[spmem:s3] =	stream.linear.scatter [tilespmem:s30], [sflag:$0x13], $0x2000, $0x38;
	[tilespmem:$0x1E800] =	vst v63  }
0x62: {  	_ =	swait.ge [sflag:s18], $0x2000  }
0x63: {  	s5 =	sld [smem:$0x7FD]  }
0x64: {  	[sflag:s18] =	ssyncset.done $0x0  }
0x65: {  	[sflag:s18] =	ssyncadd.s32 $0xFFFFE000  }
0x66: {  	[spmem:s5] =	stream.linear.scatter [tilespmem:s30], [sflag:$0x13], $0x2000, $0x38;
	[tilespmem:$0x1E800] =	vst v63  }
0x67: {  	_ =	swait.ge [sflag:s18], $0x2000  }
0x68: {  	[sflag:s18] =	ssyncset.done $0x0  }
0x69: {  	[sflag:s18] =	ssyncadd.s32 $0xFFFFE000  }
0x6a: {  	[spmem:s17] =	stream.linear.scatter [tilespmem:s30], [sflag:$0x13], $0x2000, $0x38;
	[tilespmem:$0x1E800] =	vst v63  }
0x6b: {  	_ =	swait.ge [sflag:s18], $0x2000  }
0x6c: {  	s31 =	simm.s32 $0x0;
	[sflag:s18] =	ssyncset.done $0x0  }
0x6d: {  	s3 =	simm.s32 $0x14000;
	s6 =	rddreg [dreg:$0x18];
	[sflag:s18] =	ssyncadd.s32 $0xFFFFE000  }
0x6e: {  	[tilespmem:s3], [sflag:$0x1] =	stream.linear.gather [hbm4b:s6+s31], $0x100, $0x38;
	[tilespmem:$0x1E800] =	vst v63  }
0x6f: {  	s8 =	simm.s32 $0x14100;
	s7 =	rddreg [dreg:$0x19]  }
0x70: {  	[tilespmem:s8], [sflag:$0x2] =	stream.linear.gather [hbm4b:s7+s31], $0x100, $0x38;
	[tilespmem:$0x1E800] =	vst v63  }
0x71: {  	s9 =	rddreg [dreg:$0x1a];
	s6 =	simm.s32 $0x14200  }
0x72: {  	[tilespmem:s6], [sflag:$0x3] =	stream.linear.gather [hbm4b:s9+s31], $0x100, $0x38;
	[tilespmem:$0x1E800] =	vst v63  }
0x73: {  	s10 =	rddreg [dreg:$0x1b]  }
0x74: {  	[tilespmem:s22], [sflag:$0x4] =	stream.linear.gather [hbm4b:s10+s31], $0x100, $0x38;
	[tilespmem:$0x1E800] =	vst v63  }
0x75: {  	s11 =	rddreg [dreg:$0x1c];
	s7 =	simm.s32 $0x14400  }
0x76: {  	[tilespmem:s7], [sflag:$0x5] =	stream.linear.gather [hbm4b:s11+s31], $0x100, $0x38;
	[tilespmem:$0x1E800] =	vst v63  }
0x77: {  	s14 =	simm.s32 $0x14500;
	s12 =	rddreg [dreg:$0x1d]  }
0x78: {  	[tilespmem:s14], [sflag:$0x6] =	stream.linear.gather [hbm4b:s12+s31], $0x100, $0x38;
	[tilespmem:$0x1E800] =	vst v63  }
0x79: {  	_ =	swait.ge [sflag:s23], $0x100  }
0x7a: {  	[sflag:s23] =	ssyncset.done $0x0  }
0x7b: {  	[sflag:s23] =	ssyncadd.s32 $0xFFFFFF00  }
0x7c: {  	[tilespmem:s30], [sflag:$0x9] =	stream.indirect.gather [hbm4b:s15+s24], $0x80, s3, s24, $0xb8;
	[tilespmem:$0x1E800] =	vst v63  }
0x7d: {  	_ =	swait.ge [sflag:s25], $0x100  }
0x7e: {  	[sflag:s25] =	ssyncset.done $0x0  }
0x7f: {  	s19 =	simm.s32 $0x16800;
	[sflag:s25] =	ssyncadd.s32 $0xFFFFFF00  }
0x80: {  	[tilespmem:s19], [sflag:$0xA] =	stream.indirect.gather [hbm4b:s15+s24], $0x80, s8, s24, $0xb8;
	[tilespmem:$0x1E800] =	vst v63  }
0x81: {  	_ =	swait.ge [sflag:s26], $0x100  }
0x82: {  	[sflag:s26] =	ssyncset.done $0x0  }
0x83: {  	s20 =	simm.s32 $0x18800;
	s11 =	simm.s32 $0x4;
	[sflag:s26] =	ssyncadd.s32 $0xFFFFFF00  }
0x84: {  	[tilespmem:s20], [sflag:$0xB] =	stream.indirect.gather [hbm4b:s15+s24], $0x80, s6, s24, $0xb8;
	[tilespmem:$0x1E800] =	vst v63  }
0x85: {  	_ =	swait.ge [sflag:s11], $0x100  }
0x86: {  	s0 =	simm.s32 $0xFFFFFFFF;
	[sflag:s11] =	ssyncset.done $0x0  }
0x87: {  	s21 =	simm.s32 $0x1A800;
	s5 =	simm.s32 $0xD;
	[sflag:s11] =	ssyncadd.s32 $0xFFFFFF00  }
0x88: {  	[tilespmem:s21], [sflag:$0xC] =	stream.indirect.gather [hbm4b:s15+s24], $0x80, s22, s24, $0xb8;
	[tilespmem:$0x1E800] =	vst v63  }
0x89: {  	s9 =	simm.s32 $0x0;
	s7 =	simm.s32 $0xE;
	[bflag:$0x0] =	sbarrier.arrive $0xFFFF  }
0x8a: {  	s3 =	simm.s32 $0x9;
	s6 =	simm.s32 $0x1C800;
	s8 =	rddreg [dreg:$0x1e]  }
.LBB2_4:
0x8b: {  	s19 =	smulhi.u32 $0xCCCCCCCD, s9;
	_ =	sdelay $0x1  }
0x8c: {  	s19 =	sshrl.u32 s19, $0x2  }
0x8d: {  	s10 =	smul.u32 $0xFFFFFFEC, s19;
	_ =	sdelay $0x1  }
0x8e: {  	s10 =	sshra.s32 s10, $0x2  }
0x8f: {  	s12 =	sand.u32 $0x1C00, s31;
	s19 =	smul.u32 $0xFFFD8000, s19;
	s20 =	sadd.s32 s10, s3  }
0x90: {  	s12 =	sshrl.u32 s12, $0x2;
	_ =	swait.ge [sflag:s20], $0x2000  }
0x91: {  	s12 =	sor.u32 $0x14080, s12;
	s19 =	sshra.s32 s19, $0x2;
	[sflag:s20] =	ssyncset.done $0x0  }
0x92: {  	s10 =	sadd.s32 s10, s7;
	s19 =	sadd.s32 s19, s30;
	[sflag:s20] =	ssyncadd.s32 $0xFFFFE000  }
0x93: {  	[spmem:s13] =	stream.indirect.scatter.add.f32 [tilespmem:s19], [sflag:s10], $0x80, s12, s24, $0xb8;
	[tilespmem:$0x1E800] =	vst v63  }
0x94: {  	s10 =	sadd.s32 $0x5, s0  }
0x95: {  	p0 =	sge.u32 s10, s2  }
0x96: {  	s10 =	sand.u32 @!p0 $0x7, s10;
	s12 =	sadd.s32 @!p0 $0x7, s0  }
0x97: {  	s19 =	sadd.s32 @!p0 $0x1, s10;
	p1 =	sge.u32 @!p0 s12, s2  }
0x98: {  	_ =	swait.ge @!p0 [sflag:s19], $0x100;
	p2 =	por p1, p0  }
0x99: {  	p1 =	seq.s32 @!p0 s0, $0xFFFFFFFF;
	[sflag:s19] =	ssyncset.done @!p0 $0x0;
	s12 =	sand.u32 @!p2 $0x7, s12  }
0x9a: {  	p1 =	por p1, p0;
	s14 =	simm.s32 @!p2 $0x0;
	[sflag:s19] =	ssyncadd.s32 @!p0 $0xFFFFFF00  }
0x9b: {  	s19 =	sshll.u32 @!p2 s12, $0x8;
	s20 =	smulhi.u32 @!p1 $0x66666667, s0;
	s21 =	sshra.s32 @!p1 s0, $0x1F  }
0x9c: {  	s12 =	sadd.s32 @!p2 $0x1, s12;
	s19 =	sor.u32 @!p2 $0x14000, s19;
	s21 =	smul.u32 @!p1 $0x66666667, s21  }
0x9d: {  	[tilespmem:s19], [sflag:s12] =	stream.linear.gather @!p2 [hbm4b:s8+s14], $0x100, $0x38;
	[tilespmem:$0x1E800] =	vst v63  }
0x9e: {  	s12 =	sadd.s32 @!p1 s21, s20  }
0x9f: {  	s21 =	smulhi.u32 $0xCCCCCCCD, s11;
	s14 =	sshrl.u32 @!p1 s12, $0x1F;
	s12 =	sshra.s32 @!p1 s12, $0x1  }
0xa0: {  	s12 =	sadd.s32 @!p1 s14, s12  }
0xa1: {  	s20 =	sshrl.u32 s21, $0x2;
	s12 =	smul.u32 @!p1 $0x5, s12  }
0xa2: {  	s19 =	smul.u32 $0xFFFFFFEC, s20  }
0xa3: {  	s10 =	sshll.u32 @!p0 s10, $0x8;
	s14 =	smul.u32 $0xFFFD8000, s20  }
0xa4: {  	s10 =	sor.u32 @!p0 $0x14000, s10;
	s12 =	ssub.s32 @!p1 s0, s12  }
0xa5: {  	s19 =	sshra.s32 s19, $0x2;
	s14 =	sshra.s32 s14, $0x2;
	s12 =	sadd.s32 @!p1 $0xE, s12  }
0xa6: {  	s0 =	sadd.s32 $0x1, s0;
	s19 =	sadd.s32 s19, s5;
	_ =	swait.ge @!p1 [sflag:s12], $0x2000  }
0xa7: {  	s14 =	sadd.s32 s14, s6;
	[sflag:s12] =	ssyncset.done @!p1 $0x0;
	s21 =	rddreg [dreg:$0x3]  }
0xa8: {  	[sflag:s12] =	ssyncadd.s32 @!p1 $0xFFFFE000;
	s12 =	simm.s32 @!p0 $0x40;
	s21 =	sadd.s32 s0, s21  }
0xa9: {  	[tilespmem:s14], [sflag:s19] =	stream.indirect.gather @!p0 [hbm4b:s15+s12], $0x80, s10, s12, $0xb8;
	[tilespmem:$0x1E800] =	vst v63  }
0xaa: {  	p0 =	sne.s32 s21, $0xFFFFFFFF  }
.Ltmp1:
0xab: {  	_ = 	snop;
	(pc) =	sbr.rel @p0 .LBB2_4-.Ltmp1, $4  }
0xac: {  	_ = 	snop  }
0xad: {  	s9 =	sadd.s32 $0x1, s9;
	s31 =	sadd.s32 $0x400, s31;
	s3 =	sadd.s32 $0x1, s3  }
0xae: {  	s7 =	sadd.s32 $0x1, s7;
	s30 =	sadd.s32 $0x2000, s30;
	s8 =	sadd.s32 $0x20, s8  }
0xaf: {  	s11 =	sadd.s32 $0x1, s11;
	s5 =	sadd.s32 $0x1, s5;
	s6 =	sadd.s32 $0x2000, s6  }
0xb0: {  	s3 =	sadd.s32 $0x0, s4  }
0xb1: {  	s0 =	sand.u32 $0xFF, s3  }
0xb2: {  	s0 =	smul.u32 $0xCD, s0;
	_ =	sdelay $0x1  }
0xb3: {  	s0 =	sshrl.u32 s0, $0xA  }
0xb4: {  	s5 =	smul.u32 $0x5, s0  }
0xb5: {  	s0 =	sadd.s32 $0x1, s4  }
0xb6: {  	s6 =	sand.u32 $0xFF, s0;
	s3 =	ssub.s32 s3, s5  }
0xb7: {  	s6 =	smul.u32 $0xCD, s6;
	s3 =	sand.u32 $0xFF, s3  }
0xb8: {  	s5 =	sadd.s32 $0xE, s3  }
0xb9: {  	s3 =	simm.s32 $0x2;
	s6 =	sshrl.u32 s6, $0xA;
	_ =	swait.ge [sflag:s5], $0x2000  }
.LBB2_6:
0xba: {  	s7 =	sadd.s32 s3, s4  }
0xbb: {  	s6 =	smul.u32 $0x5, s6;
	[sflag:s5] =	ssyncset.done $0x0;
	p0 =	sne.s32 s3, $0x4  }
.Ltmp2:
0xbc: {  	s8 =	sand.u32 $0xFF, s7;
	[sflag:s5] =	ssyncadd.s32 $0xFFFFE000;
	(pc) =	sbr.rel @p0 .LBB2_6-.Ltmp2, $4  }
0xbd: {  	s3 =	sadd.s32 $0x1, s3;
	s0 =	ssub.s32 s0, s6  }
0xbe: {  	s6 =	smul.u32 $0xCD, s8;
	s5 =	sand.u32 $0xFF, s0;
	s0 =	smov.u32 s7  }
0xbf: {  	s5 =	sadd.s32 $0xE, s5  }
0xc0: {  	s6 =	sshrl.u32 s6, $0xA;
	_ =	swait.ge [sflag:s5], $0x2000  }
0xc1: {  	s3 =	smul.u32 $0x5, s6;
	_ =	sdelay $0x1  }
0xc2: {  	s0 =	ssub.s32 s0, s3  }
0xc3: {  	[sflag:s5] =	ssyncset.done $0x0;
	s0 =	sand.u32 $0xFF, s0  }
0xc4: {  	[sflag:s5] =	ssyncadd.s32 $0xFFFFE000;
	s0 =	sadd.s32 $0xE, s0  }
0xc5: {  	_ =	swait.ge [sflag:s0], $0x2000  }
0xc6: {  	[sflag:s0] =	ssyncset.done $0x0  }
0xc7: {  	[sflag:s0] =	ssyncadd.s32 $0xFFFFE000  }
0xc8: {  	[bflag:$0x0] =	sbarrier.arrive $0xFFFF  }
0xc9: {  	[tilespmem:s28], [sflag:$0x13] =	stream.linear.gather [spmem:s16], $0x2000, $0x38;
	[tilespmem:$0x1E800] =	vst v63  }
0xca: {  	_ =	swait.ge [sflag:s18], $0x2000  }
0xcb: {  	[sflag:s18] =	ssyncset.done $0x0  }
0xcc: {  	s19 =	rddreg [dreg:$0x4];
	[sflag:s18] =	ssyncadd.s32 $0xFFFFE000  }
0xcd: {  	[hbm4b:s19+s1] =	stream.linear.scatter [tilespmem:s28], [sflag:$0x13], $0x2000, $0x38;
	[tilespmem:$0x1E800] =	vst v63  }
0xce: {  	_ =	swait.ge [sflag:s18], $0x2000  }
0xcf: {  	[sflag:s18] =	ssyncset.done $0x0  }
0xd0: {  	s20 =	rddreg [dreg:$0xf];
	[sflag:s18] =	ssyncadd.s32 $0xFFFFE000  }
0xd1: {  	[tilespmem:s28], [sflag:$0x13] =	stream.linear.gather [spmem:s20], $0x2000, $0x38;
	[tilespmem:$0x1E800] =	vst v63  }
0xd2: {  	_ =	swait.ge [sflag:s18], $0x2000  }
0xd3: {  	[sflag:s18] =	ssyncset.done $0x0  }
0xd4: {  	s21 =	rddreg [dreg:$0x5];
	[sflag:s18] =	ssyncadd.s32 $0xFFFFE000  }
0xd5: {  	[hbm4b:s21+s1] =	stream.linear.scatter [tilespmem:s28], [sflag:$0x13], $0x2000, $0x38;
	[tilespmem:$0x1E800] =	vst v63  }
0xd6: {  	_ =	swait.ge [sflag:s18], $0x2000  }
0xd7: {  	[sflag:s18] =	ssyncset.done $0x0  }
0xd8: {  	s30 =	rddreg [dreg:$0x10];
	[sflag:s18] =	ssyncadd.s32 $0xFFFFE000  }
0xd9: {  	[tilespmem:s28], [sflag:$0x13] =	stream.linear.gather [spmem:s30], $0x2000, $0x38;
	[tilespmem:$0x1E800] =	vst v63  }
0xda: {  	_ =	swait.ge [sflag:s18], $0x2000  }
0xdb: {  	[sflag:s18] =	ssyncset.done $0x0  }
0xdc: {  	s31 =	rddreg [dreg:$0x6];
	[sflag:s18] =	ssyncadd.s32 $0xFFFFE000  }
0xdd: {  	[hbm4b:s31+s1] =	stream.linear.scatter [tilespmem:s28], [sflag:$0x13], $0x2000, $0x38;
	[tilespmem:$0x1E800] =	vst v63  }
0xde: {  	_ =	swait.ge [sflag:s18], $0x2000  }
0xdf: {  	[sflag:s18] =	ssyncset.done $0x0  }
0xe0: {  	s3 =	rddreg [dreg:$0x11];
	[sflag:s18] =	ssyncadd.s32 $0xFFFFE000  }
0xe1: {  	[tilespmem:s28], [sflag:$0x13] =	stream.linear.gather [spmem:s3], $0x2000, $0x38;
	[tilespmem:$0x1E800] =	vst v63  }
0xe2: {  	_ =	swait.ge [sflag:s18], $0x2000  }
0xe3: {  	[sflag:s18] =	ssyncset.done $0x0  }
0xe4: {  	s5 =	rddreg [dreg:$0x7];
	[sflag:s18] =	ssyncadd.s32 $0xFFFFE000  }
0xe5: {  	[hbm4b:s5+s1] =	stream.linear.scatter [tilespmem:s28], [sflag:$0x13], $0x2000, $0x38;
	[tilespmem:$0x1E800] =	vst v63  }
0xe6: {  	_ =	swait.ge [sflag:s18], $0x2000  }
0xe7: {  	[sflag:s18] =	ssyncset.done $0x0  }
0xe8: {  	s6 =	rddreg [dreg:$0x12];
	[sflag:s18] =	ssyncadd.s32 $0xFFFFE000  }
0xe9: {  	[tilespmem:s28], [sflag:$0x13] =	stream.linear.gather [spmem:s6], $0x2000, $0x38;
	[tilespmem:$0x1E800] =	vst v63  }
0xea: {  	_ =	swait.ge [sflag:s18], $0x2000  }
0xeb: {  	[sflag:s18] =	ssyncset.done $0x0  }
0xec: {  	s7 =	rddreg [dreg:$0x8];
	[sflag:s18] =	ssyncadd.s32 $0xFFFFE000  }
0xed: {  	[hbm4b:s7+s1] =	stream.linear.scatter [tilespmem:s28], [sflag:$0x13], $0x2000, $0x38;
	[tilespmem:$0x1E800] =	vst v63  }
0xee: {  	_ =	swait.ge [sflag:s18], $0x2000  }
0xef: {  	[sflag:s18] =	ssyncset.done $0x0  }
0xf0: {  	s8 =	rddreg [dreg:$0x13];
	[sflag:s18] =	ssyncadd.s32 $0xFFFFE000  }
0xf1: {  	[tilespmem:s28], [sflag:$0x13] =	stream.linear.gather [spmem:s8], $0x2000, $0x38;
	[tilespmem:$0x1E800] =	vst v63  }
0xf2: {  	_ =	swait.ge [sflag:s18], $0x2000  }
0xf3: {  	[sflag:s18] =	ssyncset.done $0x0  }
0xf4: {  	s9 =	rddreg [dreg:$0x9];
	[sflag:s18] =	ssyncadd.s32 $0xFFFFE000  }
0xf5: {  	[hbm4b:s9+s1] =	stream.linear.scatter [tilespmem:s28], [sflag:$0x13], $0x2000, $0x38;
	[tilespmem:$0x1E800] =	vst v63  }
0xf6: {  	_ =	swait.ge [sflag:s18], $0x2000  }
0xf7: {  	[sflag:s18] =	ssyncset.done $0x0  }
0xf8: {  	s10 =	rddreg [dreg:$0x14];
	[sflag:s18] =	ssyncadd.s32 $0xFFFFE000  }
0xf9: {  	[tilespmem:s28], [sflag:$0x13] =	stream.linear.gather [spmem:s10], $0x2000, $0x38;
	[tilespmem:$0x1E800] =	vst v63  }
0xfa: {  	_ =	swait.ge [sflag:s18], $0x2000  }
0xfb: {  	[sflag:s18] =	ssyncset.done $0x0  }
0xfc: {  	s11 =	rddreg [dreg:$0xa];
	[sflag:s18] =	ssyncadd.s32 $0xFFFFE000  }
0xfd: {  	[hbm4b:s11+s1] =	stream.linear.scatter [tilespmem:s28], [sflag:$0x13], $0x2000, $0x38;
	[tilespmem:$0x1E800] =	vst v63  }
0xfe: {  	_ =	swait.ge [sflag:s18], $0x2000  }
0xff: {  	[sflag:s18] =	ssyncset.done $0x0  }
0x100: {  	s12 =	rddreg [dreg:$0x15];
	[sflag:s18] =	ssyncadd.s32 $0xFFFFE000  }
0x101: {  	[tilespmem:s28], [sflag:$0x13] =	stream.linear.gather [spmem:s12], $0x2000, $0x38;
	[tilespmem:$0x1E800] =	vst v63  }
0x102: {  	_ =	swait.ge [sflag:s18], $0x2000  }
0x103: {  	[sflag:s18] =	ssyncset.done $0x0  }
0x104: {  	s14 =	rddreg [dreg:$0xb];
	[sflag:s18] =	ssyncadd.s32 $0xFFFFE000  }
0x105: {  	[hbm4b:s14+s1] =	stream.linear.scatter [tilespmem:s28], [sflag:$0x13], $0x2000, $0x38;
	[tilespmem:$0x1E800] =	vst v63  }
0x106: {  	_ =	swait.ge [sflag:s18], $0x2000  }
0x107: {  	[sflag:s18] =	ssyncset.done $0x0  }
0x108: {  	s19 =	rddreg [dreg:$0x16];
	[sflag:s18] =	ssyncadd.s32 $0xFFFFE000  }
0x109: {  	[tilespmem:s28], [sflag:$0x13] =	stream.linear.gather [spmem:s19], $0x2000, $0x38;
	[tilespmem:$0x1E800] =	vst v63  }
0x10a: {  	_ =	swait.ge [sflag:s18], $0x2000  }
0x10b: {  	[sflag:s18] =	ssyncset.done $0x0  }
0x10c: {  	s20 =	rddreg [dreg:$0xc];
	[sflag:s18] =	ssyncadd.s32 $0xFFFFE000  }
0x10d: {  	[hbm4b:s20+s1] =	stream.linear.scatter [tilespmem:s28], [sflag:$0x13], $0x2000, $0x38;
	[tilespmem:$0x1E800] =	vst v63  }
0x10e: {  	_ =	swait.ge [sflag:s18], $0x2000  }
0x10f: {  	[sflag:s18] =	ssyncset.done $0x0  }
0x110: {  	s21 =	rddreg [dreg:$0x17];
	[sflag:s18] =	ssyncadd.s32 $0xFFFFE000  }
0x111: {  	[tilespmem:s28], [sflag:$0x13] =	stream.linear.gather [spmem:s21], $0x2000, $0x38;
	[tilespmem:$0x1E800] =	vst v63  }
0x112: {  	_ =	swait.ge [sflag:s18], $0x2000  }
0x113: {  	[sflag:s18] =	ssyncset.done $0x0  }
0x114: {  	s30 =	rddreg [dreg:$0xd];
	[sflag:s18] =	ssyncadd.s32 $0xFFFFE000  }
0x115: {  	[hbm4b:s30+s1] =	stream.linear.scatter [tilespmem:s28], [sflag:$0x13], $0x2000, $0x38;
	[tilespmem:$0x1E800] =	vst v63  }
0x116: {  	_ =	swait.ge [sflag:s18], $0x2000  }
0x117: {  	s29 =	sadd.s32 $0x1, s29;
	s31 =	rddreg [dreg:$0xe]  }
0x118: {  	p0 =	sne.s32 s29, s31  }
.Ltmp3:
0x119: {  	_ = 	snop;
	(pc) =	sbr.rel @p0 .LBB2_1-.Ltmp3, $3  }
0x11a: {  	_ =	sdelay $0x1  }
0x11b: {  	[sflag:s18] =	ssyncset.done $0x0  }
0x11c: {  	[sflag:s18] =	ssyncadd.s32 $0xFFFFE000  }
0x11d: {  	_ =	sfence.sel $0x180000  }
0x11e: {  	[bflag:$0x0] =	sbarrier.arrive $0xFFFF  }
0x11f: {  	_ =	strace $0x9000004A  }
0x120: {  	s0 =	stileid.u32;
	[bflag:$0x2] =	sbarrier.arrive $0xFFFF  }
0x121: {  	p0 =	sne.s32 s0, $0x0;
	s0 =	rddreg [dreg:$0x2]  }
0x122: {  	s0 =	sadd.s32 @!p0 $0x100000, s0  }
0x123: {  	[sflag:s0] =	ssyncadd.tile.s32 @!p0 $0x1;
	_ =	shalt  }
.Lfunc_end2:
_tile_overlayer_lowered:
.L_overlay_start_2:
0x124: {  	(tag) =	ssettag $0x2  }
0x125: {  	s0 =	rddreg [dreg:$0x0];
	s2 =	stileid.u32  }
0x126: {  	s1 =	rddreg [dreg:$0x1];
	p0 =	sne.s32 s2, $0x0  }
0x127: {  	s3 =	rddreg [dreg:$0x2];
	[bflag:$0x3] =	sbarrier.arrive $0xFFFF;
	s2 =	simm.s32 @!p0 $0x1C13  }
0x128: {  	[timem:s3], [sflag:s2] =	dma.local @!p0 [hbm:s0], s1  }
0x129: {  	s0 =	simm.s32 @!p0 $0x13  }
0x12a: {  	_ =	swait.ge @!p0 [sflag:s0], s1  }
0x12b: {  	s1 =	ssub.s32 @!p0 $0x0, s1;
	[sflag:s0] =	ssyncset.done @!p0 $0x0  }
0x12c: {  	[sflag:s0] =	ssyncadd.s32 @!p0 s1  }
0x12d: {  	[bflag:$0x3] =	sbarrier.arrive $0xFFFF  }
0x12e: {  	_ =	shalt  }

// kernel: kernel.15.cloned.1.call-start
scs
__scs_entry_jumppad:
0x0: {  	(pc) =	sbr.rel $0x88, $3  }
0x1: {  	(tag) =	ssettag $0x0;
	lr =	simm.s32 $0x1  }
0x2: {  	[smem:$0x3F9B] =	sst lr;
	_ =	strace $0xD0000000  }
0x3: {  	_ = 	snop  }
0x4: {  	_ = 	snop  }
0x5: {  	_ = 	snop  }
0x6: {  	_ = 	snop  }
0x7: {  	_ = 	snop  }
__scs_overlays_trampoline_lowered:
0x8: {  	[smem:$0x3FAA] =	sst s0  }
0x9: {  	[smem:$0x3FAB] =	sst s1  }
0xa: {  	[smem:$0x3FAC] =	sst s2  }
0xb: {  	[smem:$0x3FAD] =	sst s3  }
0xc: {  	[smem:$0x3FAE] =	sst s4  }
0xd: {  	[smem:$0x3FAF] =	sst s5  }
0xe: {  	[smem:$0x3FB0] =	sst s6  }
0xf: {  	[smem:$0x3FB1] =	sst s7  }
0x10: {  	[smem:$0x3FB2] =	sst s8  }
0x11: {  	[smem:$0x3FB3] =	sst s9;
	s0 =	simm.s32 @!p0 $0x0  }
0x12: {  	s1 =	sld [smem:$0x3F99];
	s0 =	simm.s32 @p0 $0x1  }
0x13: {  	[smem:$0x3FB4] =	sst s0;
	s0 =	simm.s32 @!p1 $0x0  }
0x14: {  	s2 =	sld [smem:$0x3F98];
	s0 =	simm.s32 @p1 $0x1  }
0x15: {  	[smem:$0x3FB5] =	sst s0;
	s0 =	simm.s32 @!p2 $0x0  }
0x16: {  	s3 =	sld [smem:$0x3FDB];
	s0 =	simm.s32 @p2 $0x1  }
0x17: {  	s4 =	simm.s32 $0x1BF5;
	[smem:$0x3FB7] =	sst s0  }
0x18: {  	s0 =	sld [smem:$0x3F9A];
	_ =	swait.ge [sflag:s4], $0x0  }
0x19: {  	s7 =	sld [smem:$0x3F9B]  }
0x1a: {  	s8 =	sadd.s32 $0xFFFFE003, lr  }
0x1b: {  	s9 =	sadd.s32 $0xFFFFFEF7, lr;
	s5 =	simm.s32 $0xFFFFFFFF;
	p2 =	slt.u32 s8, $0xFFFFF086  }
0x1c: {  	p1 =	slt.u32 s9, $0xF7A;
	s5 =	simm.s32 @!p2 $0x0  }
0x1d: {  	s5 =	simm.s32 @p1 $0x1;
	p0 =	seq.s32 s7, s2  }
0x1e: {  	s7 =	smul.u32 @!p0 $0xF7A, s2;
	p2 =	seq.s32 @!p0 s5, $0x0  }
0x1f: {  	s9 =	smul.u32 $0xF7A, s1;
	s8 =	simm.s32 @!p0 $0x1BF5;
	p2 =	por !p2, p0  }
0x20: {  	[sflag:s8] =	ssyncset.s32 @!p0 $0xFFFFF086;
	s6 =	sadd.s32 @!p0 s3, s7;
	s7 =	simm.s32 @!p0 $0x108  }
0x21: {  	s3 =	sadd.s32 s3, s9;
	s6 =	sadd.s32 @!p0 $0x88, s6;
	s7 =	simm.s32 @p2 $0x1082  }
0x22: {  	[simem:s7], [sflag:s8] =	dma.local @!p0 [hbm:s6], $0xF7A  }
0x23: {  	s9 =	sor.u32 $0xD0000000, s2;
	s6 =	simm.s32 $0x108;
	_ =	swait.ge @!p0 [sflag:s8], $0x0  }
0x24: {  	s3 =	sadd.s32 $0x88, s3;
	s6 =	simm.s32 @!p1 $0x1082;
	[sflag:s4] =	ssyncset.s32 $0xFFFFF086  }
0x25: {  	[simem:s6], [sflag:s4] =	dma.local [hbm:s3], $0xF7A  }
0x26: {  	[smem:$0x3F9B] =	sst s1;
	(tag) =	ssettag s2;
	_ =	strace s9  }
0x27: {  	s1 =	sld [smem:$0x3FAB]  }
0x28: {  	s2 =	sld [smem:$0x3FAC]  }
0x29: {  	s4 =	sld [smem:$0x3FAE]  }
0x2a: {  	p0 =	seq.s32 s5, $0x0;
	s5 =	sld [smem:$0x3FAF]  }
0x2b: {  	s6 =	sld [smem:$0x3FB0]  }
0x2c: {  	s7 =	sld [smem:$0x3FB1]  }
0x2d: {  	s3 =	simm.s32 $0x108;
	s8 =	sld [smem:$0x3FB2]  }
0x2e: {  	s3 =	simm.s32 @!p0 $0x1082;
	s9 =	sld [smem:$0x3FB3]  }
0x2f: {  	lr =	sadd.s32 s0, s3;
	s0 =	sld [smem:$0x3FAA]  }
0x30: {  	s3 =	sld [smem:$0x3FAD]  }
0x31: {  	[smem:$0x3FB6] =	sst s10  }
0x32: {  	s10 =	sld [smem:$0x3FB4];
	_ =	sdelay $0x3  }
0x33: {  	p0 =	seq.s32 s10, $0x1;
	s10 =	sld [smem:$0x3FB6];
	_ =	sdelay $0x3  }
0x34: {  	[smem:$0x3FB6] =	sst s10  }
0x35: {  	s10 =	sld [smem:$0x3FB5];
	_ =	sdelay $0x3  }
0x36: {  	p1 =	seq.s32 s10, $0x1;
	s10 =	sld [smem:$0x3FB6];
	_ =	sdelay $0x3  }
0x37: {  	[smem:$0x3FB6] =	sst s10  }
0x38: {  	s10 =	sld [smem:$0x3FB7]  }
0x39: {  	_ = 	snop;
	(pc) =	sbr.ind lr, $3  }
0x3a: {  	_ = 	snop  }
0x3b: {  	_ = 	snop  }
0x3c: {  	p2 =	seq.s32 s10, $0x1;
	s10 =	sld [smem:$0x3FB6]  }
0x3d: {  	_ =	shalt  }
0x3e: {  	_ =	shalt  }
0x3f: {  	_ =	shalt  }
0x40: {  	_ =	shalt  }
0x41: {  	_ =	shalt  }
0x42: {  	_ =	shalt  }
0x43: {  	_ =	shalt  }
0x44: {  	_ =	shalt  }
0x45: {  	_ =	shalt  }
0x46: {  	_ =	shalt  }
0x47: {  	_ =	shalt  }
0x48: {  	_ =	shalt  }
0x49: {  	_ =	shalt  }
0x4a: {  	_ =	shalt  }
0x4b: {  	_ =	shalt  }
0x4c: {  	_ =	shalt  }
0x4d: {  	_ =	shalt  }
0x4e: {  	_ =	shalt  }
0x4f: {  	_ =	shalt  }
0x50: {  	_ =	shalt  }
0x51: {  	_ =	shalt  }
0x52: {  	_ =	shalt  }
0x53: {  	_ =	shalt  }
0x54: {  	_ =	shalt  }
0x55: {  	_ =	shalt  }
0x56: {  	_ =	shalt  }
0x57: {  	_ =	shalt  }
0x58: {  	_ =	shalt  }
0x59: {  	_ =	shalt  }
0x5a: {  	_ =	shalt  }
0x5b: {  	_ =	shalt  }
0x5c: {  	_ =	shalt  }
0x5d: {  	_ =	shalt  }
0x5e: {  	_ =	shalt  }
0x5f: {  	_ =	shalt  }
0x60: {  	_ =	shalt  }
0x61: {  	_ =	shalt  }
0x62: {  	_ =	shalt  }
0x63: {  	_ =	shalt  }
0x64: {  	_ =	shalt  }
0x65: {  	_ =	shalt  }
0x66: {  	_ =	shalt  }
0x67: {  	_ =	shalt  }
0x68: {  	_ =	shalt  }
0x69: {  	_ =	shalt  }
0x6a: {  	_ =	shalt  }
0x6b: {  	_ =	shalt  }
0x6c: {  	_ =	shalt  }
0x6d: {  	_ =	shalt  }
0x6e: {  	_ =	shalt  }
0x6f: {  	_ =	shalt  }
0x70: {  	_ =	shalt  }
0x71: {  	_ =	shalt  }
0x72: {  	_ =	shalt  }
0x73: {  	_ =	shalt  }
0x74: {  	_ =	shalt  }
0x75: {  	_ =	shalt  }
0x76: {  	_ =	shalt  }
0x77: {  	_ =	shalt  }
0x78: {  	_ =	shalt  }
0x79: {  	_ =	shalt  }
0x7a: {  	_ =	shalt  }
0x7b: {  	_ =	shalt  }
0x7c: {  	_ =	shalt  }
0x7d: {  	_ =	shalt  }
0x7e: {  	_ =	shalt  }
0x7f: {  	_ =	shalt  }
0x80: {  	_ =	shalt  }
0x81: {  	_ =	shalt  }
0x82: {  	_ =	shalt  }
0x83: {  	_ =	shalt  }
0x84: {  	_ =	shalt  }
0x85: {  	_ =	shalt  }
0x86: {  	_ =	shalt  }
0x87: {  	_ =	shalt  }
.Lfunc_end0:
.L_simem_size_0:
called_computation.2_lowered:
.L_overlay_start_0:
0x88: {  	s2 =	sld [smem:$0x3FD9]  }
0x89: {  	s3 =	sld [smem:$0x3FFE];
	_ =	sdelay $0x1  }
0x8a: {  	s1 =	srdreg.scid  }
0x8b: {  	s0 =	sand.u32 $0x1, s1  }
0x8c: {  	s17 =	sshll.u32 s0, $0xA;
	s2 =	sadd.s32 s3, s2  }
0x8d: {  	s2 =	sadd.s32 s2, s17  }
0x8e: {  	[smem:$0x3FC2] =	sst s2  }
0x8f: {  	_ = 	snop  }
0x90: {  	s2 =	sld [smem:$0x3FD0];
	(tm) =	ssettm $0x1  }
0x91: {  	s18 =	sld [smem:$0x3FFB];
	_ =	sdelay $0x3  }
0x92: {  	_ =	strace s18  }
0x93: {  	s3 =	sld [smem:$0x3FFC];
	_ =	sdelay $0x3  }
0x94: {  	_ =	strace s3  }
0x95: {  	s3 =	sld [smem:$0x3FFD];
	_ =	sdelay $0x3  }
0x96: {  	_ =	strace s3  }
0x97: {  	_ =	strace $0x8FFFFFFF  }
0x98: {  	s19 =	sld [smem:$0x3FDB];
	_ =	sdelay $0x1  }
0x99: {  	s4 =	simm.s32 $_scs_section_size  }
0x9a: {  	s5 =	simm.s32 $_size__tile_overlayer_lowered;
	s6 =	simm.s32 $_tile_overlayer_lowered  }
0x9b: {  	s22 =	simm.s32 $0x1BFF;
	s21 =	sshll.u32 s6, $0x1;
	s3 =	sadd.s32 s4, s19  }
0x9c: {  	s7 =	simm.s32 $0x0;
	s20 =	sshll.u32 s5, $0x1;
	s5 =	sadd.s32 s21, s3  }
0x9d: {  	[timem:s7], [sflag:s22] =	dma.local [hbm:s5], s20  }
0x9e: {  	_ =	swait.ge [sflag:s22], s20  }
0x9f: {  	s4 =	ssub.s32 $0x0, s20;
	[sflag:s22] =	ssyncset.done $0x0  }
0xa0: {  	[sflag:s22] =	ssyncadd.s32 s4;
	_ =	sdelay $0x1  }
0xa1: {  	s23 =	simm.s32 $0x1B8B  }
0xa2: {  	_ =	swait.ge [sflag:s23], $0x1  }
0xa3: {  	[sflag:s23] =	ssyncset.done $0x0  }
0xa4: {  	s25 =	simm.s32 $0x1B8E;
	s24 =	sld [smem:$0x3FFE];
	[sflag:s23] =	ssyncadd.s32 $0xFFFFFFFF  }
0xa5: {  	s26 =	simm.s32 $execute0_lowered;
	[smem:$0x3FD2] =	sst s25  }
0xa6: {  	s5 =	sshll.u32 s26, $0x1;
	_ =	strace $0x8000004C;
	[dreg:$0x1] =	wrdreg $0xFFFFFFFF  }
0xa7: {  	s28 =	simm.s32 $_size_execute0_lowered;
	s3 =	sadd.s32 s3, s5;
	[dreg:$0x0] =	wrdreg $0x0  }
0xa8: {  	s5 =	sshll.u32 s28, $0x1;
	[dreg:$0x2] =	wrdreg s3  }
0xa9: {  	[dreg:$0x3] =	wrdreg s5  }
0xaa: {  	[dreg:$0x4] =	wrdreg $0xC0  }
0xab: {  	_ =	task [dreg:s7], $0x5FFFF  }
0xac: {  	[dreg:$0x1] =	wrdreg $0xFFFFFFFF  }
0xad: {  	[dreg:$0x0] =	wrdreg $0x60  }
0xae: {  	[dreg:$0x2] =	wrdreg s24  }
0xaf: {  	[dreg:$0x3] =	wrdreg s2  }
0xb0: {  	[dreg:$0x4] =	wrdreg $0x0  }
0xb1: {  	[dreg:$0x5] =	wrdreg $0x9  }
0xb2: {  	_ =	task.clear_ibuf [dreg:s7], $0x6FFFF;
	_ =	strace $0x9000004C  }
0xb3: {  	s29 =	simm.s32 $0x9;
	_ =	strace $0x8000004E  }
0xb4: {  	_ =	swait.ge [sflag:s29], $0x1  }
0xb5: {  	[sflag:s29] =	ssyncadd.s32 $0xFFFFFFFF  }
0xb6: {  	_ =	strace $0x9000004E  }
0xb7: {  	_ =	sfence  }
0xb8: {  	s30 =	sld [smem:$0x0];
	_ =	sdelay $0x2  }
0xb9: {  	s31 =	sshll.u32 s1, $0xD;
	s1 =	sshrl.u32 s1, $0x2  }
0xba: {  	s3 =	sand.u32 $0x4000, s31;
	s1 =	sadd.s32 s1, s30  }
0xbb: {  	s0 =	sor.u32 s3, s0;
	s1 =	sshll.u32 s1, $0x11  }
0xbc: {  	s0 =	sor.u32 s1, s0  }
0xbd: {  	s0 =	sadd.s32 $0x8F2B, s0  }
0xbe: {  	[sflag:s0] =	ssyncadd.remote.s32 $0x1  }
0xbf: {  	_ =	sfence.sel $0xFFFF  }
0xc0: {  	[dreg:$0x0] =	wrdreg $0xFFFFFFFF;
	(pc) =	sbr.abs _section_cstart, $3  }
0xc1: {  	[dreg:$0x1] =	wrdreg $0xFFFFFFFF  }
0xc2: {  	_ =	task.clear_ibuf [dreg:s7], $0x2FFFF;
	_ =	strace $0x9FFFFFFF  }
0xc3: {  	(tm) =	ssettm $0x7FFFFFFF  }
tec
execute0_lowered:
.L_overlay_start_1:
0x0: {  	(tag) =	ssettag $0x1  }
0x1: {  	s0 =	rddreg [dreg:$0x0]  }
0x2: {  	s3 =	rddreg [dreg:$0x1]  }
0x3: {  	s1 =	rddreg [dreg:$0x2]  }
0x4: {  	s2 =	simm.s32 $0x0;
	s4 =	srdreg.scid;
	s16 =	stileid.u32  }
0x5: {  	[smem:$0x7FF] =	sst s2;
	s8 =	smul.u32 $0x13A, s16  }
0x6: {  	s5 =	sadd.s32 $0x15E00, s0;
	s6 =	sand.u32 $0x1, s4;
	s10 =	smul.u32 $0xA000, s16  }
0x7: {  	s16 =	smul.u32 $0x28000, s16;
	_ =	strace $0x8000004D;
	s4 =	ssub.s32 $0x0, s6  }
0x8: {  	s7 =	ssub.s32 $0x2, s6;
	p0 =	seq.s32 s6, $0x0;
	s6 =	smul.u32 $0xA0000, s6  }
0x9: {  	s9 =	sshrl.u32 s7, $0x1;
	s11 =	sand.u32 $0xF5, s4;
	s4 =	simm.s32 $0xF5  }
0xa: {  	s7 =	ssub.s32 s7, s9;
	s8 =	sadd.s32 s8, s11;
	s4 =	simm.s32 @!p0 $0x45  }
0xb: {  	s26 =	sadd.s32 s6, s10;
	s11 =	sor.u32 $0x1000, s10;
	s8 =	sshll.u32 s8, $0x4  }
0xc: {  	s28 =	sshrl.u32 s26, $0x3;
	s29 =	sadd.s32 s6, s11;
	s25 =	ssub.s32 $0x0, s4  }
0xd: {  	s19 =	sadd.s32 s3, s8;
	s3 =	sadd.s32 s5, s28;
	[dreg:$0x4] =	wrdreg s25  }
0xe: {  	s26 =	sshrl.u32 s16, $0x2;
	s28 =	sadd.s32 s10, s1;
	[dreg:$0x6] =	wrdreg s3  }
0xf: {  	s30 =	sshrl.u32 s29, $0x3;
	s29 =	smax.u32 s7, $0x1;
	[dreg:$0x11] =	wrdreg s28  }
0x10: {  	s16 =	sadd.s32 $0x2400, s0;
	s0 =	sadd.s32 s26, s1;
	[dreg:$0x12] =	wrdreg s29  }
0x11: {  	[dreg:$0x10] =	wrdreg s0  }
0x12: {  	s13 =	sadd.s32 $0x4000, s10;
	s3 =	sadd.s32 s5, s30;
	[dreg:$0x5] =	wrdreg s19  }
0x13: {  	s14 =	sadd.s32 s6, s13;
	s30 =	sadd.s32 s11, s1;
	[dreg:$0x7] =	wrdreg s3  }
0x14: {  	s15 =	sshrl.u32 s14, $0x3;
	s25 =	sadd.s32 $0x4000, s0;
	[dreg:$0x13] =	wrdreg s30  }
0x15: {  	s14 =	sadd.s32 $0x6000, s10;
	s26 =	sadd.s32 $0x5000, s0;
	[smem:$0x7F7] =	sst s25  }
0x16: {  	s8 =	sadd.s32 $0x2000, s10;
	s28 =	sadd.s32 $0x6000, s0;
	[smem:$0x7F8] =	sst s26  }
0x17: {  	s31 =	sadd.s32 s6, s8;
	s29 =	sadd.s32 $0x7000, s0;
	[smem:$0x7F9] =	sst s28  }
0x18: {  	s3 =	sshrl.u32 s31, $0x3;
	s31 =	sadd.s32 s8, s1;
	[smem:$0x7FA] =	sst s29  }
0x19: {  	s8 =	sadd.s32 s14, s1;
	[dreg:$0x14] =	wrdreg s31  }
0x1a: {  	s9 =	sadd.s32 $0x3000, s10;
	s30 =	sadd.s32 $0x8000, s0;
	[dreg:$0x18] =	wrdreg s8  }
0x1b: {  	s12 =	sadd.s32 s6, s9;
	s3 =	sadd.s32 s5, s3;
	[smem:$0x7FB] =	sst s30  }
0x1c: {  	s12 =	sshrl.u32 s12, $0x3;
	s31 =	sadd.s32 $0x90, s19;
	[dreg:$0x8] =	wrdreg s3  }
0x1d: {  	s22 =	sadd.s32 $0x8000, s10;
	s3 =	sadd.s32 s5, s12;
	[smem:$0x7FD] =	sst s31  }
0x1e: {  	s12 =	sadd.s32 $0x5000, s10;
	[dreg:$0x9] =	wrdreg s3;
	s3 =	sadd.s32 s5, s15  }
0x1f: {  	s17 =	sadd.s32 s6, s12;
	s7 =	sadd.s32 s12, s1;
	[dreg:$0xa] =	wrdreg s3  }
0x20: {  	s15 =	sadd.s32 s6, s14;
	s12 =	sadd.s32 $0x10, s19;
	[dreg:$0x17] =	wrdreg s7  }
0x21: {  	s14 =	sadd.s32 $0x30, s19;
	s3 =	sshrl.u32 s17, $0x3;
	[dreg:$0x1c] =	wrdreg s12  }
0x22: {  	s18 =	sshrl.u32 s15, $0x3;
	[dreg:$0x1e] =	wrdreg s14;
	s15 =	sadd.s32 $0x40, s19  }
0x23: {  	s17 =	sadd.s32 $0x7000, s10;
	s3 =	sadd.s32 s5, s3;
	[dreg:$0x1f] =	wrdreg s15  }
0x24: {  	s20 =	sadd.s32 s6, s17;
	[dreg:$0xb] =	wrdreg s3;
	s3 =	sadd.s32 s5, s18  }
0x25: {  	s18 =	sadd.s32 $0x9000, s10;
	s10 =	sadd.s32 s22, s1;
	[dreg:$0xc] =	wrdreg s3  }
0x26: {  	s21 =	sshrl.u32 s20, $0x3;
	s20 =	sadd.s32 $0x70, s19;
	[dreg:$0x1a] =	wrdreg s10  }
0x27: {  	s23 =	sadd.s32 s6, s22;
	s22 =	sadd.s32 $0x1000, s0;
	[smem:$0x7F2] =	sst s20  }
0x28: {  	s3 =	sadd.s32 s5, s21;
	[smem:$0x7F4] =	sst s22  }
0x29: {  	s11 =	sadd.s32 s18, s1;
	[dreg:$0xd] =	wrdreg s3  }
0x2a: {  	s6 =	sadd.s32 s6, s18;
	s18 =	sadd.s32 $0x60, s19;
	[dreg:$0x1b] =	wrdreg s11  }
0x2b: {  	s21 =	sadd.s32 $0x80, s19;
	[smem:$0x7F1] =	sst s18  }
0x2c: {  	s24 =	sshrl.u32 s6, $0x3;
	s6 =	sadd.s32 s13, s1;
	[smem:$0x7F3] =	sst s21  }
0x2d: {  	s13 =	sadd.s32 $0x20, s19;
	[dreg:$0x16] =	wrdreg s6  }
0x2e: {  	s3 =	sshrl.u32 s23, $0x3;
	s23 =	sadd.s32 $0x2000, s0;
	[dreg:$0x1d] =	wrdreg s13  }
0x2f: {  	s25 =	simm.s32 $0x0;
	s3 =	sadd.s32 s5, s3;
	[smem:$0x7F5] =	sst s23  }
0x30: {  	s14 =	simm.s32 $0x14;
	[dreg:$0xe] =	wrdreg s3;
	s3 =	sadd.s32 s5, s24  }
0x31: {  	s15 =	simm.s32 $0x15;
	s5 =	sadd.s32 s9, s1;
	[dreg:$0xf] =	wrdreg s3  }
0x32: {  	s22 =	simm.s32 $0xA580;
	s9 =	sadd.s32 s17, s1;
	[dreg:$0x15] =	wrdreg s5  }
0x33: {  	s18 =	simm.s32 $0x16;
	s17 =	sadd.s32 $0x50, s19;
	[dreg:$0x19] =	wrdreg s9  }
0x34: {  	s23 =	simm.s32 $0x1C;
	s24 =	sadd.s32 $0x3000, s0;
	[smem:$0x7F0] =	sst s17  }
0x35: {  	s0 =	sadd.s32 $0x9000, s0;
	s19 =	simm.s32 $0x18;
	[smem:$0x7F6] =	sst s24  }
0x36: {  	v0 =	vimm.f32 $0.0e+00;
	[smem:$0x7FC] =	sst s0;
	s3 =	simm.s32 $0x40;
	s24 =	simm.s32 $0x17  }
.LBB2_1:
0x37: {  	s0 =	sand.u32 $0x3F00, s2  }
0x38: {  	s5 =	sand.u32 $0x30, s2;
	s6 =	sshrl.u32 s0, $0x2  }
0x39: {  	s0 =	simm.s32 $0x40;
	s6 =	sor.u32 s5, s6;
	s5 =	simm.s32 $0x0  }
.LBB2_2:
0x3a: {  	p0 =	sne.s32 s0, $0x3FC0  }
0x3b: {  	[tilespmem:s6+$0xA580] =	vst v0;
	s5 =	sadd.s32 $0x10, s5;
	s6 =	smov.u32 s0;
	s0 =	sadd.s32 $0x40, s0  }
.Ltmp0:
0x3c: {  	(pc) =	sbr.rel @p0 .LBB2_2-.Ltmp0, $4  }
0x3d: {  	_ = 	snop  }
0x3e: {  	s6 =	sand.u32 $0x3F00, s6  }
0x3f: {  	s17 =	sand.u32 $0x30, s5;
	s6 =	sshrl.u32 s6, $0x2  }
0x40: {  	s6 =	sor.u32 s17, s6  }
0x41: {  	[tilespmem:s6+$0xA580] =	vst v0;
	s0 =	rddreg [dreg:$0x10]  }
0x42: {  	[spmem:s0] =	stream.linear.scatter [tilespmem:s22], [sflag:$0x1C], $0x1000, $0x38;
	[tilespmem:$0x12580] =	vst v63  }
0x43: {  	_ =	swait.ge [sflag:s23], $0x1000  }
0x44: {  	s11 =	sld [smem:$0x7F4]  }
0x45: {  	[sflag:s23] =	ssyncset.done $0x0  }
0x46: {  	[sflag:s23] =	ssyncadd.s32 $0xFFFFF000  }
0x47: {  	[spmem:s11] =	stream.linear.scatter [tilespmem:s22], [sflag:$0x1C], $0x1000, $0x38;
	[tilespmem:$0x12580] =	vst v63  }
0x48: {  	_ =	swait.ge [sflag:s23], $0x1000  }
0x49: {  	s12 =	sld [smem:$0x7F5]  }
0x4a: {  	[sflag:s23] =	ssyncset.done $0x0  }
0x4b: {  	[sflag:s23] =	ssyncadd.s32 $0xFFFFF000  }
0x4c: {  	[spmem:s12] =	stream.linear.scatter [tilespmem:s22], [sflag:$0x1C], $0x1000, $0x38;
	[tilespmem:$0x12580] =	vst v63  }
0x4d: {  	_ =	swait.ge [sflag:s23], $0x1000  }
0x4e: {  	s13 =	sld [smem:$0x7F6]  }
0x4f: {  	[sflag:s23] =	ssyncset.done $0x0  }
0x50: {  	[sflag:s23] =	ssyncadd.s32 $0xFFFFF000  }
0x51: {  	[spmem:s13] =	stream.linear.scatter [tilespmem:s22], [sflag:$0x1C], $0x1000, $0x38;
	[tilespmem:$0x12580] =	vst v63  }
0x52: {  	_ =	swait.ge [sflag:s23], $0x1000  }
0x53: {  	s17 =	sld [smem:$0x7F7]  }
0x54: {  	[sflag:s23] =	ssyncset.done $0x0  }
0x55: {  	[sflag:s23] =	ssyncadd.s32 $0xFFFFF000  }
0x56: {  	[spmem:s17] =	stream.linear.scatter [tilespmem:s22], [sflag:$0x1C], $0x1000, $0x38;
	[tilespmem:$0x12580] =	vst v63  }
0x57: {  	_ =	swait.ge [sflag:s23], $0x1000  }
0x58: {  	s20 =	sld [smem:$0x7F8]  }
0x59: {  	[sflag:s23] =	ssyncset.done $0x0  }
0x5a: {  	[sflag:s23] =	ssyncadd.s32 $0xFFFFF000  }
0x5b: {  	[spmem:s20] =	stream.linear.scatter [tilespmem:s22], [sflag:$0x1C], $0x1000, $0x38;
	[tilespmem:$0x12580] =	vst v63  }
0x5c: {  	_ =	swait.ge [sflag:s23], $0x1000  }
0x5d: {  	s21 =	sld [smem:$0x7F9]  }
0x5e: {  	[sflag:s23] =	ssyncset.done $0x0  }
0x5f: {  	[sflag:s23] =	ssyncadd.s32 $0xFFFFF000  }
0x60: {  	[spmem:s21] =	stream.linear.scatter [tilespmem:s22], [sflag:$0x1C], $0x1000, $0x38;
	[tilespmem:$0x12580] =	vst v63  }
0x61: {  	_ =	swait.ge [sflag:s23], $0x1000  }
0x62: {  	s26 =	sld [smem:$0x7FA]  }
0x63: {  	[sflag:s23] =	ssyncset.done $0x0  }
0x64: {  	[sflag:s23] =	ssyncadd.s32 $0xFFFFF000  }
0x65: {  	[spmem:s26] =	stream.linear.scatter [tilespmem:s22], [sflag:$0x1C], $0x1000, $0x38;
	[tilespmem:$0x12580] =	vst v63  }
0x66: {  	_ =	swait.ge [sflag:s23], $0x1000  }
0x67: {  	s5 =	sld [smem:$0x7FB]  }
0x68: {  	[sflag:s23] =	ssyncset.done $0x0  }
0x69: {  	[sflag:s23] =	ssyncadd.s32 $0xFFFFF000  }
0x6a: {  	[spmem:s5] =	stream.linear.scatter [tilespmem:s22], [sflag:$0x1C], $0x1000, $0x38;
	[tilespmem:$0x12580] =	vst v63  }
0x6b: {  	_ =	swait.ge [sflag:s23], $0x1000  }
0x6c: {  	s6 =	sld [smem:$0x7FC]  }
0x6d: {  	[sflag:s23] =	ssyncset.done $0x0  }
0x6e: {  	[sflag:s23] =	ssyncadd.s32 $0xFFFFF000  }
0x6f: {  	[spmem:s6] =	stream.linear.scatter [tilespmem:s22], [sflag:$0x1C], $0x1000, $0x38;
	[tilespmem:$0x12580] =	vst v63  }
0x70: {  	_ =	swait.ge [sflag:s23], $0x1000  }
0x71: {  	s20 =	simm.s32 $0x0;
	[sflag:s23] =	ssyncset.done $0x0;
	s7 =	rddreg [dreg:$0x5]  }
0x72: {  	s5 =	simm.s32 $0xA000;
	s8 =	rddreg [dreg:$0x1c];
	[sflag:s23] =	ssyncadd.s32 $0xFFFFF000  }
0x73: {  	[tilespmem:s5], [sflag:$0x1] =	stream.linear.gather [hbm4b:s7+s20], $0x80, $0x38;
	[tilespmem:$0x12580] =	vst v63  }
0x74: {  	s6 =	simm.s32 $0xA080;
	s9 =	rddreg [dreg:$0x1d]  }
0x75: {  	[tilespmem:s6], [sflag:$0x2] =	stream.linear.gather [hbm4b:s8+s20], $0x80, $0x38;
	[tilespmem:$0x12580] =	vst v63  }
0x76: {  	s10 =	rddreg [dreg:$0x1e];
	s7 =	simm.s32 $0xA100  }
0x77: {  	[tilespmem:s7], [sflag:$0x3] =	stream.linear.gather [hbm4b:s9+s20], $0x80, $0x38;
	[tilespmem:$0x12580] =	vst v63  }
0x78: {  	s11 =	rddreg [dreg:$0x1f];
	s8 =	simm.s32 $0xA180  }
0x79: {  	[tilespmem:s8], [sflag:$0x4] =	stream.linear.gather [hbm4b:s10+s20], $0x80, $0x38;
	[tilespmem:$0x12580] =	vst v63  }
0x7a: {  	s12 =	sld [smem:$0x7F0];
	s9 =	simm.s32 $0xA200  }
0x7b: {  	[tilespmem:s9], [sflag:$0x5] =	stream.linear.gather [hbm4b:s11+s20], $0x80, $0x38;
	[tilespmem:$0x12580] =	vst v63  }
0x7c: {  	s13 =	sld [smem:$0x7F1];
	s10 =	simm.s32 $0xA280  }
0x7d: {  	[tilespmem:s10], [sflag:$0x6] =	stream.linear.gather [hbm4b:s12+s20], $0x80, $0x38;
	[tilespmem:$0x12580] =	vst v63  }
0x7e: {  	s17 =	sld [smem:$0x7F2];
	s11 =	simm.s32 $0xA300  }
0x7f: {  	[tilespmem:s11], [sflag:$0x7] =	stream.linear.gather [hbm4b:s13+s20], $0x80, $0x38;
	[tilespmem:$0x12580] =	vst v63  }
0x80: {  	s26 =	simm.s32 $0xA380;
	s21 =	sld [smem:$0x7F3]  }
0x81: {  	[tilespmem:s26], [sflag:$0x8] =	stream.linear.gather [hbm4b:s17+s20], $0x80, $0x38;
	[tilespmem:$0x12580] =	vst v63  }
0x82: {  	s12 =	simm.s32 $0xA400  }
0x83: {  	[tilespmem:s12], [sflag:$0x9] =	stream.linear.gather [hbm4b:s21+s20], $0x80, $0x38;
	[tilespmem:$0x12580] =	vst v63  }
0x84: {  	s12 =	simm.s32 $0x1  }
0x85: {  	_ =	swait.ge [sflag:s12], $0x80  }
0x86: {  	[sflag:s12] =	ssyncset.done $0x0  }
0x87: {  	s13 =	simm.s32 $0x2;
	[sflag:s12] =	ssyncadd.s32 $0xFFFFFF80  }
0x88: {  	[tilespmem:s22], [sflag:$0xC] =	stream.indirect.gather [hbm4b:s16+s3], $0x40, s5, s3, $0xb8;
	[tilespmem:$0x12580] =	vst v63  }
0x89: {  	_ =	swait.ge [sflag:s13], $0x80  }
0x8a: {  	[sflag:s13] =	ssyncset.done $0x0  }
0x8b: {  	s17 =	simm.s32 $0xB580;
	s21 =	simm.s32 $0x3;
	[sflag:s13] =	ssyncadd.s32 $0xFFFFFF80  }
0x8c: {  	[tilespmem:s17], [sflag:$0xD] =	stream.indirect.gather [hbm4b:s16+s3], $0x40, s6, s3, $0xb8;
	[tilespmem:$0x12580] =	vst v63  }
0x8d: {  	_ =	swait.ge [sflag:s21], $0x80  }
0x8e: {  	[sflag:s21] =	ssyncset.done $0x0  }
0x8f: {  	s5 =	simm.s32 $0xC580;
	s6 =	simm.s32 $0x4;
	[sflag:s21] =	ssyncadd.s32 $0xFFFFFF80  }
0x90: {  	[tilespmem:s5], [sflag:$0xE] =	stream.indirect.gather [hbm4b:s16+s3], $0x40, s7, s3, $0xb8;
	[tilespmem:$0x12580] =	vst v63  }
0x91: {  	_ =	swait.ge [sflag:s6], $0x80  }
0x92: {  	[sflag:s6] =	ssyncset.done $0x0  }
0x93: {  	s7 =	simm.s32 $0xD580;
	[sflag:s6] =	ssyncadd.s32 $0xFFFFFF80  }
0x94: {  	[tilespmem:s7], [sflag:$0xF] =	stream.indirect.gather [hbm4b:s16+s3], $0x40, s8, s3, $0xb8;
	[tilespmem:$0x12580] =	vst v63  }
0x95: {  	s8 =	simm.s32 $0x5  }
0x96: {  	_ =	swait.ge [sflag:s8], $0x80  }
0x97: {  	[sflag:s8] =	ssyncset.done $0x0  }
0x98: {  	s12 =	simm.s32 $0xE580;
	s13 =	simm.s32 $0x6;
	[sflag:s8] =	ssyncadd.s32 $0xFFFFFF80  }
0x99: {  	[tilespmem:s12], [sflag:$0x10] =	stream.indirect.gather [hbm4b:s16+s3], $0x40, s9, s3, $0xb8;
	[tilespmem:$0x12580] =	vst v63  }
0x9a: {  	_ =	swait.ge [sflag:s13], $0x80  }
0x9b: {  	[sflag:s13] =	ssyncset.done $0x0  }
0x9c: {  	s28 =	simm.s32 $0x7;
	s17 =	simm.s32 $0xF580;
	[sflag:s13] =	ssyncadd.s32 $0xFFFFFF80  }
0x9d: {  	[tilespmem:s17], [sflag:$0x11] =	stream.indirect.gather [hbm4b:s16+s3], $0x40, s10, s3, $0xb8;
	[tilespmem:$0x12580] =	vst v63  }
0x9e: {  	_ =	swait.ge [sflag:s28], $0x80  }
0x9f: {  	s29 =	simm.s32 $0xA;
	[sflag:s28] =	ssyncset.done $0x0  }
0xa0: {  	s30 =	simm.s32 $0x9;
	s21 =	simm.s32 $0x10580;
	[sflag:s28] =	ssyncadd.s32 $0xFFFFFF80  }
0xa1: {  	[tilespmem:s21], [sflag:$0x12] =	stream.indirect.gather [hbm4b:s16+s3], $0x40, s11, s3, $0xb8;
	[tilespmem:$0x12580] =	vst v63  }
0xa2: {  	s31 =	simm.s32 $0x8;
	s0 =	simm.s32 $0xFFFFFFFF;
	[bflag:$0x0] =	sbarrier.arrive $0xFFFF  }
0xa3: {  	s5 =	simm.s32 $0xA040;
	s21 =	simm.s32 $0xA480;
	s17 =	sld [smem:$0x7FD]  }
.LBB2_4:
0xa4: {  	s6 =	sadd.s32 $0x1, s0;
	s8 =	smulhi.u32 $0xBA2E8BA3, s20  }
0xa5: {  	s9 =	smulhi.u32 $0xBA2E8BA3, s28;
	s10 =	sand.u32 $0x7, s6  }
0xa6: {  	s7 =	smulhi.u32 $0xBA2E8BA3, s30;
	s8 =	sshrl.u32 s8, $0x3;
	s12 =	sadd.s32 $0xC, s10  }
0xa7: {  	s9 =	sshrl.u32 s9, $0x3;
	s8 =	smul.u32 $0xFFFFEA00, s8;
	_ =	swait.ge [sflag:s12], $0x1000  }
0xa8: {  	s7 =	sshrl.u32 s7, $0x3;
	s13 =	smul.u32 $0xFFFFFFD4, s9;
	[sflag:s12] =	ssyncset.done $0x0  }
0xa9: {  	s8 =	sshra.s32 s8, $0x2;
	[sflag:s12] =	ssyncadd.s32 $0xFFFFF000;
	s12 =	sshll.u32 s10, $0xC  }
0xaa: {  	s10 =	sadd.s32 $0x14, s10;
	s8 =	sadd.s32 s8, s5;
	s12 =	sadd.s32 $0xA580, s12  }
0xab: {  	[spmem:s1] =	stream.indirect.scatter.add.f32 [tilespmem:s12], [sflag:s10], $0x40, s8, s3, $0xb8;
	[tilespmem:$0x12580] =	vst v63  }
0xac: {  	s11 =	smul.u32 $0xFFFFFFD4, s7;
	s8 =	sadd.s32 $0x8, s0  }
0xad: {  	s7 =	smul.u32 $0xFFFFEA00, s7;
	s13 =	sshra.s32 s13, $0x2;
	p0 =	sge.u32 s8, s4  }
0xae: {  	s10 =	sshra.s32 s11, $0x2;
	s11 =	sadd.s32 s13, s31;
	s12 =	sadd.s32 @!p0 $0xA, s0  }
0xaf: {  	s7 =	sshra.s32 s7, $0x2;
	_ =	swait.ge @!p0 [sflag:s11], $0x80;
	p1 =	sge.u32 @!p0 s12, s4  }
0xb0: {  	s7 =	sadd.s32 s7, s21;
	[sflag:s11] =	ssyncset.done @!p0 $0x0;
	p1 =	por p1, p0  }
0xb1: {  	s10 =	sadd.s32 s10, s29;
	[sflag:s11] =	ssyncadd.s32 @!p0 $0xFFFFFF80;
	s11 =	simm.s32 @!p1 $0x0  }
0xb2: {  	[tilespmem:s7], [sflag:s10] =	stream.linear.gather @!p1 [hbm4b:s17+s11], $0x80, $0x38;
	[tilespmem:$0x12580] =	vst v63  }
0xb3: {  	p1 =	seq.s32 @!p0 s0, $0xFFFFFFFF  }
0xb4: {  	p1 =	por p1, p0  }
0xb5: {  	s7 =	sshra.s32 @!p1 s0, $0x1F  }
0xb6: {  	s7 =	sshrl.u32 @!p1 s7, $0x1D  }
0xb7: {  	s7 =	sadd.s32 @!p1 s7, s0  }
0xb8: {  	s7 =	sand.u32 @!p1 $0xFFFFFFF8, s7  }
0xb9: {  	s9 =	smul.u32 $0xFFFFEA00, s9;
	s0 =	ssub.s32 @!p1 s0, s7  }
0xba: {  	s0 =	sadd.s32 @!p1 $0x14, s0  }
0xbb: {  	s8 =	sand.u32 @!p0 $0x7, s8;
	s11 =	sshra.s32 s9, $0x2;
	_ =	swait.ge @!p1 [sflag:s0], $0x1000  }
0xbc: {  	s10 =	simm.s32 @!p0 $0x40;
	s7 =	sadd.s32 s11, s26;
	[sflag:s0] =	ssyncset.done @!p1 $0x0  }
0xbd: {  	s12 =	rddreg [dreg:$0x4];
	[sflag:s0] =	ssyncadd.s32 @!p1 $0xFFFFF000;
	s0 =	sshll.u32 @!p0 s8, $0xC  }
0xbe: {  	s8 =	sadd.s32 @!p0 $0xC, s8;
	s13 =	sadd.s32 s6, s12;
	s0 =	sadd.s32 @!p0 $0xA580, s0  }
0xbf: {  	[tilespmem:s0], [sflag:s8] =	stream.indirect.gather @!p0 [hbm4b:s16+s10], $0x40, s7, s10, $0xb8;
	[tilespmem:$0x12580] =	vst v63  }
0xc0: {  	p0 =	sne.s32 s13, $0xFFFFFFFF  }
.Ltmp1:
0xc1: {  	_ = 	snop;
	(pc) =	sbr.rel @p0 .LBB2_4-.Ltmp1, $4  }
0xc2: {  	s20 =	sadd.s32 $0x1, s20  }
0xc3: {  	s30 =	sadd.s32 $0x1, s30;
	s28 =	sadd.s32 $0x1, s28;
	s21 =	sadd.s32 $0x80, s21  }
0xc4: {  	s5 =	sadd.s32 $0x80, s5;
	s31 =	sadd.s32 $0x1, s31;
	s29 =	sadd.s32 $0x1, s29  }
0xc5: {  	s17 =	sadd.s32 $0x10, s17;
	s26 =	sadd.s32 $0x80, s26;
	s0 =	smov.u32 s6  }
0xc6: {  	s0 =	simm.s32 $0x19  }
0xc7: {  	_ =	swait.ge [sflag:s0], $0x1000  }
0xc8: {  	[sflag:s0] =	ssyncset.done $0x0  }
0xc9: {  	s21 =	simm.s32 $0x1A;
	[sflag:s0] =	ssyncadd.s32 $0xFFFFF000  }
0xca: {  	_ =	swait.ge [sflag:s21], $0x1000  }
0xcb: {  	[sflag:s21] =	ssyncset.done $0x0  }
0xcc: {  	s26 =	simm.s32 $0x1B;
	[sflag:s21] =	ssyncadd.s32 $0xFFFFF000  }
0xcd: {  	_ =	swait.ge [sflag:s26], $0x1000  }
0xce: {  	[sflag:s26] =	ssyncset.done $0x0  }
0xcf: {  	[sflag:s26] =	ssyncadd.s32 $0xFFFFF000  }
0xd0: {  	_ =	swait.ge [sflag:s14], $0x1000  }
0xd1: {  	[sflag:s14] =	ssyncset.done $0x0  }
0xd2: {  	[sflag:s14] =	ssyncadd.s32 $0xFFFFF000  }
0xd3: {  	_ =	swait.ge [sflag:s15], $0x1000  }
0xd4: {  	[sflag:s15] =	ssyncset.done $0x0  }
0xd5: {  	[sflag:s15] =	ssyncadd.s32 $0xFFFFF000  }
0xd6: {  	_ =	swait.ge [sflag:s18], $0x1000  }
0xd7: {  	[sflag:s18] =	ssyncset.done $0x0  }
0xd8: {  	[sflag:s18] =	ssyncadd.s32 $0xFFFFF000  }
0xd9: {  	_ =	swait.ge [sflag:s24], $0x1000  }
0xda: {  	[sflag:s24] =	ssyncset.done $0x0  }
0xdb: {  	[sflag:s24] =	ssyncadd.s32 $0xFFFFF000  }
0xdc: {  	_ =	swait.ge [sflag:s19], $0x1000  }
0xdd: {  	[sflag:s19] =	ssyncset.done $0x0  }
0xde: {  	[sflag:s19] =	ssyncadd.s32 $0xFFFFF000  }
0xdf: {  	[bflag:$0x0] =	sbarrier.arrive $0xFFFF  }
0xe0: {  	s28 =	rddreg [dreg:$0x11]  }
0xe1: {  	[tilespmem:s22], [sflag:$0x1C] =	stream.linear.gather [spmem:s28], $0x1000, $0x38;
	[tilespmem:$0x12580] =	vst v63  }
0xe2: {  	_ =	swait.ge [sflag:s23], $0x1000  }
0xe3: {  	[sflag:s23] =	ssyncset.done $0x0  }
0xe4: {  	s29 =	rddreg [dreg:$0x6];
	[sflag:s23] =	ssyncadd.s32 $0xFFFFF000  }
0xe5: {  	[hbm4b:s29+s2] =	stream.linear.scatter [tilespmem:s22], [sflag:$0x1C], $0x1000, $0x38;
	[tilespmem:$0x12580] =	vst v63  }
0xe6: {  	_ =	swait.ge [sflag:s23], $0x1000  }
0xe7: {  	[sflag:s23] =	ssyncset.done $0x0  }
0xe8: {  	s30 =	rddreg [dreg:$0x13];
	[sflag:s23] =	ssyncadd.s32 $0xFFFFF000  }
0xe9: {  	[tilespmem:s22], [sflag:$0x1C] =	stream.linear.gather [spmem:s30], $0x1000, $0x38;
	[tilespmem:$0x12580] =	vst v63  }
0xea: {  	_ =	swait.ge [sflag:s23], $0x1000  }
0xeb: {  	[sflag:s23] =	ssyncset.done $0x0  }
0xec: {  	s31 =	rddreg [dreg:$0x7];
	[sflag:s23] =	ssyncadd.s32 $0xFFFFF000  }
0xed: {  	[hbm4b:s31+s2] =	stream.linear.scatter [tilespmem:s22], [sflag:$0x1C], $0x1000, $0x38;
	[tilespmem:$0x12580] =	vst v63  }
0xee: {  	_ =	swait.ge [sflag:s23], $0x1000  }
0xef: {  	[sflag:s23] =	ssyncset.done $0x0  }
0xf0: {  	s5 =	rddreg [dreg:$0x14];
	[sflag:s23] =	ssyncadd.s32 $0xFFFFF000  }
0xf1: {  	[tilespmem:s22], [sflag:$0x1C] =	stream.linear.gather [spmem:s5], $0x1000, $0x38;
	[tilespmem:$0x12580] =	vst v63  }
0xf2: {  	_ =	swait.ge [sflag:s23], $0x1000  }
0xf3: {  	[sflag:s23] =	ssyncset.done $0x0  }
0xf4: {  	s6 =	rddreg [dreg:$0x8];
	[sflag:s23] =	ssyncadd.s32 $0xFFFFF000  }
0xf5: {  	[hbm4b:s6+s2] =	stream.linear.scatter [tilespmem:s22], [sflag:$0x1C], $0x1000, $0x38;
	[tilespmem:$0x12580] =	vst v63  }
0xf6: {  	_ =	swait.ge [sflag:s23], $0x1000  }
0xf7: {  	[sflag:s23] =	ssyncset.done $0x0  }
0xf8: {  	s7 =	rddreg [dreg:$0x15];
	[sflag:s23] =	ssyncadd.s32 $0xFFFFF000  }
0xf9: {  	[tilespmem:s22], [sflag:$0x1C] =	stream.linear.gather [spmem:s7], $0x1000, $0x38;
	[tilespmem:$0x12580] =	vst v63  }
0xfa: {  	_ =	swait.ge [sflag:s23], $0x1000  }
0xfb: {  	[sflag:s23] =	ssyncset.done $0x0  }
0xfc: {  	s8 =	rddreg [dreg:$0x9];
	[sflag:s23] =	ssyncadd.s32 $0xFFFFF000  }
0xfd: {  	[hbm4b:s8+s2] =	stream.linear.scatter [tilespmem:s22], [sflag:$0x1C], $0x1000, $0x38;
	[tilespmem:$0x12580] =	vst v63  }
0xfe: {  	_ =	swait.ge [sflag:s23], $0x1000  }
0xff: {  	[sflag:s23] =	ssyncset.done $0x0  }
0x100: {  	s9 =	rddreg [dreg:$0x16];
	[sflag:s23] =	ssyncadd.s32 $0xFFFFF000  }
0x101: {  	[tilespmem:s22], [sflag:$0x1C] =	stream.linear.gather [spmem:s9], $0x1000, $0x38;
	[tilespmem:$0x12580] =	vst v63  }
0x102: {  	_ =	swait.ge [sflag:s23], $0x1000  }
0x103: {  	[sflag:s23] =	ssyncset.done $0x0  }
0x104: {  	s10 =	rddreg [dreg:$0xa];
	[sflag:s23] =	ssyncadd.s32 $0xFFFFF000  }
0x105: {  	[hbm4b:s10+s2] =	stream.linear.scatter [tilespmem:s22], [sflag:$0x1C], $0x1000, $0x38;
	[tilespmem:$0x12580] =	vst v63  }
0x106: {  	_ =	swait.ge [sflag:s23], $0x1000  }
0x107: {  	[sflag:s23] =	ssyncset.done $0x0  }
0x108: {  	s11 =	rddreg [dreg:$0x17];
	[sflag:s23] =	ssyncadd.s32 $0xFFFFF000  }
0x109: {  	[tilespmem:s22], [sflag:$0x1C] =	stream.linear.gather [spmem:s11], $0x1000, $0x38;
	[tilespmem:$0x12580] =	vst v63  }
0x10a: {  	_ =	swait.ge [sflag:s23], $0x1000  }
0x10b: {  	[sflag:s23] =	ssyncset.done $0x0  }
0x10c: {  	s12 =	rddreg [dreg:$0xb];
	[sflag:s23] =	ssyncadd.s32 $0xFFFFF000  }
0x10d: {  	[hbm4b:s12+s2] =	stream.linear.scatter [tilespmem:s22], [sflag:$0x1C], $0x1000, $0x38;
	[tilespmem:$0x12580] =	vst v63  }
0x10e: {  	_ =	swait.ge [sflag:s23], $0x1000  }
0x10f: {  	[sflag:s23] =	ssyncset.done $0x0  }
0x110: {  	s13 =	rddreg [dreg:$0x18];
	[sflag:s23] =	ssyncadd.s32 $0xFFFFF000  }
0x111: {  	[tilespmem:s22], [sflag:$0x1C] =	stream.linear.gather [spmem:s13], $0x1000, $0x38;
	[tilespmem:$0x12580] =	vst v63  }
0x112: {  	_ =	swait.ge [sflag:s23], $0x1000  }
0x113: {  	[sflag:s23] =	ssyncset.done $0x0  }
0x114: {  	s17 =	rddreg [dreg:$0xc];
	[sflag:s23] =	ssyncadd.s32 $0xFFFFF000  }
0x115: {  	[hbm4b:s17+s2] =	stream.linear.scatter [tilespmem:s22], [sflag:$0x1C], $0x1000, $0x38;
	[tilespmem:$0x12580] =	vst v63  }
0x116: {  	_ =	swait.ge [sflag:s23], $0x1000  }
0x117: {  	[sflag:s23] =	ssyncset.done $0x0  }
0x118: {  	s20 =	rddreg [dreg:$0x19];
	[sflag:s23] =	ssyncadd.s32 $0xFFFFF000  }
0x119: {  	[tilespmem:s22], [sflag:$0x1C] =	stream.linear.gather [spmem:s20], $0x1000, $0x38;
	[tilespmem:$0x12580] =	vst v63  }
0x11a: {  	_ =	swait.ge [sflag:s23], $0x1000  }
0x11b: {  	[sflag:s23] =	ssyncset.done $0x0  }
0x11c: {  	s21 =	rddreg [dreg:$0xd];
	[sflag:s23] =	ssyncadd.s32 $0xFFFFF000  }
0x11d: {  	[hbm4b:s21+s2] =	stream.linear.scatter [tilespmem:s22], [sflag:$0x1C], $0x1000, $0x38;
	[tilespmem:$0x12580] =	vst v63  }
0x11e: {  	_ =	swait.ge [sflag:s23], $0x1000  }
0x11f: {  	[sflag:s23] =	ssyncset.done $0x0  }
0x120: {  	s26 =	rddreg [dreg:$0x1a];
	[sflag:s23] =	ssyncadd.s32 $0xFFFFF000  }
0x121: {  	[tilespmem:s22], [sflag:$0x1C] =	stream.linear.gather [spmem:s26], $0x1000, $0x38;
	[tilespmem:$0x12580] =	vst v63  }
0x122: {  	_ =	swait.ge [sflag:s23], $0x1000  }
0x123: {  	[sflag:s23] =	ssyncset.done $0x0  }
0x124: {  	s28 =	rddreg [dreg:$0xe];
	[sflag:s23] =	ssyncadd.s32 $0xFFFFF000  }
0x125: {  	[hbm4b:s28+s2] =	stream.linear.scatter [tilespmem:s22], [sflag:$0x1C], $0x1000, $0x38;
	[tilespmem:$0x12580] =	vst v63  }
0x126: {  	_ =	swait.ge [sflag:s23], $0x1000  }
0x127: {  	[sflag:s23] =	ssyncset.done $0x0  }
0x128: {  	s29 =	rddreg [dreg:$0x1b];
	[sflag:s23] =	ssyncadd.s32 $0xFFFFF000  }
0x129: {  	[tilespmem:s22], [sflag:$0x1C] =	stream.linear.gather [spmem:s29], $0x1000, $0x38;
	[tilespmem:$0x12580] =	vst v63  }
0x12a: {  	_ =	swait.ge [sflag:s23], $0x1000  }
0x12b: {  	[sflag:s23] =	ssyncset.done $0x0  }
0x12c: {  	s30 =	rddreg [dreg:$0xf];
	[sflag:s23] =	ssyncadd.s32 $0xFFFFF000  }
0x12d: {  	[hbm4b:s30+s2] =	stream.linear.scatter [tilespmem:s22], [sflag:$0x1C], $0x1000, $0x38;
	[tilespmem:$0x12580] =	vst v63  }
0x12e: {  	_ =	swait.ge [sflag:s23], $0x1000  }
0x12f: {  	s25 =	sadd.s32 $0x1, s25;
	s31 =	rddreg [dreg:$0x12]  }
0x130: {  	p0 =	sne.s32 s25, s31  }
.Ltmp2:
0x131: {  	_ = 	snop;
	(pc) =	sbr.rel @p0 .LBB2_1-.Ltmp2, $3  }
0x132: {  	_ =	sdelay $0x1  }
0x133: {  	[sflag:s23] =	ssyncset.done $0x0  }
0x134: {  	[sflag:s23] =	ssyncadd.s32 $0xFFFFF000  }
0x135: {  	_ =	sfence.sel $0x180000  }
0x136: {  	[bflag:$0x0] =	sbarrier.arrive $0xFFFF  }
0x137: {  	_ =	strace $0x9000004D  }
0x138: {  	s0 =	stileid.u32;
	[bflag:$0x2] =	sbarrier.arrive $0xFFFF  }
0x139: {  	p0 =	sne.s32 s0, $0x0;
	s0 =	rddreg [dreg:$0x3]  }
0x13a: {  	s0 =	sadd.s32 @!p0 $0x100000, s0  }
0x13b: {  	[sflag:s0] =	ssyncadd.tile.s32 @!p0 $0x1;
	_ =	shalt  }
.Lfunc_end2:
_tile_overlayer_lowered:
.L_overlay_start_2:
0x13c: {  	(tag) =	ssettag $0x2  }
0x13d: {  	s0 =	rddreg [dreg:$0x0];
	s2 =	stileid.u32  }
0x13e: {  	s1 =	rddreg [dreg:$0x1];
	p0 =	sne.s32 s2, $0x0  }
0x13f: {  	s3 =	rddreg [dreg:$0x2];
	[bflag:$0x3] =	sbarrier.arrive $0xFFFF;
	s2 =	simm.s32 @!p0 $0x1C1C  }
0x140: {  	[timem:s3], [sflag:s2] =	dma.local @!p0 [hbm:s0], s1  }
0x141: {  	s0 =	simm.s32 @!p0 $0x1C  }
0x142: {  	_ =	swait.ge @!p0 [sflag:s0], s1  }
0x143: {  	s1 =	ssub.s32 @!p0 $0x0, s1;
	[sflag:s0] =	ssyncset.done @!p0 $0x0  }
0x144: {  	[sflag:s0] =	ssyncadd.s32 @!p0 s1  }
0x145: {  	[bflag:$0x3] =	sbarrier.arrive $0xFFFF  }
0x146: {  	_ =	shalt  }

// kernel: kernel.9.cloned.1.call-start
scs
__scs_entry_jumppad:
0x0: {  	(pc) =	sbr.rel $0x88, $3  }
0x1: {  	(tag) =	ssettag $0x0;
	lr =	simm.s32 $0x1  }
0x2: {  	[smem:$0x3F9B] =	sst lr;
	_ =	strace $0xD0000000  }
0x3: {  	_ = 	snop  }
0x4: {  	_ = 	snop  }
0x5: {  	_ = 	snop  }
0x6: {  	_ = 	snop  }
0x7: {  	_ = 	snop  }
__scs_overlays_trampoline_lowered:
0x8: {  	[smem:$0x3FAA] =	sst s0  }
0x9: {  	[smem:$0x3FAB] =	sst s1  }
0xa: {  	[smem:$0x3FAC] =	sst s2  }
0xb: {  	[smem:$0x3FAD] =	sst s3  }
0xc: {  	[smem:$0x3FAE] =	sst s4  }
0xd: {  	[smem:$0x3FAF] =	sst s5  }
0xe: {  	[smem:$0x3FB0] =	sst s6  }
0xf: {  	[smem:$0x3FB1] =	sst s7  }
0x10: {  	[smem:$0x3FB2] =	sst s8  }
0x11: {  	[smem:$0x3FB3] =	sst s9;
	s0 =	simm.s32 @!p0 $0x0  }
0x12: {  	s1 =	sld [smem:$0x3F99];
	s0 =	simm.s32 @p0 $0x1  }
0x13: {  	[smem:$0x3FB4] =	sst s0;
	s0 =	simm.s32 @!p1 $0x0  }
0x14: {  	s2 =	sld [smem:$0x3F98];
	s0 =	simm.s32 @p1 $0x1  }
0x15: {  	[smem:$0x3FB5] =	sst s0;
	s0 =	simm.s32 @!p2 $0x0  }
0x16: {  	s3 =	sld [smem:$0x3FDB];
	s0 =	simm.s32 @p2 $0x1  }
0x17: {  	s4 =	simm.s32 $0x1BF5;
	[smem:$0x3FB7] =	sst s0  }
0x18: {  	s0 =	sld [smem:$0x3F9A];
	_ =	swait.ge [sflag:s4], $0x0  }
0x19: {  	s7 =	sld [smem:$0x3F9B]  }
0x1a: {  	s8 =	sadd.s32 $0xFFFFE003, lr  }
0x1b: {  	s9 =	sadd.s32 $0xFFFFFEF7, lr;
	s5 =	simm.s32 $0xFFFFFFFF;
	p2 =	slt.u32 s8, $0xFFFFF086  }
0x1c: {  	p1 =	slt.u32 s9, $0xF7A;
	s5 =	simm.s32 @!p2 $0x0  }
0x1d: {  	s5 =	simm.s32 @p1 $0x1;
	p0 =	seq.s32 s7, s2  }
0x1e: {  	s7 =	smul.u32 @!p0 $0xF7A, s2;
	p2 =	seq.s32 @!p0 s5, $0x0  }
0x1f: {  	s9 =	smul.u32 $0xF7A, s1;
	s8 =	simm.s32 @!p0 $0x1BF5;
	p2 =	por !p2, p0  }
0x20: {  	[sflag:s8] =	ssyncset.s32 @!p0 $0xFFFFF086;
	s6 =	sadd.s32 @!p0 s3, s7;
	s7 =	simm.s32 @!p0 $0x108  }
0x21: {  	s3 =	sadd.s32 s3, s9;
	s6 =	sadd.s32 @!p0 $0x88, s6;
	s7 =	simm.s32 @p2 $0x1082  }
0x22: {  	[simem:s7], [sflag:s8] =	dma.local @!p0 [hbm:s6], $0xF7A  }
0x23: {  	s9 =	sor.u32 $0xD0000000, s2;
	s6 =	simm.s32 $0x108;
	_ =	swait.ge @!p0 [sflag:s8], $0x0  }
0x24: {  	s3 =	sadd.s32 $0x88, s3;
	s6 =	simm.s32 @!p1 $0x1082;
	[sflag:s4] =	ssyncset.s32 $0xFFFFF086  }
0x25: {  	[simem:s6], [sflag:s4] =	dma.local [hbm:s3], $0xF7A  }
0x26: {  	[smem:$0x3F9B] =	sst s1;
	(tag) =	ssettag s2;
	_ =	strace s9  }
0x27: {  	s1 =	sld [smem:$0x3FAB]  }
0x28: {  	s2 =	sld [smem:$0x3FAC]  }
0x29: {  	s4 =	sld [smem:$0x3FAE]  }
0x2a: {  	p0 =	seq.s32 s5, $0x0;
	s5 =	sld [smem:$0x3FAF]  }
0x2b: {  	s6 =	sld [smem:$0x3FB0]  }
0x2c: {  	s7 =	sld [smem:$0x3FB1]  }
0x2d: {  	s3 =	simm.s32 $0x108;
	s8 =	sld [smem:$0x3FB2]  }
0x2e: {  	s3 =	simm.s32 @!p0 $0x1082;
	s9 =	sld [smem:$0x3FB3]  }
0x2f: {  	lr =	sadd.s32 s0, s3;
	s0 =	sld [smem:$0x3FAA]  }
0x30: {  	s3 =	sld [smem:$0x3FAD]  }
0x31: {  	[smem:$0x3FB6] =	sst s10  }
0x32: {  	s10 =	sld [smem:$0x3FB4];
	_ =	sdelay $0x3  }
0x33: {  	p0 =	seq.s32 s10, $0x1;
	s10 =	sld [smem:$0x3FB6];
	_ =	sdelay $0x3  }
0x34: {  	[smem:$0x3FB6] =	sst s10  }
0x35: {  	s10 =	sld [smem:$0x3FB5];
	_ =	sdelay $0x3  }
0x36: {  	p1 =	seq.s32 s10, $0x1;
	s10 =	sld [smem:$0x3FB6];
	_ =	sdelay $0x3  }
0x37: {  	[smem:$0x3FB6] =	sst s10  }
0x38: {  	s10 =	sld [smem:$0x3FB7]  }
0x39: {  	_ = 	snop;
	(pc) =	sbr.ind lr, $3  }
0x3a: {  	_ = 	snop  }
0x3b: {  	_ = 	snop  }
0x3c: {  	p2 =	seq.s32 s10, $0x1;
	s10 =	sld [smem:$0x3FB6]  }
0x3d: {  	_ =	shalt  }
0x3e: {  	_ =	shalt  }
0x3f: {  	_ =	shalt  }
0x40: {  	_ =	shalt  }
0x41: {  	_ =	shalt  }
0x42: {  	_ =	shalt  }
0x43: {  	_ =	shalt  }
0x44: {  	_ =	shalt  }
0x45: {  	_ =	shalt  }
0x46: {  	_ =	shalt  }
0x47: {  	_ =	shalt  }
0x48: {  	_ =	shalt  }
0x49: {  	_ =	shalt  }
0x4a: {  	_ =	shalt  }
0x4b: {  	_ =	shalt  }
0x4c: {  	_ =	shalt  }
0x4d: {  	_ =	shalt  }
0x4e: {  	_ =	shalt  }
0x4f: {  	_ =	shalt  }
0x50: {  	_ =	shalt  }
0x51: {  	_ =	shalt  }
0x52: {  	_ =	shalt  }
0x53: {  	_ =	shalt  }
0x54: {  	_ =	shalt  }
0x55: {  	_ =	shalt  }
0x56: {  	_ =	shalt  }
0x57: {  	_ =	shalt  }
0x58: {  	_ =	shalt  }
0x59: {  	_ =	shalt  }
0x5a: {  	_ =	shalt  }
0x5b: {  	_ =	shalt  }
0x5c: {  	_ =	shalt  }
0x5d: {  	_ =	shalt  }
0x5e: {  	_ =	shalt  }
0x5f: {  	_ =	shalt  }
0x60: {  	_ =	shalt  }
0x61: {  	_ =	shalt  }
0x62: {  	_ =	shalt  }
0x63: {  	_ =	shalt  }
0x64: {  	_ =	shalt  }
0x65: {  	_ =	shalt  }
0x66: {  	_ =	shalt  }
0x67: {  	_ =	shalt  }
0x68: {  	_ =	shalt  }
0x69: {  	_ =	shalt  }
0x6a: {  	_ =	shalt  }
0x6b: {  	_ =	shalt  }
0x6c: {  	_ =	shalt  }
0x6d: {  	_ =	shalt  }
0x6e: {  	_ =	shalt  }
0x6f: {  	_ =	shalt  }
0x70: {  	_ =	shalt  }
0x71: {  	_ =	shalt  }
0x72: {  	_ =	shalt  }
0x73: {  	_ =	shalt  }
0x74: {  	_ =	shalt  }
0x75: {  	_ =	shalt  }
0x76: {  	_ =	shalt  }
0x77: {  	_ =	shalt  }
0x78: {  	_ =	shalt  }
0x79: {  	_ =	shalt  }
0x7a: {  	_ =	shalt  }
0x7b: {  	_ =	shalt  }
0x7c: {  	_ =	shalt  }
0x7d: {  	_ =	shalt  }
0x7e: {  	_ =	shalt  }
0x7f: {  	_ =	shalt  }
0x80: {  	_ =	shalt  }
0x81: {  	_ =	shalt  }
0x82: {  	_ =	shalt  }
0x83: {  	_ =	shalt  }
0x84: {  	_ =	shalt  }
0x85: {  	_ =	shalt  }
0x86: {  	_ =	shalt  }
0x87: {  	_ =	shalt  }
.Lfunc_end0:
.L_simem_size_0:
called_computation_lowered:
.L_overlay_start_0:
0x88: {  	s2 =	sld [smem:$0x3FD9]  }
0x89: {  	s3 =	sld [smem:$0x3FFE];
	_ =	sdelay $0x1  }
0x8a: {  	s1 =	srdreg.scid  }
0x8b: {  	s0 =	sand.u32 $0x1, s1  }
0x8c: {  	s17 =	sshll.u32 s0, $0xA;
	s2 =	sadd.s32 s3, s2  }
0x8d: {  	s2 =	sadd.s32 s2, s17  }
0x8e: {  	[smem:$0x3FC2] =	sst s2  }
0x8f: {  	_ = 	snop  }
0x90: {  	s2 =	sld [smem:$0x3FD0];
	(tm) =	ssettm $0x1  }
0x91: {  	s18 =	sld [smem:$0x3FFB];
	_ =	sdelay $0x3  }
0x92: {  	_ =	strace s18  }
0x93: {  	s3 =	sld [smem:$0x3FFC];
	_ =	sdelay $0x3  }
0x94: {  	_ =	strace s3  }
0x95: {  	s3 =	sld [smem:$0x3FFD];
	_ =	sdelay $0x3  }
0x96: {  	_ =	strace s3  }
0x97: {  	_ =	strace $0x8FFFFFFF  }
0x98: {  	s19 =	sld [smem:$0x3FDB];
	_ =	sdelay $0x1  }
0x99: {  	s4 =	simm.s32 $_scs_section_size  }
0x9a: {  	s5 =	simm.s32 $_size__tile_overlayer_lowered;
	s6 =	simm.s32 $_tile_overlayer_lowered  }
0x9b: {  	s22 =	simm.s32 $0x1BFF;
	s21 =	sshll.u32 s6, $0x1;
	s3 =	sadd.s32 s4, s19  }
0x9c: {  	s7 =	simm.s32 $0x0;
	s20 =	sshll.u32 s5, $0x1;
	s5 =	sadd.s32 s21, s3  }
0x9d: {  	[timem:s7], [sflag:s22] =	dma.local [hbm:s5], s20  }
0x9e: {  	_ =	swait.ge [sflag:s22], s20  }
0x9f: {  	s4 =	ssub.s32 $0x0, s20;
	[sflag:s22] =	ssyncset.done $0x0  }
0xa0: {  	[sflag:s22] =	ssyncadd.s32 s4;
	_ =	sdelay $0x1  }
0xa1: {  	s23 =	simm.s32 $0x1B8B  }
0xa2: {  	_ =	swait.ge [sflag:s23], $0x1  }
0xa3: {  	[sflag:s23] =	ssyncset.done $0x0  }
0xa4: {  	s25 =	simm.s32 $0x1B8E;
	s24 =	sld [smem:$0x3FFE];
	[sflag:s23] =	ssyncadd.s32 $0xFFFFFFFF  }
0xa5: {  	s26 =	simm.s32 $execute0_lowered;
	[smem:$0x3FD2] =	sst s25  }
0xa6: {  	s5 =	sshll.u32 s26, $0x1;
	_ =	strace $0x80000046;
	[dreg:$0x1] =	wrdreg $0xFFFFFFFF  }
0xa7: {  	s28 =	simm.s32 $_size_execute0_lowered;
	s3 =	sadd.s32 s3, s5;
	[dreg:$0x0] =	wrdreg $0x0  }
0xa8: {  	s5 =	sshll.u32 s28, $0x1;
	[dreg:$0x2] =	wrdreg s3  }
0xa9: {  	[dreg:$0x3] =	wrdreg s5  }
0xaa: {  	[dreg:$0x4] =	wrdreg $0xC0  }
0xab: {  	_ =	task [dreg:s7], $0x5FFFF  }
0xac: {  	[dreg:$0x1] =	wrdreg $0xFFFFFFFF  }
0xad: {  	[dreg:$0x0] =	wrdreg $0x60  }
0xae: {  	[dreg:$0x2] =	wrdreg s24  }
0xaf: {  	[dreg:$0x3] =	wrdreg s2  }
0xb0: {  	[dreg:$0x4] =	wrdreg $0x9  }
0xb1: {  	_ =	task.clear_ibuf [dreg:s7], $0x5FFFF;
	_ =	strace $0x90000046  }
0xb2: {  	s29 =	simm.s32 $0x9;
	_ =	strace $0x80000048  }
0xb3: {  	_ =	swait.ge [sflag:s29], $0x1  }
0xb4: {  	[sflag:s29] =	ssyncadd.s32 $0xFFFFFFFF  }
0xb5: {  	_ =	strace $0x90000048  }
0xb6: {  	_ =	sfence  }
0xb7: {  	s30 =	sld [smem:$0x0];
	_ =	sdelay $0x2  }
0xb8: {  	s31 =	sshll.u32 s1, $0xD;
	s1 =	sshrl.u32 s1, $0x2  }
0xb9: {  	s3 =	sand.u32 $0x4000, s31;
	s1 =	sadd.s32 s1, s30  }
0xba: {  	s0 =	sor.u32 s3, s0;
	s1 =	sshll.u32 s1, $0x11  }
0xbb: {  	s0 =	sor.u32 s1, s0  }
0xbc: {  	s0 =	sadd.s32 $0x8F2B, s0  }
0xbd: {  	[sflag:s0] =	ssyncadd.remote.s32 $0x1  }
0xbe: {  	_ =	sfence.sel $0xFFFF  }
0xbf: {  	[dreg:$0x0] =	wrdreg $0xFFFFFFFF;
	(pc) =	sbr.abs _section_cstart, $3  }
0xc0: {  	[dreg:$0x1] =	wrdreg $0xFFFFFFFF  }
0xc1: {  	_ =	task.clear_ibuf [dreg:s7], $0x2FFFF;
	_ =	strace $0x9FFFFFFF  }
0xc2: {  	(tm) =	ssettm $0x7FFFFFFF  }
0xc3: {  	_ =	shalt  }
tec
execute0_lowered:
.L_overlay_start_1:
0x0: {  	(tag) =	ssettag $0x1  }
0x1: {  	s3 =	rddreg [dreg:$0x0]  }
0x2: {  	s1 =	srdreg.scid;
	s0 =	stileid.u32  }
0x3: {  	s4 =	rddreg [dreg:$0x1];
	s9 =	simm.s32 $0x400;
	s10 =	simm.s32 $0x0  }
0x4: {  	s5 =	sand.u32 $0x1, s1;
	s2 =	sshll.u32 s0, $0x1;
	s1 =	rddreg [dreg:$0x2]  }
0x5: {  	s7 =	sshrl.u32 s0, $0x2;
	s6 =	sor.u32 s5, s2;
	s2 =	simm.s32 $0x0  }
0x6: {  	s7 =	smul.u32 $0x13C00, s7;
	s5 =	ssub.s32 $0x2, s5;
	s8 =	sshll.u32 s6, $0x7  }
0x7: {  	[smem:$0x7FF] =	sst s2;
	s6 =	smul.u32 $0x4E8, s6;
	s31 =	sshrl.u32 s5, $0x1  }
0x8: {  	s8 =	sand.u32 $0x380, s8;
	_ =	strace $0x80000047;
	s5 =	ssub.s32 s5, s31  }
0x9: {  	s7 =	sor.u32 s7, s8;
	s3 =	sadd.s32 s6, s3;
	s5 =	smax.u32 s5, $0x1  }
0xa: {  	s6 =	simm.s32 $0x2780;
	s8 =	simm.s32 $0x80;
	s7 =	sshrl.u32 s7, $0x3  }
0xb: {  	v0 =	vimm.f32 $0.0e+00;
	v1 =	vimm.f32 $1.000000000e+00;
	s3 =	sadd.s32 $0x2400, s3;
	s4 =	sadd.s32 s4, s7;
	s7 =	simm.s32 $0x1  }
.LBB2_1:
0xc: {  	s11 =	simm.s32 $0x40;
	s12 =	simm.s32 $0x0  }
.LBB2_2:
0xd: {  	p0 =	sne.s32 s11, $0x9C40;
	[tilespmem:s12+$0x0] =	vst v0;
	s12 =	smov.u32 s11;
	s11 =	sadd.s32 $0x40, s11  }
.Ltmp0:
0xe: {  	(pc) =	sbr.rel @p0 .LBB2_2-.Ltmp0, $2  }
0xf: {  	_ =	sdelay $0x2  }
0x10: {  	s12 =	sshra.s32 s12, $0x2  }
0x11: {  	[tilespmem:s12+$0x0] =	vst v0;
	s11 =	simm.s32 $0x0  }
0x12: {  	[tilespmem:s6], [sflag:$0x1] =	stream.linear.gather [hbm4b:s3+s11], $0x2740, $0x38;
	[tilespmem:$0x4F00] =	vst v63  }
0x13: {  	_ =	swait.ge [sflag:s7], $0x2740  }
0x14: {  	[sflag:s7] =	ssyncset.done $0x0  }
0x15: {  	s12 =	simm.s32 $0x0;
	s11 =	simm.s32 $0x40;
	[sflag:s7] =	ssyncadd.s32 $0xFFFFD8C0  }
.LBB2_4:
0x16: {  	p0 =	sne.s32 s11, $0x9CC0;
	v2 =	vld [tilespmem:s12+$0x2780];
	_ =	sdelay $0x3  }
.Ltmp1:
0x17: {  	(pc) =	sbr.rel @p0 .LBB2_4-.Ltmp1, $2  }
0x18: {  	_ =	sdelay $0x2  }
0x19: {  	s12 =	sshra.s32 s11, $0x2;
	s11 =	sadd.s32 $0x40, s11;
	[tilespmem:v2+s2+$0x0] =	vst.idx.add.f32.msk $0xffff, v1  }
0x1a: {  	v2 =	vld [tilespmem:s12+$0x2780];
	_ =	sdelay $0x5  }
0x1b: {  	s10 =	sadd.s32 $0x1, s10  }
0x1c: {  	p0 =	sne.s32 s10, s5  }
.Ltmp2:
0x1d: {  	[tilespmem:v2+s2+$0x0] =	vst.idx.add.f32.msk $0xffff, v1;
	(pc) =	sbr.rel @p0 .LBB2_1-.Ltmp2, $4  }
0x1e: {  	[hbm4b:s4+s8] =	stream.strided.scatter [tilespmem:s2], [sflag:$0x1], $0x2780, s9, s8, $0x38;
	[tilespmem:$0x4F00] =	vst v63  }
0x1f: {  	_ =	swait.ge [sflag:s7], $0x2780  }
0x20: {  	[sflag:s7] =	ssyncset.done $0x0  }
0x21: {  	[sflag:s7] =	ssyncadd.s32 $0xFFFFD880  }
0x22: {  	_ =	sfence.sel $0x180000  }
0x23: {  	[bflag:$0x0] =	sbarrier.arrive $0xFFFF  }
0x24: {  	p0 =	sne.s32 s0, $0x0;
	_ =	strace $0x90000047  }
0x25: {  	s0 =	sadd.s32 @!p0 $0x100000, s1;
	[bflag:$0x2] =	sbarrier.arrive $0xFFFF  }
0x26: {  	[sflag:s0] =	ssyncadd.tile.s32 @!p0 $0x1;
	_ =	shalt  }
.Lfunc_end2:
_tile_overlayer_lowered:
.L_overlay_start_2:
0x27: {  	(tag) =	ssettag $0x2  }
0x28: {  	s0 =	rddreg [dreg:$0x0];
	s2 =	stileid.u32  }
0x29: {  	s1 =	rddreg [dreg:$0x1];
	p0 =	sne.s32 s2, $0x0  }
0x2a: {  	s3 =	rddreg [dreg:$0x2];
	[bflag:$0x3] =	sbarrier.arrive $0xFFFF;
	s2 =	simm.s32 @!p0 $0x1C01  }
0x2b: {  	[timem:s3], [sflag:s2] =	dma.local @!p0 [hbm:s0], s1  }
0x2c: {  	s0 =	simm.s32 @!p0 $0x1  }
0x2d: {  	_ =	swait.ge @!p0 [sflag:s0], s1  }
0x2e: {  	s1 =	ssub.s32 @!p0 $0x0, s1;
	[sflag:s0] =	ssyncset.done @!p0 $0x0  }
0x2f: {  	[sflag:s0] =	ssyncadd.s32 @!p0 s1  }
0x30: {  	[bflag:$0x3] =	sbarrier.arrive $0xFFFF  }
0x31: {  	_ =	shalt  }

</sc_bundles>
